<compile_context>
chip_gen: v7x
topology: tpu7x:2x2x1
jax: 0.10.2.dev20260603
libtpu: 0.0.44.dev20260713+nightly
codegen_flags: <defaults>
</compile_context>

<pallas_src>
import dataclasses
import functools

import jax
import jax.numpy as jnp
from jax import lax
from jax.experimental import pallas as pl
from jax.experimental.pallas import tpu as pltpu
from jax.experimental.pallas import tpu_sc as plsc

NC = 2
NS = 16
NW = NC * NS


def _sc_mesh():
    return plsc.VectorSubcoreMesh(core_axis_name="c", subcore_axis_name="s")


def _sc_params():
    cp = pltpu.CompilerParams()
    if "needs_layout_passes" in pltpu.CompilerParams.__dataclass_fields__:
        cp = dataclasses.replace(cp, needs_layout_passes=False)
    return cp


NSLOT = 4


def _hist_kernel(n_pad: int, e: int, ch: int):
    per_tile = e // NW
    nch = per_tile // ch
    niter = nch // NSLOT
    slc = n_pad // NS

    @functools.partial(
        pl.kernel,
        out_type=[jax.ShapeDtypeStruct((NC * n_pad,), jnp.float32),
                  jax.ShapeDtypeStruct((NW * n_pad,), jnp.float32)],
        mesh=_sc_mesh(),
        compiler_params=_sc_params(),
        scratch_types=(
            [pltpu.VMEM((ch,), jnp.int32) for _ in range(NSLOT)]
            + [pltpu.VMEM((n_pad,), jnp.float32),
               pltpu.VMEM((n_pad // NS,), jnp.float32)]
            + [pltpu.SemaphoreType.DMA for _ in range(NSLOT + 1)]
        ),
    )
    def hist(dst_hbm, out_hbm, hists_hbm, *refs):
        idx_v = refs[:NSLOT]
        h_v = refs[NSLOT]
        stg_v = refs[NSLOT + 1]
        sem_i = refs[NSLOT + 2: 2 * NSLOT + 2]
        sem_r = refs[2 * NSLOT + 2]
        c = lax.axis_index("c")
        s = lax.axis_index("s")

        zeros16 = jnp.full((16,), 0.0, jnp.float32)
        ones16 = jnp.full((16,), 1.0, jnp.float32)
        ch_main = (ch // 128) * 128

        @pl.loop(0, n_pad, step=128)
        def _(i):
            for u in range(8):
                h_v[pl.ds(i + u * 16, 16)] = zeros16

        base = (c * NS + s) * per_tile

        @pl.loop(0, niter)
        def _(j):
            kb = base + j * (NSLOT * ch)
            cp_i = [pltpu.async_copy(dst_hbm.at[pl.ds(kb + b * ch, ch)],
                                     idx_v[b], sem_i[b])
                    for b in range(NSLOT)]
            for b in range(NSLOT):
                cp_i[b].wait()

                @pl.loop(0, ch_main, step=128)
                def _(i):
                    for u in range(8):
                        plsc.addupdate_scatter(
                            h_v, [idx_v[b][pl.ds(i + u * 16, 16)]], ones16)

                @pl.loop(ch_main, ch, step=16)
                def _(i):
                    plsc.addupdate_scatter(h_v, [idx_v[b][pl.ds(i, 16)]],
                                           ones16)

        wid = c * NS + s
        pltpu.sync_copy(h_v, hists_hbm.at[pl.ds(wid * n_pad, n_pad)])
        plsc.subcore_barrier()

        cps = [pltpu.async_copy(
                   hists_hbm.at[pl.ds((c * NS + h) * n_pad + s * slc, slc)],
                   h_v.at[pl.ds(h * slc, slc)], sem_r)
               for h in range(NS)]
        for cp in cps:
            cp.wait()

        @pl.loop(0, slc, step=16)
        def _(i):
            acc = h_v[pl.ds(i, 16)]
            for h in range(1, NS):
                acc = acc + h_v[pl.ds(h * slc + i, 16)]
            stg_v[pl.ds(i, 16)] = acc

        pltpu.sync_copy(stg_v, out_hbm.at[pl.ds(c * n_pad + s * slc, slc)])

    return hist


def _msg_kernel(n_pad: int, e: int, ch: int):
    per_tile = e // NW
    nch = per_tile // ch
    niter = nch // NSLOT
    slc = n_pad // NS

    @functools.partial(
        pl.kernel,
        out_type=jax.ShapeDtypeStruct((NC * 2 * n_pad,), jnp.float32),
        mesh=_sc_mesh(),
        scratch_types=(
            [pltpu.VMEM((ch,), jnp.int32) for _ in range(2 * NSLOT)]
            + [pltpu.VMEM((ch,), jnp.float32) for _ in range(2 * NSLOT)]
            + [pltpu.VMEM((n_pad // NS,), jnp.float32),
               pltpu.VMEM_SHARED((n_pad,), jnp.float32),
               pltpu.VMEM_SHARED((n_pad,), jnp.float32),
               pltpu.VMEM_SHARED((n_pad,), jnp.float32),
               pltpu.VMEM_SHARED((n_pad,), jnp.float32)]
            + [pltpu.SemaphoreType.DMA for _ in range(3 * NSLOT)]
        ),
    )
    def msg(src_hbm, dst_hbm, q0_hbm, q1_hbm, out_hbm, *refs):
        src_v = refs[0:NSLOT]
        dst_v = refs[NSLOT:2 * NSLOT]
        m0_v = refs[2 * NSLOT:3 * NSLOT]
        m1_v = refs[3 * NSLOT:4 * NSLOT]
        stg_v = refs[4 * NSLOT]
        acc0_sh = refs[4 * NSLOT + 1]
        acc1_sh = refs[4 * NSLOT + 2]
        q0_sh = refs[4 * NSLOT + 3]
        q1_sh = refs[4 * NSLOT + 4]
        sem_i = refs[4 * NSLOT + 5: 5 * NSLOT + 5]
        sem_g = refs[5 * NSLOT + 5: 6 * NSLOT + 5]
        sem_s = refs[6 * NSLOT + 5: 7 * NSLOT + 5]
        c = lax.axis_index("c")
        s = lax.axis_index("s")

        pltpu.sync_copy(q0_hbm.at[pl.ds(s * slc, slc)], stg_v)
        pltpu.sync_copy(stg_v, q0_sh.at[pl.ds(s * slc, slc)])
        pltpu.sync_copy(q1_hbm.at[pl.ds(s * slc, slc)], stg_v)
        pltpu.sync_copy(stg_v, q1_sh.at[pl.ds(s * slc, slc)])

        @pl.loop(0, slc, step=16)
        def _(i):
            stg_v[pl.ds(i, 16)] = jnp.full((16,), 0.0, jnp.float32)

        pltpu.sync_copy(stg_v, acc0_sh.at[pl.ds(s * slc, slc)])
        pltpu.sync_copy(stg_v, acc1_sh.at[pl.ds(s * slc, slc)])
        plsc.subcore_barrier()

        base = (c * NS + s) * per_tile

        @pl.loop(0, niter)
        def _(j):
            kb = base + j * (NSLOT * ch)
            cp_i = []
            for b in range(NSLOT):
                cp_i.append((
                    pltpu.async_copy(src_hbm.at[pl.ds(kb + b * ch, ch)],
                                     src_v[b], sem_i[b]),
                    pltpu.async_copy(dst_hbm.at[pl.ds(kb + b * ch, ch)],
                                     dst_v[b], sem_i[b]),
                ))
            cp_g = []
            for b in range(NSLOT):
                cp_i[b][0].wait()
                cp_i[b][1].wait()
                cp_g.append((
                    pltpu.async_copy(q0_sh.at[src_v[b]], m0_v[b], sem_g[b]),
                    pltpu.async_copy(q1_sh.at[src_v[b]], m1_v[b], sem_g[b]),
                ))
            cp_s = []
            for b in range(NSLOT):
                cp_g[b][0].wait()
                cp_g[b][1].wait()
                cp_s.append((
                    pltpu.async_copy(m0_v[b], acc0_sh.at[dst_v[b]],
                                     sem_s[b], add=True),
                    pltpu.async_copy(m1_v[b], acc1_sh.at[dst_v[b]],
                                     sem_s[b], add=True),
                ))
            for b in range(NSLOT):
                cp_s[b][0].wait()
                cp_s[b][1].wait()

        plsc.subcore_barrier()
        pltpu.sync_copy(acc0_sh.at[pl.ds(s * slc, slc)], stg_v)
        pltpu.sync_copy(stg_v,
                        out_hbm.at[pl.ds((c * 2) * n_pad + s * slc, slc)])
        pltpu.sync_copy(acc1_sh.at[pl.ds(s * slc, slc)], stg_v)
        pltpu.sync_copy(stg_v,
                        out_hbm.at[pl.ds((c * 2 + 1) * n_pad + s * slc, slc)])

    return msg


def _glue_a(x2_ref, p_ref, dinv_ref, q_ref):
    deg = p_ref[0] + p_ref[1] + 1.0
    dinv = lax.rsqrt(deg)
    dinv_ref[...] = dinv
    q_ref[0] = x2_ref[0] * dinv
    q_ref[1] = x2_ref[1] * dinv


def _glue_b(acc_ref, q_ref, dinv_ref, w_ref, b_ref, o_ref):
    s0 = acc_ref[0, 0] + acc_ref[1, 0] + q_ref[0]
    s1 = acc_ref[0, 1] + acc_ref[1, 1] + q_ref[1]
    dinv = dinv_ref[...]
    for k in range(3):
        z = dinv * (s0 * w_ref[0, k] + s1 * w_ref[1, k]) + b_ref[0, k]
        o_ref[k] = jax.nn.sigmoid(z)


def kernel(x, edge_index, W, b):
    n = x.shape[0]
    e = edge_index.shape[1]
    n_pad = -(-n // 128) * 128
    while n_pad % (NS * 8) != 0:
        n_pad += 128
    r = n_pad // 128
    ch = 5000
    assert e % (NW * ch * NSLOT) == 0

    src = edge_index[0]
    dst = edge_index[1]
    p, _ = _hist_kernel(n_pad, e, 2000)(dst)

    xt = jnp.zeros((2, n_pad), jnp.float32).at[:, :n].set(x.T)
    x2 = xt.reshape(2, r, 128)
    p2 = p.reshape(NC, r, 128)
    dinv, qf = pl.pallas_call(
        _glue_a,
        out_shape=[
            jax.ShapeDtypeStruct((r, 128), jnp.float32),
            jax.ShapeDtypeStruct((2, r, 128), jnp.float32),
        ],
    )(x2, p2)

    q0 = qf[0].reshape(n_pad)
    q1 = qf[1].reshape(n_pad)
    acc = _msg_kernel(n_pad, e, ch)(src, dst, q0, q1)

    acc_t = acc.reshape(NC, 2, r, 128)
    o = pl.pallas_call(
        _glue_b,
        out_shape=jax.ShapeDtypeStruct((3, r, 128), jnp.float32),
    )(acc_t, qf, dinv, W, b.reshape(1, 3))
    return o.reshape(3, n_pad)[:, :n].T

# --- scband reference (transcript-rebuilt; emitter-appended) ---
"""Pipeline reference for scband-my-gnn-44839458570619 (READ-ONLY COPY).

The authoritative reference and input builder live on the scoring server;
editing this copy changes nothing except your own understanding.
"""

import jax, jax.numpy as jnp
import numpy as np

N = 100000
E = 6400000
IN_CH = 2
OUT_CH = 3

def setup_inputs(seed: int = 0) -> dict:
    key = jax.random.key(seed)
    k1, k2, k3, k4 = jax.random.split(key, 4)
    x = jax.random.normal(k1, (N, IN_CH), dtype=jnp.float32)
    edge_index = jax.random.randint(k2, (2, E), 0, N, dtype=jnp.int32)
    # GCNConv linear weight (glorot-style scale) and bias
    W = jax.random.normal(k3, (IN_CH, OUT_CH), dtype=jnp.float32) * (1.0 / np.sqrt(IN_CH))
    b = jnp.zeros((OUT_CH,), dtype=jnp.float32)
    return {"x": x, "edge_index": edge_index, "W": W, "b": b}

def reference(x, edge_index, W, b):
    n = x.shape[0]
    src = edge_index[0]
    dst = edge_index[1]
    # add self-loops (GCNConv default add_self_loops=True)
    loop = jnp.arange(n, dtype=src.dtype)
    src = jnp.concatenate([src, loop])
    dst = jnp.concatenate([dst, loop])
    # symmetric normalization: deg computed on destination nodes
    deg = jnp.zeros((n,), dtype=jnp.float32).at[dst].add(1.0)
    deg_inv_sqrt = jnp.where(deg > 0, 1.0 / jnp.sqrt(deg), 0.0)
    norm = deg_inv_sqrt[src] * deg_inv_sqrt[dst]
    # linear transform first (PyG GCNConv applies lin before propagate)
    h = x @ W
    # gather -> scale -> scatter-add
    msg = h[src] * norm[:, None]
    out = jnp.zeros((n, h.shape[1]), dtype=jnp.float32).at[dst].add(msg)
    out = out + b
    return jax.nn.sigmoid(out)

if __name__ == "__main__":
    import jax
    _d = setup_inputs()
    print(jax.jit(kernel)(*tuple(_d.values())))

</pallas_src>

<mosaic_0001>
#map = affine_map<(d0, d1) -> (0)>
module attributes {stable_mosaic.version = 14 : i64} {
  func.func @msg(%arg0: i32, %arg1: i32, %arg2: memref<6400000xi32, #tpu.memory_space<hbm>>, %arg3: memref<6400000xi32, #tpu.memory_space<hbm>>, %arg4: memref<100096xf32, #tpu.memory_space<hbm>>, %arg5: memref<100096xf32, #tpu.memory_space<hbm>>, %arg6: memref<400384xf32, #tpu.memory_space<hbm>>, %arg7: memref<5000xi32, #tpu.memory_space<vmem>>, %arg8: memref<5000xi32, #tpu.memory_space<vmem>>, %arg9: memref<5000xi32, #tpu.memory_space<vmem>>, %arg10: memref<5000xi32, #tpu.memory_space<vmem>>, %arg11: memref<5000xi32, #tpu.memory_space<vmem>>, %arg12: memref<5000xi32, #tpu.memory_space<vmem>>, %arg13: memref<5000xi32, #tpu.memory_space<vmem>>, %arg14: memref<5000xi32, #tpu.memory_space<vmem>>, %arg15: memref<5000xf32, #tpu.memory_space<vmem>>, %arg16: memref<5000xf32, #tpu.memory_space<vmem>>, %arg17: memref<5000xf32, #tpu.memory_space<vmem>>, %arg18: memref<5000xf32, #tpu.memory_space<vmem>>, %arg19: memref<5000xf32, #tpu.memory_space<vmem>>, %arg20: memref<5000xf32, #tpu.memory_space<vmem>>, %arg21: memref<5000xf32, #tpu.memory_space<vmem>>, %arg22: memref<5000xf32, #tpu.memory_space<vmem>>, %arg23: memref<6256xf32, #tpu.memory_space<vmem>>, %arg24: memref<100096xf32, #tpu.memory_space<vmem_shared>>, %arg25: memref<100096xf32, #tpu.memory_space<vmem_shared>>, %arg26: memref<100096xf32, #tpu.memory_space<vmem_shared>>, %arg27: memref<100096xf32, #tpu.memory_space<vmem_shared>>, %arg28: memref<!tpu.dma_semaphore, #tpu.memory_space<semaphore_mem>>, %arg29: memref<!tpu.dma_semaphore, #tpu.memory_space<semaphore_mem>>, %arg30: memref<!tpu.dma_semaphore, #tpu.memory_space<semaphore_mem>>, %arg31: memref<!tpu.dma_semaphore, #tpu.memory_space<semaphore_mem>>, %arg32: memref<!tpu.dma_semaphore, #tpu.memory_space<semaphore_mem>>, %arg33: memref<!tpu.dma_semaphore, #tpu.memory_space<semaphore_mem>>, %arg34: memref<!tpu.dma_semaphore, #tpu.memory_space<semaphore_mem>>, %arg35: memref<!tpu.dma_semaphore, #tpu.memory_space<semaphore_mem>>, %arg36: memref<!tpu.dma_semaphore, #tpu.memory_space<semaphore_mem>>, %arg37: memref<!tpu.dma_semaphore, #tpu.memory_space<semaphore_mem>>, %arg38: memref<!tpu.dma_semaphore, #tpu.memory_space<semaphore_mem>>, %arg39: memref<!tpu.dma_semaphore, #tpu.memory_space<semaphore_mem>>) attributes {dimension_semantics = [#tpu.dimension_semantics<core_parallel>, #tpu.dimension_semantics<subcore_parallel>], iteration_bounds = array<i64: 2, 16>, scalar_prefetch = 0 : i64, scratch_operands = 33 : i64, tpu.core_type = #tpu.core_type<sc_vector_subcore>, window_params = [{transform_indices = #map}, {transform_indices = #map}, {transform_indices = #map}, {transform_indices = #map}, {transform_indices = #map}]} {
    %mul3A = arith.constant 6256 : i32
    %mul3A_0 = arith.muli %arg1, %mul3A : i32
    "tpu.region"() ({
      %run_scoped3A = tpu.sem_alloc : memref<!tpu.dma_semaphore, #tpu.memory_space<semaphore_mem>>
      %dma_start3A = tpu.memref_slice %arg4[%mul3A_0] : memref<100096xf32, #tpu.memory_space<hbm>> -> memref<6256xf32, #tpu.memory_space<hbm>>
      %dma_start3A_45 = tpu.memref_slice %arg4[%mul3A_0] : memref<100096xf32, #tpu.memory_space<hbm>> -> memref<6256xf32, #tpu.memory_space<hbm>>
      tpu.enqueue_dma source(%dma_start3A_45 : memref<6256xf32, #tpu.memory_space<hbm>>) target(%arg23 : memref<6256xf32, #tpu.memory_space<vmem>>) target_semaphore(%run_scoped3A : memref<!tpu.dma_semaphore, #tpu.memory_space<semaphore_mem>>)
      %dma_wait3A = tpu.memref_slice %arg4[%mul3A_0] : memref<100096xf32, #tpu.memory_space<hbm>> -> memref<6256xf32, #tpu.memory_space<hbm>>
      %dma_wait3A_46 = tpu.memref_slice %arg4[%mul3A_0] : memref<100096xf32, #tpu.memory_space<hbm>> -> memref<6256xf32, #tpu.memory_space<hbm>>
      tpu.wait_dma2 semaphore(%run_scoped3A : memref<!tpu.dma_semaphore, #tpu.memory_space<semaphore_mem>>) src(%dma_wait3A_46 : memref<6256xf32, #tpu.memory_space<hbm>>) dst(%arg23 : memref<6256xf32, #tpu.memory_space<vmem>>)
      tpu.yield
    }) : () -> ()
    %mul3A_1 = arith.constant 6256 : i32
    %mul3A_2 = arith.muli %arg1, %mul3A_1 : i32
    "tpu.region"() ({
      %run_scoped3A = tpu.sem_alloc : memref<!tpu.dma_semaphore, #tpu.memory_space<semaphore_mem>>
      %dma_start3A = tpu.memref_slice %arg26[%mul3A_2] : memref<100096xf32, #tpu.memory_space<vmem_shared>> -> memref<6256xf32, #tpu.memory_space<vmem_shared>>
      %dma_start3A_45 = tpu.memref_slice %arg26[%mul3A_2] : memref<100096xf32, #tpu.memory_space<vmem_shared>> -> memref<6256xf32, #tpu.memory_space<vmem_shared>>
      tpu.enqueue_dma source(%arg23 : memref<6256xf32, #tpu.memory_space<vmem>>) target(%dma_start3A_45 : memref<6256xf32, #tpu.memory_space<vmem_shared>>) target_semaphore(%run_scoped3A : memref<!tpu.dma_semaphore, #tpu.memory_space<semaphore_mem>>)
      %dma_wait3A = tpu.memref_slice %arg26[%mul3A_2] : memref<100096xf32, #tpu.memory_space<vmem_shared>> -> memref<6256xf32, #tpu.memory_space<vmem_shared>>
      %dma_wait3A_46 = tpu.memref_slice %arg26[%mul3A_2] : memref<100096xf32, #tpu.memory_space<vmem_shared>> -> memref<6256xf32, #tpu.memory_space<vmem_shared>>
      tpu.wait_dma2 semaphore(%run_scoped3A : memref<!tpu.dma_semaphore, #tpu.memory_space<semaphore_mem>>) src(%arg23 : memref<6256xf32, #tpu.memory_space<vmem>>) dst(%dma_wait3A_46 : memref<6256xf32, #tpu.memory_space<vmem_shared>>)
      tpu.yield
    }) : () -> ()
    %mul3A_3 = arith.constant 6256 : i32
    %mul3A_4 = arith.muli %arg1, %mul3A_3 : i32
    "tpu.region"() ({
      %run_scoped3A = tpu.sem_alloc : memref<!tpu.dma_semaphore, #tpu.memory_space<semaphore_mem>>
      %dma_start3A = tpu.memref_slice %arg5[%mul3A_4] : memref<100096xf32, #tpu.memory_space<hbm>> -> memref<6256xf32, #tpu.memory_space<hbm>>
      %dma_start3A_45 = tpu.memref_slice %arg5[%mul3A_4] : memref<100096xf32, #tpu.memory_space<hbm>> -> memref<6256xf32, #tpu.memory_space<hbm>>
      tpu.enqueue_dma source(%dma_start3A_45 : memref<6256xf32, #tpu.memory_space<hbm>>) target(%arg23 : memref<6256xf32, #tpu.memory_space<vmem>>) target_semaphore(%run_scoped3A : memref<!tpu.dma_semaphore, #tpu.memory_space<semaphore_mem>>)
      %dma_wait3A = tpu.memref_slice %arg5[%mul3A_4] : memref<100096xf32, #tpu.memory_space<hbm>> -> memref<6256xf32, #tpu.memory_space<hbm>>
      %dma_wait3A_46 = tpu.memref_slice %arg5[%mul3A_4] : memref<100096xf32, #tpu.memory_space<hbm>> -> memref<6256xf32, #tpu.memory_space<hbm>>
      tpu.wait_dma2 semaphore(%run_scoped3A : memref<!tpu.dma_semaphore, #tpu.memory_space<semaphore_mem>>) src(%dma_wait3A_46 : memref<6256xf32, #tpu.memory_space<hbm>>) dst(%arg23 : memref<6256xf32, #tpu.memory_space<vmem>>)
      tpu.yield
    }) : () -> ()
    %mul3A_5 = arith.constant 6256 : i32
    %mul3A_6 = arith.muli %arg1, %mul3A_5 : i32
    "tpu.region"() ({
      %run_scoped3A = tpu.sem_alloc : memref<!tpu.dma_semaphore, #tpu.memory_space<semaphore_mem>>
      %dma_start3A = tpu.memref_slice %arg27[%mul3A_6] : memref<100096xf32, #tpu.memory_space<vmem_shared>> -> memref<6256xf32, #tpu.memory_space<vmem_shared>>
      %dma_start3A_45 = tpu.memref_slice %arg27[%mul3A_6] : memref<100096xf32, #tpu.memory_space<vmem_shared>> -> memref<6256xf32, #tpu.memory_space<vmem_shared>>
      tpu.enqueue_dma source(%arg23 : memref<6256xf32, #tpu.memory_space<vmem>>) target(%dma_start3A_45 : memref<6256xf32, #tpu.memory_space<vmem_shared>>) target_semaphore(%run_scoped3A : memref<!tpu.dma_semaphore, #tpu.memory_space<semaphore_mem>>)
      %dma_wait3A = tpu.memref_slice %arg27[%mul3A_6] : memref<100096xf32, #tpu.memory_space<vmem_shared>> -> memref<6256xf32, #tpu.memory_space<vmem_shared>>
      %dma_wait3A_46 = tpu.memref_slice %arg27[%mul3A_6] : memref<100096xf32, #tpu.memory_space<vmem_shared>> -> memref<6256xf32, #tpu.memory_space<vmem_shared>>
      tpu.wait_dma2 semaphore(%run_scoped3A : memref<!tpu.dma_semaphore, #tpu.memory_space<semaphore_mem>>) src(%arg23 : memref<6256xf32, #tpu.memory_space<vmem>>) dst(%dma_wait3A_46 : memref<6256xf32, #tpu.memory_space<vmem_shared>>)
      tpu.yield
    }) : () -> ()
    %scan3A = arith.constant 0 : i32
    %scan3A_7 = arith.constant 391 : i32
    %scan3A_8 = arith.addi %scan3A, %scan3A_7 : i32
    %scan3A_9 = arith.constant 1 : i32
    scf.for %scan3A_45 = %scan3A to %scan3A_8 step %scan3A_9  : i32 {
      %mul3A_46 = arith.constant 16 : i32
      %mul3A_47 = arith.muli %scan3A_45, %mul3A_46 : i32
      %add3A_48 = arith.constant 0 : i32
      %add3A_49 = arith.addi %add3A_48, %mul3A_47 : i32
      %broadcast_in_dim3A = arith.constant 0.000000e+00 : f32
      %broadcast_in_dim3A_50 = vector.broadcast %broadcast_in_dim3A : f32 to vector<16xf32>
      %swap3A = arith.index_cast %add3A_49 : i32 to index
      %swap3A_51 = tpu.vector_load %arg23[%swap3A] {strides = array<i32>} : memref<6256xf32, #tpu.memory_space<vmem>>, vector<16xf32>,
      tpu.vector_store %arg23[%swap3A], %broadcast_in_dim3A_50 {strides = array<i32>} : memref<6256xf32, #tpu.memory_space<vmem>>, vector<16xf32>,
    }
    %scan3A_10 = arith.constant 391 : i32
    %mul3A_11 = arith.constant 6256 : i32
    %mul3A_12 = arith.muli %arg1, %mul3A_11 : i32
    "tpu.region"() ({
      %run_scoped3A = tpu.sem_alloc : memref<!tpu.dma_semaphore, #tpu.memory_space<semaphore_mem>>
      %dma_start3A = tpu.memref_slice %arg24[%mul3A_12] : memref<100096xf32, #tpu.memory_space<vmem_shared>> -> memref<6256xf32, #tpu.memory_space<vmem_shared>>
      %dma_start3A_45 = tpu.memref_slice %arg24[%mul3A_12] : memref<100096xf32, #tpu.memory_space<vmem_shared>> -> memref<6256xf32, #tpu.memory_space<vmem_shared>>
      tpu.enqueue_dma source(%arg23 : memref<6256xf32, #tpu.memory_space<vmem>>) target(%dma_start3A_45 : memref<6256xf32, #tpu.memory_space<vmem_shared>>) target_semaphore(%run_scoped3A : memref<!tpu.dma_semaphore, #tpu.memory_space<semaphore_mem>>)
      %dma_wait3A = tpu.memref_slice %arg24[%mul3A_12] : memref<100096xf32, #tpu.memory_space<vmem_shared>> -> memref<6256xf32, #tpu.memory_space<vmem_shared>>
      %dma_wait3A_46 = tpu.memref_slice %arg24[%mul3A_12] : memref<100096xf32, #tpu.memory_space<vmem_shared>> -> memref<6256xf32, #tpu.memory_space<vmem_shared>>
      tpu.wait_dma2 semaphore(%run_scoped3A : memref<!tpu.dma_semaphore, #tpu.memory_space<semaphore_mem>>) src(%arg23 : memref<6256xf32, #tpu.memory_space<vmem>>) dst(%dma_wait3A_46 : memref<6256xf32, #tpu.memory_space<vmem_shared>>)
      tpu.yield
    }) : () -> ()
    %mul3A_13 = arith.constant 6256 : i32
    %mul3A_14 = arith.muli %arg1, %mul3A_13 : i32
    "tpu.region"() ({
      %run_scoped3A = tpu.sem_alloc : memref<!tpu.dma_semaphore, #tpu.memory_space<semaphore_mem>>
      %dma_start3A = tpu.memref_slice %arg25[%mul3A_14] : memref<100096xf32, #tpu.memory_space<vmem_shared>> -> memref<6256xf32, #tpu.memory_space<vmem_shared>>
      %dma_start3A_45 = tpu.memref_slice %arg25[%mul3A_14] : memref<100096xf32, #tpu.memory_space<vmem_shared>> -> memref<6256xf32, #tpu.memory_space<vmem_shared>>
      tpu.enqueue_dma source(%arg23 : memref<6256xf32, #tpu.memory_space<vmem>>) target(%dma_start3A_45 : memref<6256xf32, #tpu.memory_space<vmem_shared>>) target_semaphore(%run_scoped3A : memref<!tpu.dma_semaphore, #tpu.memory_space<semaphore_mem>>)
      %dma_wait3A = tpu.memref_slice %arg25[%mul3A_14] : memref<100096xf32, #tpu.memory_space<vmem_shared>> -> memref<6256xf32, #tpu.memory_space<vmem_shared>>
      %dma_wait3A_46 = tpu.memref_slice %arg25[%mul3A_14] : memref<100096xf32, #tpu.memory_space<vmem_shared>> -> memref<6256xf32, #tpu.memory_space<vmem_shared>>
      tpu.wait_dma2 semaphore(%run_scoped3A : memref<!tpu.dma_semaphore, #tpu.memory_space<semaphore_mem>>) src(%arg23 : memref<6256xf32, #tpu.memory_space<vmem>>) dst(%dma_wait3A_46 : memref<6256xf32, #tpu.memory_space<vmem_shared>>)
      tpu.yield
    }) : () -> ()
    %barrier3A = arith.constant 0 : index
    tpu.barrier barrier_id(%barrier3A)
    %mul3A_15 = arith.constant 16 : i32
    %mul3A_16 = arith.muli %arg0, %mul3A_15 : i32
    %add3A = arith.addi %mul3A_16, %arg1 : i32
    %mul3A_17 = arith.constant 200000 : i32
    %mul3A_18 = arith.muli %add3A, %mul3A_17 : i32
    %scan3A_19 = arith.constant 0 : i32
    %scan3A_20 = arith.constant 10 : i32
    %scan3A_21 = arith.addi %scan3A_19, %scan3A_20 : i32
    %scan3A_22 = arith.constant 1 : i32
    scf.for %scan3A_45 = %scan3A_19 to %scan3A_21 step %scan3A_22  : i32 {
      %mul3A_46 = arith.constant 1 : i32
      %mul3A_47 = arith.muli %scan3A_45, %mul3A_46 : i32
      %add3A_48 = arith.constant 0 : i32
      %add3A_49 = arith.addi %add3A_48, %mul3A_47 : i32
      %mul3A_50 = arith.constant 20000 : i32
      %mul3A_51 = arith.muli %add3A_49, %mul3A_50 : i32
      %add3A_52 = arith.addi %mul3A_18, %mul3A_51 : i32
      %add3A_53 = arith.constant 0 : i32
      %add3A_54 = arith.addi %add3A_52, %add3A_53 : i32
      %dma_start3A = tpu.memref_slice %arg2[%add3A_54] : memref<6400000xi32, #tpu.memory_space<hbm>> -> memref<5000xi32, #tpu.memory_space<hbm>>
      %dma_start3A_55 = tpu.memref_slice %arg2[%add3A_54] : memref<6400000xi32, #tpu.memory_space<hbm>> -> memref<5000xi32, #tpu.memory_space<hbm>>
      tpu.enqueue_dma source(%dma_start3A_55 : memref<5000xi32, #tpu.memory_space<hbm>>) target(%arg7 : memref<5000xi32, #tpu.memory_space<vmem>>) target_semaphore(%arg28 : memref<!tpu.dma_semaphore, #tpu.memory_space<semaphore_mem>>)
      %add3A_56 = arith.constant 0 : i32
      %add3A_57 = arith.addi %add3A_52, %add3A_56 : i32
      %dma_start3A_58 = tpu.memref_slice %arg3[%add3A_57] : memref<6400000xi32, #tpu.memory_space<hbm>> -> memref<5000xi32, #tpu.memory_space<hbm>>
      %dma_start3A_59 = tpu.memref_slice %arg3[%add3A_57] : memref<6400000xi32, #tpu.memory_space<hbm>> -> memref<5000xi32, #tpu.memory_space<hbm>>
      tpu.enqueue_dma source(%dma_start3A_59 : memref<5000xi32, #tpu.memory_space<hbm>>) target(%arg11 : memref<5000xi32, #tpu.memory_space<vmem>>) target_semaphore(%arg28 : memref<!tpu.dma_semaphore, #tpu.memory_space<semaphore_mem>>)
      %add3A_60 = arith.constant 5000 : i32
      %add3A_61 = arith.addi %add3A_52, %add3A_60 : i32
      %dma_start3A_62 = tpu.memref_slice %arg2[%add3A_61] : memref<6400000xi32, #tpu.memory_space<hbm>> -> memref<5000xi32, #tpu.memory_space<hbm>>
      %dma_start3A_63 = tpu.memref_slice %arg2[%add3A_61] : memref<6400000xi32, #tpu.memory_space<hbm>> -> memref<5000xi32, #tpu.memory_space<hbm>>
      tpu.enqueue_dma source(%dma_start3A_63 : memref<5000xi32, #tpu.memory_space<hbm>>) target(%arg8 : memref<5000xi32, #tpu.memory_space<vmem>>) target_semaphore(%arg29 : memref<!tpu.dma_semaphore, #tpu.memory_space<semaphore_mem>>)
      %add3A_64 = arith.constant 5000 : i32
      %add3A_65 = arith.addi %add3A_52, %add3A_64 : i32
      %dma_start3A_66 = tpu.memref_slice %arg3[%add3A_65] : memref<6400000xi32, #tpu.memory_space<hbm>> -> memref<5000xi32, #tpu.memory_space<hbm>>
      %dma_start3A_67 = tpu.memref_slice %arg3[%add3A_65] : memref<6400000xi32, #tpu.memory_space<hbm>> -> memref<5000xi32, #tpu.memory_space<hbm>>
      tpu.enqueue_dma source(%dma_start3A_67 : memref<5000xi32, #tpu.memory_space<hbm>>) target(%arg12 : memref<5000xi32, #tpu.memory_space<vmem>>) target_semaphore(%arg29 : memref<!tpu.dma_semaphore, #tpu.memory_space<semaphore_mem>>)
      %add3A_68 = arith.constant 10000 : i32
      %add3A_69 = arith.addi %add3A_52, %add3A_68 : i32
      %dma_start3A_70 = tpu.memref_slice %arg2[%add3A_69] : memref<6400000xi32, #tpu.memory_space<hbm>> -> memref<5000xi32, #tpu.memory_space<hbm>>
      %dma_start3A_71 = tpu.memref_slice %arg2[%add3A_69] : memref<6400000xi32, #tpu.memory_space<hbm>> -> memref<5000xi32, #tpu.memory_space<hbm>>
      tpu.enqueue_dma source(%dma_start3A_71 : memref<5000xi32, #tpu.memory_space<hbm>>) target(%arg9 : memref<5000xi32, #tpu.memory_space<vmem>>) target_semaphore(%arg30 : memref<!tpu.dma_semaphore, #tpu.memory_space<semaphore_mem>>)
      %add3A_72 = arith.constant 10000 : i32
      %add3A_73 = arith.addi %add3A_52, %add3A_72 : i32
      %dma_start3A_74 = tpu.memref_slice %arg3[%add3A_73] : memref<6400000xi32, #tpu.memory_space<hbm>> -> memref<5000xi32, #tpu.memory_space<hbm>>
      %dma_start3A_75 = tpu.memref_slice %arg3[%add3A_73] : memref<6400000xi32, #tpu.memory_space<hbm>> -> memref<5000xi32, #tpu.memory_space<hbm>>
      tpu.enqueue_dma source(%dma_start3A_75 : memref<5000xi32, #tpu.memory_space<hbm>>) target(%arg13 : memref<5000xi32, #tpu.memory_space<vmem>>) target_semaphore(%arg30 : memref<!tpu.dma_semaphore, #tpu.memory_space<semaphore_mem>>)
      %add3A_76 = arith.constant 15000 : i32
      %add3A_77 = arith.addi %add3A_52, %add3A_76 : i32
      %dma_start3A_78 = tpu.memref_slice %arg2[%add3A_77] : memref<6400000xi32, #tpu.memory_space<hbm>> -> memref<5000xi32, #tpu.memory_space<hbm>>
      %dma_start3A_79 = tpu.memref_slice %arg2[%add3A_77] : memref<6400000xi32, #tpu.memory_space<hbm>> -> memref<5000xi32, #tpu.memory_space<hbm>>
      tpu.enqueue_dma source(%dma_start3A_79 : memref<5000xi32, #tpu.memory_space<hbm>>) target(%arg10 : memref<5000xi32, #tpu.memory_space<vmem>>) target_semaphore(%arg31 : memref<!tpu.dma_semaphore, #tpu.memory_space<semaphore_mem>>)
      %add3A_80 = arith.constant 15000 : i32
      %add3A_81 = arith.addi %add3A_52, %add3A_80 : i32
      %dma_start3A_82 = tpu.memref_slice %arg3[%add3A_81] : memref<6400000xi32, #tpu.memory_space<hbm>> -> memref<5000xi32, #tpu.memory_space<hbm>>
      %dma_start3A_83 = tpu.memref_slice %arg3[%add3A_81] : memref<6400000xi32, #tpu.memory_space<hbm>> -> memref<5000xi32, #tpu.memory_space<hbm>>
      tpu.enqueue_dma source(%dma_start3A_83 : memref<5000xi32, #tpu.memory_space<hbm>>) target(%arg14 : memref<5000xi32, #tpu.memory_space<vmem>>) target_semaphore(%arg31 : memref<!tpu.dma_semaphore, #tpu.memory_space<semaphore_mem>>)
      %dma_wait3A = tpu.memref_slice %arg2[%add3A_54] : memref<6400000xi32, #tpu.memory_space<hbm>> -> memref<5000xi32, #tpu.memory_space<hbm>>
      %dma_wait3A_84 = tpu.memref_slice %arg2[%add3A_54] : memref<6400000xi32, #tpu.memory_space<hbm>> -> memref<5000xi32, #tpu.memory_space<hbm>>
      tpu.wait_dma2 semaphore(%arg28 : memref<!tpu.dma_semaphore, #tpu.memory_space<semaphore_mem>>) src(%dma_wait3A_84 : memref<5000xi32, #tpu.memory_space<hbm>>) dst(%arg7 : memref<5000xi32, #tpu.memory_space<vmem>>)
      %dma_wait3A_85 = tpu.memref_slice %arg3[%add3A_57] : memref<6400000xi32, #tpu.memory_space<hbm>> -> memref<5000xi32, #tpu.memory_space<hbm>>
      %dma_wait3A_86 = tpu.memref_slice %arg3[%add3A_57] : memref<6400000xi32, #tpu.memory_space<hbm>> -> memref<5000xi32, #tpu.memory_space<hbm>>
      tpu.wait_dma2 semaphore(%arg28 : memref<!tpu.dma_semaphore, #tpu.memory_space<semaphore_mem>>) src(%dma_wait3A_86 : memref<5000xi32, #tpu.memory_space<hbm>>) dst(%arg11 : memref<5000xi32, #tpu.memory_space<vmem>>)
      %dma_start3A_87 = arith.constant 0 : i32
      %dma_start3A_88 = tpu.memref_slice %arg26[%dma_start3A_87] : memref<100096xf32, #tpu.memory_space<vmem_shared>> -> memref<100096xf32, #tpu.memory_space<vmem_shared>>
      tpu.enqueue_indirect_dma source(%dma_start3A_88 : memref<100096xf32, #tpu.memory_space<vmem_shared>>) target(%arg15 : memref<5000xf32, #tpu.memory_space<vmem>>) offsets(%arg7 : memref<5000xi32, #tpu.memory_space<vmem>>) semaphore(%arg32 : memref<!tpu.dma_semaphore, #tpu.memory_space<semaphore_mem>>)
      %dma_start3A_89 = arith.constant 0 : i32
      %dma_start3A_90 = tpu.memref_slice %arg27[%dma_start3A_89] : memref<100096xf32, #tpu.memory_space<vmem_shared>> -> memref<100096xf32, #tpu.memory_space<vmem_shared>>
      tpu.enqueue_indirect_dma source(%dma_start3A_90 : memref<100096xf32, #tpu.memory_space<vmem_shared>>) target(%arg19 : memref<5000xf32, #tpu.memory_space<vmem>>) offsets(%arg7 : memref<5000xi32, #tpu.memory_space<vmem>>) semaphore(%arg32 : memref<!tpu.dma_semaphore, #tpu.memory_space<semaphore_mem>>)
      %dma_wait3A_91 = tpu.memref_slice %arg2[%add3A_61] : memref<6400000xi32, #tpu.memory_space<hbm>> -> memref<5000xi32, #tpu.memory_space<hbm>>
      %dma_wait3A_92 = tpu.memref_slice %arg2[%add3A_61] : memref<6400000xi32, #tpu.memory_space<hbm>> -> memref<5000xi32, #tpu.memory_space<hbm>>
      tpu.wait_dma2 semaphore(%arg29 : memref<!tpu.dma_semaphore, #tpu.memory_space<semaphore_mem>>) src(%dma_wait3A_92 : memref<5000xi32, #tpu.memory_space<hbm>>) dst(%arg8 : memref<5000xi32, #tpu.memory_space<vmem>>)
      %dma_wait3A_93 = tpu.memref_slice %arg3[%add3A_65] : memref<6400000xi32, #tpu.memory_space<hbm>> -> memref<5000xi32, #tpu.memory_space<hbm>>
      %dma_wait3A_94 = tpu.memref_slice %arg3[%add3A_65] : memref<6400000xi32, #tpu.memory_space<hbm>> -> memref<5000xi32, #tpu.memory_space<hbm>>
      tpu.wait_dma2 semaphore(%arg29 : memref<!tpu.dma_semaphore, #tpu.memory_space<semaphore_mem>>) src(%dma_wait3A_94 : memref<5000xi32, #tpu.memory_space<hbm>>) dst(%arg12 : memref<5000xi32, #tpu.memory_space<vmem>>)
      %dma_start3A_95 = arith.constant 0 : i32
      %dma_start3A_96 = tpu.memref_slice %arg26[%dma_start3A_95] : memref<100096xf32, #tpu.memory_space<vmem_shared>> -> memref<100096xf32, #tpu.memory_space<vmem_shared>>
      tpu.enqueue_indirect_dma source(%dma_start3A_96 : memref<100096xf32, #tpu.memory_space<vmem_shared>>) target(%arg16 : memref<5000xf32, #tpu.memory_space<vmem>>) offsets(%arg8 : memref<5000xi32, #tpu.memory_space<vmem>>) semaphore(%arg33 : memref<!tpu.dma_semaphore, #tpu.memory_space<semaphore_mem>>)
      %dma_start3A_97 = arith.constant 0 : i32
      %dma_start3A_98 = tpu.memref_slice %arg27[%dma_start3A_97] : memref<100096xf32, #tpu.memory_space<vmem_shared>> -> memref<100096xf32, #tpu.memory_space<vmem_shared>>
      tpu.enqueue_indirect_dma source(%dma_start3A_98 : memref<100096xf32, #tpu.memory_space<vmem_shared>>) target(%arg20 : memref<5000xf32, #tpu.memory_space<vmem>>) offsets(%arg8 : memref<5000xi32, #tpu.memory_space<vmem>>) semaphore(%arg33 : memref<!tpu.dma_semaphore, #tpu.memory_space<semaphore_mem>>)
      %dma_wait3A_99 = tpu.memref_slice %arg2[%add3A_69] : memref<6400000xi32, #tpu.memory_space<hbm>> -> memref<5000xi32, #tpu.memory_space<hbm>>
      %dma_wait3A_100 = tpu.memref_slice %arg2[%add3A_69] : memref<6400000xi32, #tpu.memory_space<hbm>> -> memref<5000xi32, #tpu.memory_space<hbm>>
      tpu.wait_dma2 semaphore(%arg30 : memref<!tpu.dma_semaphore, #tpu.memory_space<semaphore_mem>>) src(%dma_wait3A_100 : memref<5000xi32, #tpu.memory_space<hbm>>) dst(%arg9 : memref<5000xi32, #tpu.memory_space<vmem>>)
      %dma_wait3A_101 = tpu.memref_slice %arg3[%add3A_73] : memref<6400000xi32, #tpu.memory_space<hbm>> -> memref<5000xi32, #tpu.memory_space<hbm>>
      %dma_wait3A_102 = tpu.memref_slice %arg3[%add3A_73] : memref<6400000xi32, #tpu.memory_space<hbm>> -> memref<5000xi32, #tpu.memory_space<hbm>>
      tpu.wait_dma2 semaphore(%arg30 : memref<!tpu.dma_semaphore, #tpu.memory_space<semaphore_mem>>) src(%dma_wait3A_102 : memref<5000xi32, #tpu.memory_space<hbm>>) dst(%arg13 : memref<5000xi32, #tpu.memory_space<vmem>>)
      %dma_start3A_103 = arith.constant 0 : i32
      %dma_start3A_104 = tpu.memref_slice %arg26[%dma_start3A_103] : memref<100096xf32, #tpu.memory_space<vmem_shared>> -> memref<100096xf32, #tpu.memory_space<vmem_shared>>
      tpu.enqueue_indirect_dma source(%dma_start3A_104 : memref<100096xf32, #tpu.memory_space<vmem_shared>>) target(%arg17 : memref<5000xf32, #tpu.memory_space<vmem>>) offsets(%arg9 : memref<5000xi32, #tpu.memory_space<vmem>>) semaphore(%arg34 : memref<!tpu.dma_semaphore, #tpu.memory_space<semaphore_mem>>)
      %dma_start3A_105 = arith.constant 0 : i32
      %dma_start3A_106 = tpu.memref_slice %arg27[%dma_start3A_105] : memref<100096xf32, #tpu.memory_space<vmem_shared>> -> memref<100096xf32, #tpu.memory_space<vmem_shared>>
      tpu.enqueue_indirect_dma source(%dma_start3A_106 : memref<100096xf32, #tpu.memory_space<vmem_shared>>) target(%arg21 : memref<5000xf32, #tpu.memory_space<vmem>>) offsets(%arg9 : memref<5000xi32, #tpu.memory_space<vmem>>) semaphore(%arg34 : memref<!tpu.dma_semaphore, #tpu.memory_space<semaphore_mem>>)
      %dma_wait3A_107 = tpu.memref_slice %arg2[%add3A_77] : memref<6400000xi32, #tpu.memory_space<hbm>> -> memref<5000xi32, #tpu.memory_space<hbm>>
      %dma_wait3A_108 = tpu.memref_slice %arg2[%add3A_77] : memref<6400000xi32, #tpu.memory_space<hbm>> -> memref<5000xi32, #tpu.memory_space<hbm>>
      tpu.wait_dma2 semaphore(%arg31 : memref<!tpu.dma_semaphore, #tpu.memory_space<semaphore_mem>>) src(%dma_wait3A_108 : memref<5000xi32, #tpu.memory_space<hbm>>) dst(%arg10 : memref<5000xi32, #tpu.memory_space<vmem>>)
      %dma_wait3A_109 = tpu.memref_slice %arg3[%add3A_81] : memref<6400000xi32, #tpu.memory_space<hbm>> -> memref<5000xi32, #tpu.memory_space<hbm>>
      %dma_wait3A_110 = tpu.memref_slice %arg3[%add3A_81] : memref<6400000xi32, #tpu.memory_space<hbm>> -> memref<5000xi32, #tpu.memory_space<hbm>>
      tpu.wait_dma2 semaphore(%arg31 : memref<!tpu.dma_semaphore, #tpu.memory_space<semaphore_mem>>) src(%dma_wait3A_110 : memref<5000xi32, #tpu.memory_space<hbm>>) dst(%arg14 : memref<5000xi32, #tpu.memory_space<vmem>>)
      %dma_start3A_111 = arith.constant 0 : i32
      %dma_start3A_112 = tpu.memref_slice %arg26[%dma_start3A_111] : memref<100096xf32, #tpu.memory_space<vmem_shared>> -> memref<100096xf32, #tpu.memory_space<vmem_shared>>
      tpu.enqueue_indirect_dma source(%dma_start3A_112 : memref<100096xf32, #tpu.memory_space<vmem_shared>>) target(%arg18 : memref<5000xf32, #tpu.memory_space<vmem>>) offsets(%arg10 : memref<5000xi32, #tpu.memory_space<vmem>>) semaphore(%arg35 : memref<!tpu.dma_semaphore, #tpu.memory_space<semaphore_mem>>)
      %dma_start3A_113 = arith.constant 0 : i32
      %dma_start3A_114 = tpu.memref_slice %arg27[%dma_start3A_113] : memref<100096xf32, #tpu.memory_space<vmem_shared>> -> memref<100096xf32, #tpu.memory_space<vmem_shared>>
      tpu.enqueue_indirect_dma source(%dma_start3A_114 : memref<100096xf32, #tpu.memory_space<vmem_shared>>) target(%arg22 : memref<5000xf32, #tpu.memory_space<vmem>>) offsets(%arg10 : memref<5000xi32, #tpu.memory_space<vmem>>) semaphore(%arg35 : memref<!tpu.dma_semaphore, #tpu.memory_space<semaphore_mem>>)
      %dma_wait3A_115 = arith.constant 0 : i32
      %dma_wait3A_116 = tpu.memref_slice %arg26[%dma_wait3A_115] : memref<100096xf32, #tpu.memory_space<vmem_shared>> -> memref<100096xf32, #tpu.memory_space<vmem_shared>>
      tpu.wait_indirect_dma semaphore(%arg32 : memref<!tpu.dma_semaphore, #tpu.memory_space<semaphore_mem>>) src(%dma_wait3A_116 : memref<100096xf32, #tpu.memory_space<vmem_shared>>) dst(%arg15 : memref<5000xf32, #tpu.memory_space<vmem>>)
      %dma_wait3A_117 = arith.constant 0 : i32
      %dma_wait3A_118 = tpu.memref_slice %arg27[%dma_wait3A_117] : memref<100096xf32, #tpu.memory_space<vmem_shared>> -> memref<100096xf32, #tpu.memory_space<vmem_shared>>
      tpu.wait_indirect_dma semaphore(%arg32 : memref<!tpu.dma_semaphore, #tpu.memory_space<semaphore_mem>>) src(%dma_wait3A_118 : memref<100096xf32, #tpu.memory_space<vmem_shared>>) dst(%arg19 : memref<5000xf32, #tpu.memory_space<vmem>>)
      %dma_start3A_119 = arith.constant 0 : i32
      %dma_start3A_120 = tpu.memref_slice %arg24[%dma_start3A_119] : memref<100096xf32, #tpu.memory_space<vmem_shared>> -> memref<100096xf32, #tpu.memory_space<vmem_shared>>
      tpu.enqueue_indirect_dma source(%arg15 : memref<5000xf32, #tpu.memory_space<vmem>>) target(%dma_start3A_120 : memref<100096xf32, #tpu.memory_space<vmem_shared>>) offsets(%arg11 : memref<5000xi32, #tpu.memory_space<vmem>>) semaphore(%arg36 : memref<!tpu.dma_semaphore, #tpu.memory_space<semaphore_mem>>) {add = true}
      %dma_start3A_121 = arith.constant 0 : i32
      %dma_start3A_122 = tpu.memref_slice %arg25[%dma_start3A_121] : memref<100096xf32, #tpu.memory_space<vmem_shared>> -> memref<100096xf32, #tpu.memory_space<vmem_shared>>
      tpu.enqueue_indirect_dma source(%arg19 : memref<5000xf32, #tpu.memory_space<vmem>>) target(%dma_start3A_122 : memref<100096xf32, #tpu.memory_space<vmem_shared>>) offsets(%arg11 : memref<5000xi32, #tpu.memory_space<vmem>>) semaphore(%arg36 : memref<!tpu.dma_semaphore, #tpu.memory_space<semaphore_mem>>) {add = true}
      %dma_wait3A_123 = arith.constant 0 : i32
      %dma_wait3A_124 = tpu.memref_slice %arg26[%dma_wait3A_123] : memref<100096xf32, #tpu.memory_space<vmem_shared>> -> memref<100096xf32, #tpu.memory_space<vmem_shared>>
      tpu.wait_indirect_dma semaphore(%arg33 : memref<!tpu.dma_semaphore, #tpu.memory_space<semaphore_mem>>) src(%dma_wait3A_124 : memref<100096xf32, #tpu.memory_space<vmem_shared>>) dst(%arg16 : memref<5000xf32, #tpu.memory_space<vmem>>)
      %dma_wait3A_125 = arith.constant 0 : i32
      %dma_wait3A_126 = tpu.memref_slice %arg27[%dma_wait3A_125] : memref<100096xf32, #tpu.memory_space<vmem_shared>> -> memref<100096xf32, #tpu.memory_space<vmem_shared>>
      tpu.wait_indirect_dma semaphore(%arg33 : memref<!tpu.dma_semaphore, #tpu.memory_space<semaphore_mem>>) src(%dma_wait3A_126 : memref<100096xf32, #tpu.memory_space<vmem_shared>>) dst(%arg20 : memref<5000xf32, #tpu.memory_space<vmem>>)
      %dma_start3A_127 = arith.constant 0 : i32
      %dma_start3A_128 = tpu.memref_slice %arg24[%dma_start3A_127] : memref<100096xf32, #tpu.memory_space<vmem_shared>> -> memref<100096xf32, #tpu.memory_space<vmem_shared>>
      tpu.enqueue_indirect_dma source(%arg16 : memref<5000xf32, #tpu.memory_space<vmem>>) target(%dma_start3A_128 : memref<100096xf32, #tpu.memory_space<vmem_shared>>) offsets(%arg12 : memref<5000xi32, #tpu.memory_space<vmem>>) semaphore(%arg37 : memref<!tpu.dma_semaphore, #tpu.memory_space<semaphore_mem>>) {add = true}
      %dma_start3A_129 = arith.constant 0 : i32
      %dma_start3A_130 = tpu.memref_slice %arg25[%dma_start3A_129] : memref<100096xf32, #tpu.memory_space<vmem_shared>> -> memref<100096xf32, #tpu.memory_space<vmem_shared>>
      tpu.enqueue_indirect_dma source(%arg20 : memref<5000xf32, #tpu.memory_space<vmem>>) target(%dma_start3A_130 : memref<100096xf32, #tpu.memory_space<vmem_shared>>) offsets(%arg12 : memref<5000xi32, #tpu.memory_space<vmem>>) semaphore(%arg37 : memref<!tpu.dma_semaphore, #tpu.memory_space<semaphore_mem>>) {add = true}
      %dma_wait3A_131 = arith.constant 0 : i32
      %dma_wait3A_132 = tpu.memref_slice %arg26[%dma_wait3A_131] : memref<100096xf32, #tpu.memory_space<vmem_shared>> -> memref<100096xf32, #tpu.memory_space<vmem_shared>>
      tpu.wait_indirect_dma semaphore(%arg34 : memref<!tpu.dma_semaphore, #tpu.memory_space<semaphore_mem>>) src(%dma_wait3A_132 : memref<100096xf32, #tpu.memory_space<vmem_shared>>) dst(%arg17 : memref<5000xf32, #tpu.memory_space<vmem>>)
      %dma_wait3A_133 = arith.constant 0 : i32
      %dma_wait3A_134 = tpu.memref_slice %arg27[%dma_wait3A_133] : memref<100096xf32, #tpu.memory_space<vmem_shared>> -> memref<100096xf32, #tpu.memory_space<vmem_shared>>
      tpu.wait_indirect_dma semaphore(%arg34 : memref<!tpu.dma_semaphore, #tpu.memory_space<semaphore_mem>>) src(%dma_wait3A_134 : memref<100096xf32, #tpu.memory_space<vmem_shared>>) dst(%arg21 : memref<5000xf32, #tpu.memory_space<vmem>>)
      %dma_start3A_135 = arith.constant 0 : i32
      %dma_start3A_136 = tpu.memref_slice %arg24[%dma_start3A_135] : memref<100096xf32, #tpu.memory_space<vmem_shared>> -> memref<100096xf32, #tpu.memory_space<vmem_shared>>
      tpu.enqueue_indirect_dma source(%arg17 : memref<5000xf32, #tpu.memory_space<vmem>>) target(%dma_start3A_136 : memref<100096xf32, #tpu.memory_space<vmem_shared>>) offsets(%arg13 : memref<5000xi32, #tpu.memory_space<vmem>>) semaphore(%arg38 : memref<!tpu.dma_semaphore, #tpu.memory_space<semaphore_mem>>) {add = true}
      %dma_start3A_137 = arith.constant 0 : i32
      %dma_start3A_138 = tpu.memref_slice %arg25[%dma_start3A_137] : memref<100096xf32, #tpu.memory_space<vmem_shared>> -> memref<100096xf32, #tpu.memory_space<vmem_shared>>
      tpu.enqueue_indirect_dma source(%arg21 : memref<5000xf32, #tpu.memory_space<vmem>>) target(%dma_start3A_138 : memref<100096xf32, #tpu.memory_space<vmem_shared>>) offsets(%arg13 : memref<5000xi32, #tpu.memory_space<vmem>>) semaphore(%arg38 : memref<!tpu.dma_semaphore, #tpu.memory_space<semaphore_mem>>) {add = true}
      %dma_wait3A_139 = arith.constant 0 : i32
      %dma_wait3A_140 = tpu.memref_slice %arg26[%dma_wait3A_139] : memref<100096xf32, #tpu.memory_space<vmem_shared>> -> memref<100096xf32, #tpu.memory_space<vmem_shared>>
      tpu.wait_indirect_dma semaphore(%arg35 : memref<!tpu.dma_semaphore, #tpu.memory_space<semaphore_mem>>) src(%dma_wait3A_140 : memref<100096xf32, #tpu.memory_space<vmem_shared>>) dst(%arg18 : memref<5000xf32, #tpu.memory_space<vmem>>)
      %dma_wait3A_141 = arith.constant 0 : i32
      %dma_wait3A_142 = tpu.memref_slice %arg27[%dma_wait3A_141] : memref<100096xf32, #tpu.memory_space<vmem_shared>> -> memref<100096xf32, #tpu.memory_space<vmem_shared>>
      tpu.wait_indirect_dma semaphore(%arg35 : memref<!tpu.dma_semaphore, #tpu.memory_space<semaphore_mem>>) src(%dma_wait3A_142 : memref<100096xf32, #tpu.memory_space<vmem_shared>>) dst(%arg22 : memref<5000xf32, #tpu.memory_space<vmem>>)
      %dma_start3A_143 = arith.constant 0 : i32
      %dma_start3A_144 = tpu.memref_slice %arg24[%dma_start3A_143] : memref<100096xf32, #tpu.memory_space<vmem_shared>> -> memref<100096xf32, #tpu.memory_space<vmem_shared>>
      tpu.enqueue_indirect_dma source(%arg18 : memref<5000xf32, #tpu.memory_space<vmem>>) target(%dma_start3A_144 : memref<100096xf32, #tpu.memory_space<vmem_shared>>) offsets(%arg14 : memref<5000xi32, #tpu.memory_space<vmem>>) semaphore(%arg39 : memref<!tpu.dma_semaphore, #tpu.memory_space<semaphore_mem>>) {add = true}
      %dma_start3A_145 = arith.constant 0 : i32
      %dma_start3A_146 = tpu.memref_slice %arg25[%dma_start3A_145] : memref<100096xf32, #tpu.memory_space<vmem_shared>> -> memref<100096xf32, #tpu.memory_space<vmem_shared>>
      tpu.enqueue_indirect_dma source(%arg22 : memref<5000xf32, #tpu.memory_space<vmem>>) target(%dma_start3A_146 : memref<100096xf32, #tpu.memory_space<vmem_shared>>) offsets(%arg14 : memref<5000xi32, #tpu.memory_space<vmem>>) semaphore(%arg39 : memref<!tpu.dma_semaphore, #tpu.memory_space<semaphore_mem>>) {add = true}
      %dma_wait3A_147 = arith.constant 0 : i32
      %dma_wait3A_148 = tpu.memref_slice %arg24[%dma_wait3A_147] : memref<100096xf32, #tpu.memory_space<vmem_shared>> -> memref<100096xf32, #tpu.memory_space<vmem_shared>>
      tpu.wait_indirect_dma semaphore(%arg36 : memref<!tpu.dma_semaphore, #tpu.memory_space<semaphore_mem>>) src(%arg15 : memref<5000xf32, #tpu.memory_space<vmem>>) dst(%dma_wait3A_148 : memref<100096xf32, #tpu.memory_space<vmem_shared>>)
      %dma_wait3A_149 = arith.constant 0 : i32
      %dma_wait3A_150 = tpu.memref_slice %arg25[%dma_wait3A_149] : memref<100096xf32, #tpu.memory_space<vmem_shared>> -> memref<100096xf32, #tpu.memory_space<vmem_shared>>
      tpu.wait_indirect_dma semaphore(%arg36 : memref<!tpu.dma_semaphore, #tpu.memory_space<semaphore_mem>>) src(%arg19 : memref<5000xf32, #tpu.memory_space<vmem>>) dst(%dma_wait3A_150 : memref<100096xf32, #tpu.memory_space<vmem_shared>>)
      %dma_wait3A_151 = arith.constant 0 : i32
      %dma_wait3A_152 = tpu.memref_slice %arg24[%dma_wait3A_151] : memref<100096xf32, #tpu.memory_space<vmem_shared>> -> memref<100096xf32, #tpu.memory_space<vmem_shared>>
      tpu.wait_indirect_dma semaphore(%arg37 : memref<!tpu.dma_semaphore, #tpu.memory_space<semaphore_mem>>) src(%arg16 : memref<5000xf32, #tpu.memory_space<vmem>>) dst(%dma_wait3A_152 : memref<100096xf32, #tpu.memory_space<vmem_shared>>)
      %dma_wait3A_153 = arith.constant 0 : i32
      %dma_wait3A_154 = tpu.memref_slice %arg25[%dma_wait3A_153] : memref<100096xf32, #tpu.memory_space<vmem_shared>> -> memref<100096xf32, #tpu.memory_space<vmem_shared>>
      tpu.wait_indirect_dma semaphore(%arg37 : memref<!tpu.dma_semaphore, #tpu.memory_space<semaphore_mem>>) src(%arg20 : memref<5000xf32, #tpu.memory_space<vmem>>) dst(%dma_wait3A_154 : memref<100096xf32, #tpu.memory_space<vmem_shared>>)
      %dma_wait3A_155 = arith.constant 0 : i32
      %dma_wait3A_156 = tpu.memref_slice %arg24[%dma_wait3A_155] : memref<100096xf32, #tpu.memory_space<vmem_shared>> -> memref<100096xf32, #tpu.memory_space<vmem_shared>>
      tpu.wait_indirect_dma semaphore(%arg38 : memref<!tpu.dma_semaphore, #tpu.memory_space<semaphore_mem>>) src(%arg17 : memref<5000xf32, #tpu.memory_space<vmem>>) dst(%dma_wait3A_156 : memref<100096xf32, #tpu.memory_space<vmem_shared>>)
      %dma_wait3A_157 = arith.constant 0 : i32
      %dma_wait3A_158 = tpu.memref_slice %arg25[%dma_wait3A_157] : memref<100096xf32, #tpu.memory_space<vmem_shared>> -> memref<100096xf32, #tpu.memory_space<vmem_shared>>
      tpu.wait_indirect_dma semaphore(%arg38 : memref<!tpu.dma_semaphore, #tpu.memory_space<semaphore_mem>>) src(%arg21 : memref<5000xf32, #tpu.memory_space<vmem>>) dst(%dma_wait3A_158 : memref<100096xf32, #tpu.memory_space<vmem_shared>>)
      %dma_wait3A_159 = arith.constant 0 : i32
      %dma_wait3A_160 = tpu.memref_slice %arg24[%dma_wait3A_159] : memref<100096xf32, #tpu.memory_space<vmem_shared>> -> memref<100096xf32, #tpu.memory_space<vmem_shared>>
      tpu.wait_indirect_dma semaphore(%arg39 : memref<!tpu.dma_semaphore, #tpu.memory_space<semaphore_mem>>) src(%arg18 : memref<5000xf32, #tpu.memory_space<vmem>>) dst(%dma_wait3A_160 : memref<100096xf32, #tpu.memory_space<vmem_shared>>)
      %dma_wait3A_161 = arith.constant 0 : i32
      %dma_wait3A_162 = tpu.memref_slice %arg25[%dma_wait3A_161] : memref<100096xf32, #tpu.memory_space<vmem_shared>> -> memref<100096xf32, #tpu.memory_space<vmem_shared>>
      tpu.wait_indirect_dma semaphore(%arg39 : memref<!tpu.dma_semaphore, #tpu.memory_space<semaphore_mem>>) src(%arg22 : memref<5000xf32, #tpu.memory_space<vmem>>) dst(%dma_wait3A_162 : memref<100096xf32, #tpu.memory_space<vmem_shared>>)
    }
    %scan3A_23 = arith.constant 10 : i32
    %barrier3A_24 = arith.constant 0 : index
    tpu.barrier barrier_id(%barrier3A_24)
    %mul3A_25 = arith.constant 6256 : i32
    %mul3A_26 = arith.muli %arg1, %mul3A_25 : i32
    "tpu.region"() ({
      %run_scoped3A = tpu.sem_alloc : memref<!tpu.dma_semaphore, #tpu.memory_space<semaphore_mem>>
      %dma_start3A = tpu.memref_slice %arg24[%mul3A_26] : memref<100096xf32, #tpu.memory_space<vmem_shared>> -> memref<6256xf32, #tpu.memory_space<vmem_shared>>
      %dma_start3A_45 = tpu.memref_slice %arg24[%mul3A_26] : memref<100096xf32, #tpu.memory_space<vmem_shared>> -> memref<6256xf32, #tpu.memory_space<vmem_shared>>
      tpu.enqueue_dma source(%dma_start3A_45 : memref<6256xf32, #tpu.memory_space<vmem_shared>>) target(%arg23 : memref<6256xf32, #tpu.memory_space<vmem>>) target_semaphore(%run_scoped3A : memref<!tpu.dma_semaphore, #tpu.memory_space<semaphore_mem>>)
      %dma_wait3A = tpu.memref_slice %arg24[%mul3A_26] : memref<100096xf32, #tpu.memory_space<vmem_shared>> -> memref<6256xf32, #tpu.memory_space<vmem_shared>>
      %dma_wait3A_46 = tpu.memref_slice %arg24[%mul3A_26] : memref<100096xf32, #tpu.memory_space<vmem_shared>> -> memref<6256xf32, #tpu.memory_space<vmem_shared>>
      tpu.wait_dma2 semaphore(%run_scoped3A : memref<!tpu.dma_semaphore, #tpu.memory_space<semaphore_mem>>) src(%dma_wait3A_46 : memref<6256xf32, #tpu.memory_space<vmem_shared>>) dst(%arg23 : memref<6256xf32, #tpu.memory_space<vmem>>)
      tpu.yield
    }) : () -> ()
    %mul3A_27 = arith.constant 2 : i32
    %mul3A_28 = arith.muli %arg0, %mul3A_27 : i32
    %mul3A_29 = arith.constant 100096 : i32
    %mul3A_30 = arith.muli %mul3A_28, %mul3A_29 : i32
    %mul3A_31 = arith.constant 6256 : i32
    %mul3A_32 = arith.muli %arg1, %mul3A_31 : i32
    %add3A_33 = arith.addi %mul3A_30, %mul3A_32 : i32
    "tpu.region"() ({
      %run_scoped3A = tpu.sem_alloc : memref<!tpu.dma_semaphore, #tpu.memory_space<semaphore_mem>>
      %dma_start3A = tpu.memref_slice %arg6[%add3A_33] : memref<400384xf32, #tpu.memory_space<hbm>> -> memref<6256xf32, #tpu.memory_space<hbm>>
      %dma_start3A_45 = tpu.memref_slice %arg6[%add3A_33] : memref<400384xf32, #tpu.memory_space<hbm>> -> memref<6256xf32, #tpu.memory_space<hbm>>
      tpu.enqueue_dma source(%arg23 : memref<6256xf32, #tpu.memory_space<vmem>>) target(%dma_start3A_45 : memref<6256xf32, #tpu.memory_space<hbm>>) target_semaphore(%run_scoped3A : memref<!tpu.dma_semaphore, #tpu.memory_space<semaphore_mem>>)
      %dma_wait3A = tpu.memref_slice %arg6[%add3A_33] : memref<400384xf32, #tpu.memory_space<hbm>> -> memref<6256xf32, #tpu.memory_space<hbm>>
      %dma_wait3A_46 = tpu.memref_slice %arg6[%add3A_33] : memref<400384xf32, #tpu.memory_space<hbm>> -> memref<6256xf32, #tpu.memory_space<hbm>>
      tpu.wait_dma2 semaphore(%run_scoped3A : memref<!tpu.dma_semaphore, #tpu.memory_space<semaphore_mem>>) src(%arg23 : memref<6256xf32, #tpu.memory_space<vmem>>) dst(%dma_wait3A_46 : memref<6256xf32, #tpu.memory_space<hbm>>)
      tpu.yield
    }) : () -> ()
    %mul3A_34 = arith.constant 6256 : i32
    %mul3A_35 = arith.muli %arg1, %mul3A_34 : i32
    "tpu.region"() ({
      %run_scoped3A = tpu.sem_alloc : memref<!tpu.dma_semaphore, #tpu.memory_space<semaphore_mem>>
      %dma_start3A = tpu.memref_slice %arg25[%mul3A_35] : memref<100096xf32, #tpu.memory_space<vmem_shared>> -> memref<6256xf32, #tpu.memory_space<vmem_shared>>
      %dma_start3A_45 = tpu.memref_slice %arg25[%mul3A_35] : memref<100096xf32, #tpu.memory_space<vmem_shared>> -> memref<6256xf32, #tpu.memory_space<vmem_shared>>
      tpu.enqueue_dma source(%dma_start3A_45 : memref<6256xf32, #tpu.memory_space<vmem_shared>>) target(%arg23 : memref<6256xf32, #tpu.memory_space<vmem>>) target_semaphore(%run_scoped3A : memref<!tpu.dma_semaphore, #tpu.memory_space<semaphore_mem>>)
      %dma_wait3A = tpu.memref_slice %arg25[%mul3A_35] : memref<100096xf32, #tpu.memory_space<vmem_shared>> -> memref<6256xf32, #tpu.memory_space<vmem_shared>>
      %dma_wait3A_46 = tpu.memref_slice %arg25[%mul3A_35] : memref<100096xf32, #tpu.memory_space<vmem_shared>> -> memref<6256xf32, #tpu.memory_space<vmem_shared>>
      tpu.wait_dma2 semaphore(%run_scoped3A : memref<!tpu.dma_semaphore, #tpu.memory_space<semaphore_mem>>) src(%dma_wait3A_46 : memref<6256xf32, #tpu.memory_space<vmem_shared>>) dst(%arg23 : memref<6256xf32, #tpu.memory_space<vmem>>)
      tpu.yield
    }) : () -> ()
    %mul3A_36 = arith.constant 2 : i32
    %mul3A_37 = arith.muli %arg0, %mul3A_36 : i32
    %add3A_38 = arith.constant 1 : i32
    %add3A_39 = arith.addi %mul3A_37, %add3A_38 : i32
    %mul3A_40 = arith.constant 100096 : i32
    %mul3A_41 = arith.muli %add3A_39, %mul3A_40 : i32
    %mul3A_42 = arith.constant 6256 : i32
    %mul3A_43 = arith.muli %arg1, %mul3A_42 : i32
    %add3A_44 = arith.addi %mul3A_41, %mul3A_43 : i32
    "tpu.region"() ({
      %run_scoped3A = tpu.sem_alloc : memref<!tpu.dma_semaphore, #tpu.memory_space<semaphore_mem>>
      %dma_start3A = tpu.memref_slice %arg6[%add3A_44] : memref<400384xf32, #tpu.memory_space<hbm>> -> memref<6256xf32, #tpu.memory_space<hbm>>
      %dma_start3A_45 = tpu.memref_slice %arg6[%add3A_44] : memref<400384xf32, #tpu.memory_space<hbm>> -> memref<6256xf32, #tpu.memory_space<hbm>>
      tpu.enqueue_dma source(%arg23 : memref<6256xf32, #tpu.memory_space<vmem>>) target(%dma_start3A_45 : memref<6256xf32, #tpu.memory_space<hbm>>) target_semaphore(%run_scoped3A : memref<!tpu.dma_semaphore, #tpu.memory_space<semaphore_mem>>)
      %dma_wait3A = tpu.memref_slice %arg6[%add3A_44] : memref<400384xf32, #tpu.memory_space<hbm>> -> memref<6256xf32, #tpu.memory_space<hbm>>
      %dma_wait3A_46 = tpu.memref_slice %arg6[%add3A_44] : memref<400384xf32, #tpu.memory_space<hbm>> -> memref<6256xf32, #tpu.memory_space<hbm>>
      tpu.wait_dma2 semaphore(%run_scoped3A : memref<!tpu.dma_semaphore, #tpu.memory_space<semaphore_mem>>) src(%arg23 : memref<6256xf32, #tpu.memory_space<vmem>>) dst(%dma_wait3A_46 : memref<6256xf32, #tpu.memory_space<hbm>>)
      tpu.yield
    }) : () -> ()
    return
  }
}

#map = affine_map<(d0, d1) -> (0)>
module attributes {stable_mosaic.version = 14 : i64} {
  func.func @hist(%arg0: i32, %arg1: i32, %arg2: memref<6400000xi32, #tpu.memory_space<hbm>>, %arg3: memref<200192xf32, #tpu.memory_space<hbm>>, %arg4: memref<3203072xf32, #tpu.memory_space<hbm>>, %arg5: memref<2000xi32, #tpu.memory_space<vmem>>, %arg6: memref<2000xi32, #tpu.memory_space<vmem>>, %arg7: memref<2000xi32, #tpu.memory_space<vmem>>, %arg8: memref<2000xi32, #tpu.memory_space<vmem>>, %arg9: memref<100096xf32, #tpu.memory_space<vmem>>, %arg10: memref<6256xf32, #tpu.memory_space<vmem>>, %arg11: memref<!tpu.dma_semaphore, #tpu.memory_space<semaphore_mem>>, %arg12: memref<!tpu.dma_semaphore, #tpu.memory_space<semaphore_mem>>, %arg13: memref<!tpu.dma_semaphore, #tpu.memory_space<semaphore_mem>>, %arg14: memref<!tpu.dma_semaphore, #tpu.memory_space<semaphore_mem>>, %arg15: memref<!tpu.dma_semaphore, #tpu.memory_space<semaphore_mem>>) attributes {dimension_semantics = [#tpu.dimension_semantics<core_parallel>, #tpu.dimension_semantics<subcore_parallel>], iteration_bounds = array<i64: 2, 16>, scalar_prefetch = 0 : i64, scratch_operands = 11 : i64, tpu.core_type = #tpu.core_type<sc_vector_subcore>, window_params = [{transform_indices = #map}, {transform_indices = #map}, {transform_indices = #map}]} {
    %broadcast_in_dim3A = arith.constant 0.000000e+00 : f32
    %broadcast_in_dim3A_0 = vector.broadcast %broadcast_in_dim3A : f32 to vector<16xf32>
    %broadcast_in_dim3A_1 = arith.constant 1.000000e+00 : f32
    %broadcast_in_dim3A_2 = vector.broadcast %broadcast_in_dim3A_1 : f32 to vector<16xf32>
    %scan3A = arith.constant 0 : i32
    %scan3A_3 = arith.constant 782 : i32
    %scan3A_4 = arith.addi %scan3A, %scan3A_3 : i32
    %scan3A_5 = arith.constant 1 : i32
    scf.for %scan3A_364 = %scan3A to %scan3A_4 step %scan3A_5  : i32 {
      %mul3A_365 = arith.constant 128 : i32
      %mul3A_366 = arith.muli %scan3A_364, %mul3A_365 : i32
      %add3A_367 = arith.constant 0 : i32
      %add3A_368 = arith.addi %add3A_367, %mul3A_366 : i32
      %add3A_369 = arith.constant 0 : i32
      %add3A_370 = arith.addi %add3A_368, %add3A_369 : i32
      %swap3A = arith.index_cast %add3A_370 : i32 to index
      %swap3A_371 = tpu.vector_load %arg9[%swap3A] {strides = array<i32>} : memref<100096xf32, #tpu.memory_space<vmem>>, vector<16xf32>,
      tpu.vector_store %arg9[%swap3A], %broadcast_in_dim3A_0 {strides = array<i32>} : memref<100096xf32, #tpu.memory_space<vmem>>, vector<16xf32>,
      %add3A_372 = arith.constant 16 : i32
      %add3A_373 = arith.addi %add3A_368, %add3A_372 : i32
      %swap3A_374 = arith.index_cast %add3A_373 : i32 to index
      %swap3A_375 = tpu.vector_load %arg9[%swap3A_374] {strides = array<i32>} : memref<100096xf32, #tpu.memory_space<vmem>>, vector<16xf32>,
      tpu.vector_store %arg9[%swap3A_374], %broadcast_in_dim3A_0 {strides = array<i32>} : memref<100096xf32, #tpu.memory_space<vmem>>, vector<16xf32>,
      %add3A_376 = arith.constant 32 : i32
      %add3A_377 = arith.addi %add3A_368, %add3A_376 : i32
      %swap3A_378 = arith.index_cast %add3A_377 : i32 to index
      %swap3A_379 = tpu.vector_load %arg9[%swap3A_378] {strides = array<i32>} : memref<100096xf32, #tpu.memory_space<vmem>>, vector<16xf32>,
      tpu.vector_store %arg9[%swap3A_378], %broadcast_in_dim3A_0 {strides = array<i32>} : memref<100096xf32, #tpu.memory_space<vmem>>, vector<16xf32>,
      %add3A_380 = arith.constant 48 : i32
      %add3A_381 = arith.addi %add3A_368, %add3A_380 : i32
      %swap3A_382 = arith.index_cast %add3A_381 : i32 to index
      %swap3A_383 = tpu.vector_load %arg9[%swap3A_382] {strides = array<i32>} : memref<100096xf32, #tpu.memory_space<vmem>>, vector<16xf32>,
      tpu.vector_store %arg9[%swap3A_382], %broadcast_in_dim3A_0 {strides = array<i32>} : memref<100096xf32, #tpu.memory_space<vmem>>, vector<16xf32>,
      %add3A_384 = arith.constant 64 : i32
      %add3A_385 = arith.addi %add3A_368, %add3A_384 : i32
      %swap3A_386 = arith.index_cast %add3A_385 : i32 to index
      %swap3A_387 = tpu.vector_load %arg9[%swap3A_386] {strides = array<i32>} : memref<100096xf32, #tpu.memory_space<vmem>>, vector<16xf32>,
      tpu.vector_store %arg9[%swap3A_386], %broadcast_in_dim3A_0 {strides = array<i32>} : memref<100096xf32, #tpu.memory_space<vmem>>, vector<16xf32>,
      %add3A_388 = arith.constant 80 : i32
      %add3A_389 = arith.addi %add3A_368, %add3A_388 : i32
      %swap3A_390 = arith.index_cast %add3A_389 : i32 to index
      %swap3A_391 = tpu.vector_load %arg9[%swap3A_390] {strides = array<i32>} : memref<100096xf32, #tpu.memory_space<vmem>>, vector<16xf32>,
      tpu.vector_store %arg9[%swap3A_390], %broadcast_in_dim3A_0 {strides = array<i32>} : memref<100096xf32, #tpu.memory_space<vmem>>, vector<16xf32>,
      %add3A_392 = arith.constant 96 : i32
      %add3A_393 = arith.addi %add3A_368, %add3A_392 : i32
      %swap3A_394 = arith.index_cast %add3A_393 : i32 to index
      %swap3A_395 = tpu.vector_load %arg9[%swap3A_394] {strides = array<i32>} : memref<100096xf32, #tpu.memory_space<vmem>>, vector<16xf32>,
      tpu.vector_store %arg9[%swap3A_394], %broadcast_in_dim3A_0 {strides = array<i32>} : memref<100096xf32, #tpu.memory_space<vmem>>, vector<16xf32>,
      %add3A_396 = arith.constant 112 : i32
      %add3A_397 = arith.addi %add3A_368, %add3A_396 : i32
      %swap3A_398 = arith.index_cast %add3A_397 : i32 to index
      %swap3A_399 = tpu.vector_load %arg9[%swap3A_398] {strides = array<i32>} : memref<100096xf32, #tpu.memory_space<vmem>>, vector<16xf32>,
      tpu.vector_store %arg9[%swap3A_398], %broadcast_in_dim3A_0 {strides = array<i32>} : memref<100096xf32, #tpu.memory_space<vmem>>, vector<16xf32>,
    }
    %scan3A_6 = arith.constant 782 : i32
    %mul3A = arith.constant 16 : i32
    %mul3A_7 = arith.muli %arg0, %mul3A : i32
    %add3A = arith.addi %mul3A_7, %arg1 : i32
    %mul3A_8 = arith.constant 200000 : i32
    %mul3A_9 = arith.muli %add3A, %mul3A_8 : i32
    %scan3A_10 = arith.constant 0 : i32
    %scan3A_11 = arith.constant 25 : i32
    %scan3A_12 = arith.addi %scan3A_10, %scan3A_11 : i32
    %scan3A_13 = arith.constant 1 : i32
    scf.for %scan3A_364 = %scan3A_10 to %scan3A_12 step %scan3A_13  : i32 {
      %mul3A_365 = arith.constant 1 : i32
      %mul3A_366 = arith.muli %scan3A_364, %mul3A_365 : i32
      %add3A_367 = arith.constant 0 : i32
      %add3A_368 = arith.addi %add3A_367, %mul3A_366 : i32
      %mul3A_369 = arith.constant 8000 : i32
      %mul3A_370 = arith.muli %add3A_368, %mul3A_369 : i32
      %add3A_371 = arith.addi %mul3A_9, %mul3A_370 : i32
      %add3A_372 = arith.constant 0 : i32
      %add3A_373 = arith.addi %add3A_371, %add3A_372 : i32
      %dma_start3A_374 = tpu.memref_slice %arg2[%add3A_373] : memref<6400000xi32, #tpu.memory_space<hbm>> -> memref<2000xi32, #tpu.memory_space<hbm>>
      %dma_start3A_375 = tpu.memref_slice %arg2[%add3A_373] : memref<6400000xi32, #tpu.memory_space<hbm>> -> memref<2000xi32, #tpu.memory_space<hbm>>
      tpu.enqueue_dma source(%dma_start3A_375 : memref<2000xi32, #tpu.memory_space<hbm>>) target(%arg5 : memref<2000xi32, #tpu.memory_space<vmem>>) target_semaphore(%arg11 : memref<!tpu.dma_semaphore, #tpu.memory_space<semaphore_mem>>)
      %add3A_376 = arith.constant 2000 : i32
      %add3A_377 = arith.addi %add3A_371, %add3A_376 : i32
      %dma_start3A_378 = tpu.memref_slice %arg2[%add3A_377] : memref<6400000xi32, #tpu.memory_space<hbm>> -> memref<2000xi32, #tpu.memory_space<hbm>>
      %dma_start3A_379 = tpu.memref_slice %arg2[%add3A_377] : memref<6400000xi32, #tpu.memory_space<hbm>> -> memref<2000xi32, #tpu.memory_space<hbm>>
      tpu.enqueue_dma source(%dma_start3A_379 : memref<2000xi32, #tpu.memory_space<hbm>>) target(%arg6 : memref<2000xi32, #tpu.memory_space<vmem>>) target_semaphore(%arg12 : memref<!tpu.dma_semaphore, #tpu.memory_space<semaphore_mem>>)
      %add3A_380 = arith.constant 4000 : i32
      %add3A_381 = arith.addi %add3A_371, %add3A_380 : i32
      %dma_start3A_382 = tpu.memref_slice %arg2[%add3A_381] : memref<6400000xi32, #tpu.memory_space<hbm>> -> memref<2000xi32, #tpu.memory_space<hbm>>
      %dma_start3A_383 = tpu.memref_slice %arg2[%add3A_381] : memref<6400000xi32, #tpu.memory_space<hbm>> -> memref<2000xi32, #tpu.memory_space<hbm>>
      tpu.enqueue_dma source(%dma_start3A_383 : memref<2000xi32, #tpu.memory_space<hbm>>) target(%arg7 : memref<2000xi32, #tpu.memory_space<vmem>>) target_semaphore(%arg13 : memref<!tpu.dma_semaphore, #tpu.memory_space<semaphore_mem>>)
      %add3A_384 = arith.constant 6000 : i32
      %add3A_385 = arith.addi %add3A_371, %add3A_384 : i32
      %dma_start3A_386 = tpu.memref_slice %arg2[%add3A_385] : memref<6400000xi32, #tpu.memory_space<hbm>> -> memref<2000xi32, #tpu.memory_space<hbm>>
      %dma_start3A_387 = tpu.memref_slice %arg2[%add3A_385] : memref<6400000xi32, #tpu.memory_space<hbm>> -> memref<2000xi32, #tpu.memory_space<hbm>>
      tpu.enqueue_dma source(%dma_start3A_387 : memref<2000xi32, #tpu.memory_space<hbm>>) target(%arg8 : memref<2000xi32, #tpu.memory_space<vmem>>) target_semaphore(%arg14 : memref<!tpu.dma_semaphore, #tpu.memory_space<semaphore_mem>>)
      %dma_wait3A_388 = tpu.memref_slice %arg2[%add3A_373] : memref<6400000xi32, #tpu.memory_space<hbm>> -> memref<2000xi32, #tpu.memory_space<hbm>>
      %dma_wait3A_389 = tpu.memref_slice %arg2[%add3A_373] : memref<6400000xi32, #tpu.memory_space<hbm>> -> memref<2000xi32, #tpu.memory_space<hbm>>
      tpu.wait_dma2 semaphore(%arg11 : memref<!tpu.dma_semaphore, #tpu.memory_space<semaphore_mem>>) src(%dma_wait3A_389 : memref<2000xi32, #tpu.memory_space<hbm>>) dst(%arg5 : memref<2000xi32, #tpu.memory_space<vmem>>)
      %scan3A_390 = arith.constant 0 : i32
      %scan3A_391 = arith.constant 15 : i32
      %scan3A_392 = arith.addi %scan3A_390, %scan3A_391 : i32
      %scan3A_393 = arith.constant 1 : i32
      scf.for %scan3A_436 = %scan3A_390 to %scan3A_392 step %scan3A_393  : i32 {
        %mul3A_437 = arith.constant 128 : i32
        %mul3A_438 = arith.muli %scan3A_436, %mul3A_437 : i32
        %add3A_439 = arith.constant 0 : i32
        %add3A_440 = arith.addi %add3A_439, %mul3A_438 : i32
        %add3A_441 = arith.constant 0 : i32
        %add3A_442 = arith.addi %add3A_440, %add3A_441 : i32
        %get3A = arith.index_cast %add3A_442 : i32 to index
        %get3A_443 = tpu.vector_load %arg5[%get3A] {strides = array<i32>} : memref<2000xi32, #tpu.memory_space<vmem>>, vector<16xi32>,
        tpu.vector_store_idx %arg9[%get3A_443], %broadcast_in_dim3A_2 {add = true} : memref<100096xf32, #tpu.memory_space<vmem>>[vector<16xi32>], vector<16xf32>,
        %add3A_444 = arith.constant 16 : i32
        %add3A_445 = arith.addi %add3A_440, %add3A_444 : i32
        %get3A_446 = arith.index_cast %add3A_445 : i32 to index
        %get3A_447 = tpu.vector_load %arg5[%get3A_446] {strides = array<i32>} : memref<2000xi32, #tpu.memory_space<vmem>>, vector<16xi32>,
        tpu.vector_store_idx %arg9[%get3A_447], %broadcast_in_dim3A_2 {add = true} : memref<100096xf32, #tpu.memory_space<vmem>>[vector<16xi32>], vector<16xf32>,
        %add3A_448 = arith.constant 32 : i32
        %add3A_449 = arith.addi %add3A_440, %add3A_448 : i32
        %get3A_450 = arith.index_cast %add3A_449 : i32 to index
        %get3A_451 = tpu.vector_load %arg5[%get3A_450] {strides = array<i32>} : memref<2000xi32, #tpu.memory_space<vmem>>, vector<16xi32>,
        tpu.vector_store_idx %arg9[%get3A_451], %broadcast_in_dim3A_2 {add = true} : memref<100096xf32, #tpu.memory_space<vmem>>[vector<16xi32>], vector<16xf32>,
        %add3A_452 = arith.constant 48 : i32
        %add3A_453 = arith.addi %add3A_440, %add3A_452 : i32
        %get3A_454 = arith.index_cast %add3A_453 : i32 to index
        %get3A_455 = tpu.vector_load %arg5[%get3A_454] {strides = array<i32>} : memref<2000xi32, #tpu.memory_space<vmem>>, vector<16xi32>,
        tpu.vector_store_idx %arg9[%get3A_455], %broadcast_in_dim3A_2 {add = true} : memref<100096xf32, #tpu.memory_space<vmem>>[vector<16xi32>], vector<16xf32>,
        %add3A_456 = arith.constant 64 : i32
        %add3A_457 = arith.addi %add3A_440, %add3A_456 : i32
        %get3A_458 = arith.index_cast %add3A_457 : i32 to index
        %get3A_459 = tpu.vector_load %arg5[%get3A_458] {strides = array<i32>} : memref<2000xi32, #tpu.memory_space<vmem>>, vector<16xi32>,
        tpu.vector_store_idx %arg9[%get3A_459], %broadcast_in_dim3A_2 {add = true} : memref<100096xf32, #tpu.memory_space<vmem>>[vector<16xi32>], vector<16xf32>,
        %add3A_460 = arith.constant 80 : i32
        %add3A_461 = arith.addi %add3A_440, %add3A_460 : i32
        %get3A_462 = arith.index_cast %add3A_461 : i32 to index
        %get3A_463 = tpu.vector_load %arg5[%get3A_462] {strides = array<i32>} : memref<2000xi32, #tpu.memory_space<vmem>>, vector<16xi32>,
        tpu.vector_store_idx %arg9[%get3A_463], %broadcast_in_dim3A_2 {add = true} : memref<100096xf32, #tpu.memory_space<vmem>>[vector<16xi32>], vector<16xf32>,
        %add3A_464 = arith.constant 96 : i32
        %add3A_465 = arith.addi %add3A_440, %add3A_464 : i32
        %get3A_466 = arith.index_cast %add3A_465 : i32 to index
        %get3A_467 = tpu.vector_load %arg5[%get3A_466] {strides = array<i32>} : memref<2000xi32, #tpu.memory_space<vmem>>, vector<16xi32>,
        tpu.vector_store_idx %arg9[%get3A_467], %broadcast_in_dim3A_2 {add = true} : memref<100096xf32, #tpu.memory_space<vmem>>[vector<16xi32>], vector<16xf32>,
        %add3A_468 = arith.constant 112 : i32
        %add3A_469 = arith.addi %add3A_440, %add3A_468 : i32
        %get3A_470 = arith.index_cast %add3A_469 : i32 to index
        %get3A_471 = tpu.vector_load %arg5[%get3A_470] {strides = array<i32>} : memref<2000xi32, #tpu.memory_space<vmem>>, vector<16xi32>,
        tpu.vector_store_idx %arg9[%get3A_471], %broadcast_in_dim3A_2 {add = true} : memref<100096xf32, #tpu.memory_space<vmem>>[vector<16xi32>], vector<16xf32>,
      }
      %scan3A_394 = arith.constant 15 : i32
      %scan3A_395 = arith.constant 0 : i32
      %scan3A_396 = arith.constant 5 : i32
      %scan3A_397 = arith.addi %scan3A_395, %scan3A_396 : i32
      %scan3A_398 = arith.constant 1 : i32
      scf.for %scan3A_436 = %scan3A_395 to %scan3A_397 step %scan3A_398  : i32 {
        %mul3A_437 = arith.constant 16 : i32
        %mul3A_438 = arith.muli %scan3A_436, %mul3A_437 : i32
        %add3A_439 = arith.constant 1920 : i32
        %add3A_440 = arith.addi %add3A_439, %mul3A_438 : i32
        %get3A = arith.index_cast %add3A_440 : i32 to index
        %get3A_441 = tpu.vector_load %arg5[%get3A] {strides = array<i32>} : memref<2000xi32, #tpu.memory_space<vmem>>, vector<16xi32>,
        tpu.vector_store_idx %arg9[%get3A_441], %broadcast_in_dim3A_2 {add = true} : memref<100096xf32, #tpu.memory_space<vmem>>[vector<16xi32>], vector<16xf32>,
      }
      %scan3A_399 = arith.constant 5 : i32
      %dma_wait3A_400 = tpu.memref_slice %arg2[%add3A_377] : memref<6400000xi32, #tpu.memory_space<hbm>> -> memref<2000xi32, #tpu.memory_space<hbm>>
      %dma_wait3A_401 = tpu.memref_slice %arg2[%add3A_377] : memref<6400000xi32, #tpu.memory_space<hbm>> -> memref<2000xi32, #tpu.memory_space<hbm>>
      tpu.wait_dma2 semaphore(%arg12 : memref<!tpu.dma_semaphore, #tpu.memory_space<semaphore_mem>>) src(%dma_wait3A_401 : memref<2000xi32, #tpu.memory_space<hbm>>) dst(%arg6 : memref<2000xi32, #tpu.memory_space<vmem>>)
      %scan3A_402 = arith.constant 0 : i32
      %scan3A_403 = arith.constant 15 : i32
      %scan3A_404 = arith.addi %scan3A_402, %scan3A_403 : i32
      %scan3A_405 = arith.constant 1 : i32
      scf.for %scan3A_436 = %scan3A_402 to %scan3A_404 step %scan3A_405  : i32 {
        %mul3A_437 = arith.constant 128 : i32
        %mul3A_438 = arith.muli %scan3A_436, %mul3A_437 : i32
        %add3A_439 = arith.constant 0 : i32
        %add3A_440 = arith.addi %add3A_439, %mul3A_438 : i32
        %add3A_441 = arith.constant 0 : i32
        %add3A_442 = arith.addi %add3A_440, %add3A_441 : i32
        %get3A = arith.index_cast %add3A_442 : i32 to index
        %get3A_443 = tpu.vector_load %arg6[%get3A] {strides = array<i32>} : memref<2000xi32, #tpu.memory_space<vmem>>, vector<16xi32>,
        tpu.vector_store_idx %arg9[%get3A_443], %broadcast_in_dim3A_2 {add = true} : memref<100096xf32, #tpu.memory_space<vmem>>[vector<16xi32>], vector<16xf32>,
        %add3A_444 = arith.constant 16 : i32
        %add3A_445 = arith.addi %add3A_440, %add3A_444 : i32
        %get3A_446 = arith.index_cast %add3A_445 : i32 to index
        %get3A_447 = tpu.vector_load %arg6[%get3A_446] {strides = array<i32>} : memref<2000xi32, #tpu.memory_space<vmem>>, vector<16xi32>,
        tpu.vector_store_idx %arg9[%get3A_447], %broadcast_in_dim3A_2 {add = true} : memref<100096xf32, #tpu.memory_space<vmem>>[vector<16xi32>], vector<16xf32>,
        %add3A_448 = arith.constant 32 : i32
        %add3A_449 = arith.addi %add3A_440, %add3A_448 : i32
        %get3A_450 = arith.index_cast %add3A_449 : i32 to index
        %get3A_451 = tpu.vector_load %arg6[%get3A_450] {strides = array<i32>} : memref<2000xi32, #tpu.memory_space<vmem>>, vector<16xi32>,
        tpu.vector_store_idx %arg9[%get3A_451], %broadcast_in_dim3A_2 {add = true} : memref<100096xf32, #tpu.memory_space<vmem>>[vector<16xi32>], vector<16xf32>,
        %add3A_452 = arith.constant 48 : i32
        %add3A_453 = arith.addi %add3A_440, %add3A_452 : i32
        %get3A_454 = arith.index_cast %add3A_453 : i32 to index
        %get3A_455 = tpu.vector_load %arg6[%get3A_454] {strides = array<i32>} : memref<2000xi32, #tpu.memory_space<vmem>>, vector<16xi32>,
        tpu.vector_store_idx %arg9[%get3A_455], %broadcast_in_dim3A_2 {add = true} : memref<100096xf32, #tpu.memory_space<vmem>>[vector<16xi32>], vector<16xf32>,
        %add3A_456 = arith.constant 64 : i32
        %add3A_457 = arith.addi %add3A_440, %add3A_456 : i32
        %get3A_458 = arith.index_cast %add3A_457 : i32 to index
        %get3A_459 = tpu.vector_load %arg6[%get3A_458] {strides = array<i32>} : memref<2000xi32, #tpu.memory_space<vmem>>, vector<16xi32>,
        tpu.vector_store_idx %arg9[%get3A_459], %broadcast_in_dim3A_2 {add = true} : memref<100096xf32, #tpu.memory_space<vmem>>[vector<16xi32>], vector<16xf32>,
        %add3A_460 = arith.constant 80 : i32
        %add3A_461 = arith.addi %add3A_440, %add3A_460 : i32
        %get3A_462 = arith.index_cast %add3A_461 : i32 to index
        %get3A_463 = tpu.vector_load %arg6[%get3A_462] {strides = array<i32>} : memref<2000xi32, #tpu.memory_space<vmem>>, vector<16xi32>,
        tpu.vector_store_idx %arg9[%get3A_463], %broadcast_in_dim3A_2 {add = true} : memref<100096xf32, #tpu.memory_space<vmem>>[vector<16xi32>], vector<16xf32>,
        %add3A_464 = arith.constant 96 : i32
        %add3A_465 = arith.addi %add3A_440, %add3A_464 : i32
        %get3A_466 = arith.index_cast %add3A_465 : i32 to index
        %get3A_467 = tpu.vector_load %arg6[%get3A_466] {strides = array<i32>} : memref<2000xi32, #tpu.memory_space<vmem>>, vector<16xi32>,
        tpu.vector_store_idx %arg9[%get3A_467], %broadcast_in_dim3A_2 {add = true} : memref<100096xf32, #tpu.memory_space<vmem>>[vector<16xi32>], vector<16xf32>,
        %add3A_468 = arith.constant 112 : i32
        %add3A_469 = arith.addi %add3A_440, %add3A_468 : i32
        %get3A_470 = arith.index_cast %add3A_469 : i32 to index
        %get3A_471 = tpu.vector_load %arg6[%get3A_470] {strides = array<i32>} : memref<2000xi32, #tpu.memory_space<vmem>>, vector<16xi32>,
        tpu.vector_store_idx %arg9[%get3A_471], %broadcast_in_dim3A_2 {add = true} : memref<100096xf32, #tpu.memory_space<vmem>>[vector<16xi32>], vector<16xf32>,
      }
      %scan3A_406 = arith.constant 15 : i32
      %scan3A_407 = arith.constant 0 : i32
      %scan3A_408 = arith.constant 5 : i32
      %scan3A_409 = arith.addi %scan3A_407, %scan3A_408 : i32
      %scan3A_410 = arith.constant 1 : i32
      scf.for %scan3A_436 = %scan3A_407 to %scan3A_409 step %scan3A_410  : i32 {
        %mul3A_437 = arith.constant 16 : i32
        %mul3A_438 = arith.muli %scan3A_436, %mul3A_437 : i32
        %add3A_439 = arith.constant 1920 : i32
        %add3A_440 = arith.addi %add3A_439, %mul3A_438 : i32
        %get3A = arith.index_cast %add3A_440 : i32 to index
        %get3A_441 = tpu.vector_load %arg6[%get3A] {strides = array<i32>} : memref<2000xi32, #tpu.memory_space<vmem>>, vector<16xi32>,
        tpu.vector_store_idx %arg9[%get3A_441], %broadcast_in_dim3A_2 {add = true} : memref<100096xf32, #tpu.memory_space<vmem>>[vector<16xi32>], vector<16xf32>,
      }
      %scan3A_411 = arith.constant 5 : i32
      %dma_wait3A_412 = tpu.memref_slice %arg2[%add3A_381] : memref<6400000xi32, #tpu.memory_space<hbm>> -> memref<2000xi32, #tpu.memory_space<hbm>>
      %dma_wait3A_413 = tpu.memref_slice %arg2[%add3A_381] : memref<6400000xi32, #tpu.memory_space<hbm>> -> memref<2000xi32, #tpu.memory_space<hbm>>
      tpu.wait_dma2 semaphore(%arg13 : memref<!tpu.dma_semaphore, #tpu.memory_space<semaphore_mem>>) src(%dma_wait3A_413 : memref<2000xi32, #tpu.memory_space<hbm>>) dst(%arg7 : memref<2000xi32, #tpu.memory_space<vmem>>)
      %scan3A_414 = arith.constant 0 : i32
      %scan3A_415 = arith.constant 15 : i32
      %scan3A_416 = arith.addi %scan3A_414, %scan3A_415 : i32
      %scan3A_417 = arith.constant 1 : i32
      scf.for %scan3A_436 = %scan3A_414 to %scan3A_416 step %scan3A_417  : i32 {
        %mul3A_437 = arith.constant 128 : i32
        %mul3A_438 = arith.muli %scan3A_436, %mul3A_437 : i32
        %add3A_439 = arith.constant 0 : i32
        %add3A_440 = arith.addi %add3A_439, %mul3A_438 : i32
        %add3A_441 = arith.constant 0 : i32
        %add3A_442 = arith.addi %add3A_440, %add3A_441 : i32
        %get3A = arith.index_cast %add3A_442 : i32 to index
        %get3A_443 = tpu.vector_load %arg7[%get3A] {strides = array<i32>} : memref<2000xi32, #tpu.memory_space<vmem>>, vector<16xi32>,
        tpu.vector_store_idx %arg9[%get3A_443], %broadcast_in_dim3A_2 {add = true} : memref<100096xf32, #tpu.memory_space<vmem>>[vector<16xi32>], vector<16xf32>,
        %add3A_444 = arith.constant 16 : i32
        %add3A_445 = arith.addi %add3A_440, %add3A_444 : i32
        %get3A_446 = arith.index_cast %add3A_445 : i32 to index
        %get3A_447 = tpu.vector_load %arg7[%get3A_446] {strides = array<i32>} : memref<2000xi32, #tpu.memory_space<vmem>>, vector<16xi32>,
        tpu.vector_store_idx %arg9[%get3A_447], %broadcast_in_dim3A_2 {add = true} : memref<100096xf32, #tpu.memory_space<vmem>>[vector<16xi32>], vector<16xf32>,
        %add3A_448 = arith.constant 32 : i32
        %add3A_449 = arith.addi %add3A_440, %add3A_448 : i32
        %get3A_450 = arith.index_cast %add3A_449 : i32 to index
        %get3A_451 = tpu.vector_load %arg7[%get3A_450] {strides = array<i32>} : memref<2000xi32, #tpu.memory_space<vmem>>, vector<16xi32>,
        tpu.vector_store_idx %arg9[%get3A_451], %broadcast_in_dim3A_2 {add = true} : memref<100096xf32, #tpu.memory_space<vmem>>[vector<16xi32>], vector<16xf32>,
        %add3A_452 = arith.constant 48 : i32
        %add3A_453 = arith.addi %add3A_440, %add3A_452 : i32
        %get3A_454 = arith.index_cast %add3A_453 : i32 to index
        %get3A_455 = tpu.vector_load %arg7[%get3A_454] {strides = array<i32>} : memref<2000xi32, #tpu.memory_space<vmem>>, vector<16xi32>,
        tpu.vector_store_idx %arg9[%get3A_455], %broadcast_in_dim3A_2 {add = true} : memref<100096xf32, #tpu.memory_space<vmem>>[vector<16xi32>], vector<16xf32>,
        %add3A_456 = arith.constant 64 : i32
        %add3A_457 = arith.addi %add3A_440, %add3A_456 : i32
        %get3A_458 = arith.index_cast %add3A_457 : i32 to index
        %get3A_459 = tpu.vector_load %arg7[%get3A_458] {strides = array<i32>} : memref<2000xi32, #tpu.memory_space<vmem>>, vector<16xi32>,
        tpu.vector_store_idx %arg9[%get3A_459], %broadcast_in_dim3A_2 {add = true} : memref<100096xf32, #tpu.memory_space<vmem>>[vector<16xi32>], vector<16xf32>,
        %add3A_460 = arith.constant 80 : i32
        %add3A_461 = arith.addi %add3A_440, %add3A_460 : i32
        %get3A_462 = arith.index_cast %add3A_461 : i32 to index
        %get3A_463 = tpu.vector_load %arg7[%get3A_462] {strides = array<i32>} : memref<2000xi32, #tpu.memory_space<vmem>>, vector<16xi32>,
        tpu.vector_store_idx %arg9[%get3A_463], %broadcast_in_dim3A_2 {add = true} : memref<100096xf32, #tpu.memory_space<vmem>>[vector<16xi32>], vector<16xf32>,
        %add3A_464 = arith.constant 96 : i32
        %add3A_465 = arith.addi %add3A_440, %add3A_464 : i32
        %get3A_466 = arith.index_cast %add3A_465 : i32 to index
        %get3A_467 = tpu.vector_load %arg7[%get3A_466] {strides = array<i32>} : memref<2000xi32, #tpu.memory_space<vmem>>, vector<16xi32>,
        tpu.vector_store_idx %arg9[%get3A_467], %broadcast_in_dim3A_2 {add = true} : memref<100096xf32, #tpu.memory_space<vmem>>[vector<16xi32>], vector<16xf32>,
        %add3A_468 = arith.constant 112 : i32
        %add3A_469 = arith.addi %add3A_440, %add3A_468 : i32
        %get3A_470 = arith.index_cast %add3A_469 : i32 to index
        %get3A_471 = tpu.vector_load %arg7[%get3A_470] {strides = array<i32>} : memref<2000xi32, #tpu.memory_space<vmem>>, vector<16xi32>,
        tpu.vector_store_idx %arg9[%get3A_471], %broadcast_in_dim3A_2 {add = true} : memref<100096xf32, #tpu.memory_space<vmem>>[vector<16xi32>], vector<16xf32>,
      }
      %scan3A_418 = arith.constant 15 : i32
      %scan3A_419 = arith.constant 0 : i32
      %scan3A_420 = arith.constant 5 : i32
      %scan3A_421 = arith.addi %scan3A_419, %scan3A_420 : i32
      %scan3A_422 = arith.constant 1 : i32
      scf.for %scan3A_436 = %scan3A_419 to %scan3A_421 step %scan3A_422  : i32 {
        %mul3A_437 = arith.constant 16 : i32
        %mul3A_438 = arith.muli %scan3A_436, %mul3A_437 : i32
        %add3A_439 = arith.constant 1920 : i32
        %add3A_440 = arith.addi %add3A_439, %mul3A_438 : i32
        %get3A = arith.index_cast %add3A_440 : i32 to index
        %get3A_441 = tpu.vector_load %arg7[%get3A] {strides = array<i32>} : memref<2000xi32, #tpu.memory_space<vmem>>, vector<16xi32>,
        tpu.vector_store_idx %arg9[%get3A_441], %broadcast_in_dim3A_2 {add = true} : memref<100096xf32, #tpu.memory_space<vmem>>[vector<16xi32>], vector<16xf32>,
      }
      %scan3A_423 = arith.constant 5 : i32
      %dma_wait3A_424 = tpu.memref_slice %arg2[%add3A_385] : memref<6400000xi32, #tpu.memory_space<hbm>> -> memref<2000xi32, #tpu.memory_space<hbm>>
      %dma_wait3A_425 = tpu.memref_slice %arg2[%add3A_385] : memref<6400000xi32, #tpu.memory_space<hbm>> -> memref<2000xi32, #tpu.memory_space<hbm>>
      tpu.wait_dma2 semaphore(%arg14 : memref<!tpu.dma_semaphore, #tpu.memory_space<semaphore_mem>>) src(%dma_wait3A_425 : memref<2000xi32, #tpu.memory_space<hbm>>) dst(%arg8 : memref<2000xi32, #tpu.memory_space<vmem>>)
      %scan3A_426 = arith.constant 0 : i32
      %scan3A_427 = arith.constant 15 : i32
      %scan3A_428 = arith.addi %scan3A_426, %scan3A_427 : i32
      %scan3A_429 = arith.constant 1 : i32
      scf.for %scan3A_436 = %scan3A_426 to %scan3A_428 step %scan3A_429  : i32 {
        %mul3A_437 = arith.constant 128 : i32
        %mul3A_438 = arith.muli %scan3A_436, %mul3A_437 : i32
        %add3A_439 = arith.constant 0 : i32
        %add3A_440 = arith.addi %add3A_439, %mul3A_438 : i32
        %add3A_441 = arith.constant 0 : i32
        %add3A_442 = arith.addi %add3A_440, %add3A_441 : i32
        %get3A = arith.index_cast %add3A_442 : i32 to index
        %get3A_443 = tpu.vector_load %arg8[%get3A] {strides = array<i32>} : memref<2000xi32, #tpu.memory_space<vmem>>, vector<16xi32>,
        tpu.vector_store_idx %arg9[%get3A_443], %broadcast_in_dim3A_2 {add = true} : memref<100096xf32, #tpu.memory_space<vmem>>[vector<16xi32>], vector<16xf32>,
        %add3A_444 = arith.constant 16 : i32
        %add3A_445 = arith.addi %add3A_440, %add3A_444 : i32
        %get3A_446 = arith.index_cast %add3A_445 : i32 to index
        %get3A_447 = tpu.vector_load %arg8[%get3A_446] {strides = array<i32>} : memref<2000xi32, #tpu.memory_space<vmem>>, vector<16xi32>,
        tpu.vector_store_idx %arg9[%get3A_447], %broadcast_in_dim3A_2 {add = true} : memref<100096xf32, #tpu.memory_space<vmem>>[vector<16xi32>], vector<16xf32>,
        %add3A_448 = arith.constant 32 : i32
        %add3A_449 = arith.addi %add3A_440, %add3A_448 : i32
        %get3A_450 = arith.index_cast %add3A_449 : i32 to index
        %get3A_451 = tpu.vector_load %arg8[%get3A_450] {strides = array<i32>} : memref<2000xi32, #tpu.memory_space<vmem>>, vector<16xi32>,
        tpu.vector_store_idx %arg9[%get3A_451], %broadcast_in_dim3A_2 {add = true} : memref<100096xf32, #tpu.memory_space<vmem>>[vector<16xi32>], vector<16xf32>,
        %add3A_452 = arith.constant 48 : i32
        %add3A_453 = arith.addi %add3A_440, %add3A_452 : i32
        %get3A_454 = arith.index_cast %add3A_453 : i32 to index
        %get3A_455 = tpu.vector_load %arg8[%get3A_454] {strides = array<i32>} : memref<2000xi32, #tpu.memory_space<vmem>>, vector<16xi32>,
        tpu.vector_store_idx %arg9[%get3A_455], %broadcast_in_dim3A_2 {add = true} : memref<100096xf32, #tpu.memory_space<vmem>>[vector<16xi32>], vector<16xf32>,
        %add3A_456 = arith.constant 64 : i32
        %add3A_457 = arith.addi %add3A_440, %add3A_456 : i32
        %get3A_458 = arith.index_cast %add3A_457 : i32 to index
        %get3A_459 = tpu.vector_load %arg8[%get3A_458] {strides = array<i32>} : memref<2000xi32, #tpu.memory_space<vmem>>, vector<16xi32>,
        tpu.vector_store_idx %arg9[%get3A_459], %broadcast_in_dim3A_2 {add = true} : memref<100096xf32, #tpu.memory_space<vmem>>[vector<16xi32>], vector<16xf32>,
        %add3A_460 = arith.constant 80 : i32
        %add3A_461 = arith.addi %add3A_440, %add3A_460 : i32
        %get3A_462 = arith.index_cast %add3A_461 : i32 to index
        %get3A_463 = tpu.vector_load %arg8[%get3A_462] {strides = array<i32>} : memref<2000xi32, #tpu.memory_space<vmem>>, vector<16xi32>,
        tpu.vector_store_idx %arg9[%get3A_463], %broadcast_in_dim3A_2 {add = true} : memref<100096xf32, #tpu.memory_space<vmem>>[vector<16xi32>], vector<16xf32>,
        %add3A_464 = arith.constant 96 : i32
        %add3A_465 = arith.addi %add3A_440, %add3A_464 : i32
        %get3A_466 = arith.index_cast %add3A_465 : i32 to index
        %get3A_467 = tpu.vector_load %arg8[%get3A_466] {strides = array<i32>} : memref<2000xi32, #tpu.memory_space<vmem>>, vector<16xi32>,
        tpu.vector_store_idx %arg9[%get3A_467], %broadcast_in_dim3A_2 {add = true} : memref<100096xf32, #tpu.memory_space<vmem>>[vector<16xi32>], vector<16xf32>,
        %add3A_468 = arith.constant 112 : i32
        %add3A_469 = arith.addi %add3A_440, %add3A_468 : i32
        %get3A_470 = arith.index_cast %add3A_469 : i32 to index
        %get3A_471 = tpu.vector_load %arg8[%get3A_470] {strides = array<i32>} : memref<2000xi32, #tpu.memory_space<vmem>>, vector<16xi32>,
        tpu.vector_store_idx %arg9[%get3A_471], %broadcast_in_dim3A_2 {add = true} : memref<100096xf32, #tpu.memory_space<vmem>>[vector<16xi32>], vector<16xf32>,
      }
      %scan3A_430 = arith.constant 15 : i32
      %scan3A_431 = arith.constant 0 : i32
      %scan3A_432 = arith.constant 5 : i32
      %scan3A_433 = arith.addi %scan3A_431, %scan3A_432 : i32
      %scan3A_434 = arith.constant 1 : i32
      scf.for %scan3A_436 = %scan3A_431 to %scan3A_433 step %scan3A_434  : i32 {
        %mul3A_437 = arith.constant 16 : i32
        %mul3A_438 = arith.muli %scan3A_436, %mul3A_437 : i32
        %add3A_439 = arith.constant 1920 : i32
        %add3A_440 = arith.addi %add3A_439, %mul3A_438 : i32
        %get3A = arith.index_cast %add3A_440 : i32 to index
        %get3A_441 = tpu.vector_load %arg8[%get3A] {strides = array<i32>} : memref<2000xi32, #tpu.memory_space<vmem>>, vector<16xi32>,
        tpu.vector_store_idx %arg9[%get3A_441], %broadcast_in_dim3A_2 {add = true} : memref<100096xf32, #tpu.memory_space<vmem>>[vector<16xi32>], vector<16xf32>,
      }
      %scan3A_435 = arith.constant 5 : i32
    }
    %scan3A_14 = arith.constant 25 : i32
    %mul3A_15 = arith.constant 16 : i32
    %mul3A_16 = arith.muli %arg0, %mul3A_15 : i32
    %add3A_17 = arith.addi %mul3A_16, %arg1 : i32
    %mul3A_18 = arith.constant 100096 : i32
    %mul3A_19 = arith.muli %add3A_17, %mul3A_18 : i32
    "tpu.region"() ({
      %run_scoped3A = tpu.sem_alloc : memref<!tpu.dma_semaphore, #tpu.memory_space<semaphore_mem>>
      %dma_start3A_364 = tpu.memref_slice %arg4[%mul3A_19] : memref<3203072xf32, #tpu.memory_space<hbm>> -> memref<100096xf32, #tpu.memory_space<hbm>>
      %dma_start3A_365 = tpu.memref_slice %arg4[%mul3A_19] : memref<3203072xf32, #tpu.memory_space<hbm>> -> memref<100096xf32, #tpu.memory_space<hbm>>
      tpu.enqueue_dma source(%arg9 : memref<100096xf32, #tpu.memory_space<vmem>>) target(%dma_start3A_365 : memref<100096xf32, #tpu.memory_space<hbm>>) target_semaphore(%run_scoped3A : memref<!tpu.dma_semaphore, #tpu.memory_space<semaphore_mem>>)
      %dma_wait3A_366 = tpu.memref_slice %arg4[%mul3A_19] : memref<3203072xf32, #tpu.memory_space<hbm>> -> memref<100096xf32, #tpu.memory_space<hbm>>
      %dma_wait3A_367 = tpu.memref_slice %arg4[%mul3A_19] : memref<3203072xf32, #tpu.memory_space<hbm>> -> memref<100096xf32, #tpu.memory_space<hbm>>
      tpu.wait_dma2 semaphore(%run_scoped3A : memref<!tpu.dma_semaphore, #tpu.memory_space<semaphore_mem>>) src(%arg9 : memref<100096xf32, #tpu.memory_space<vmem>>) dst(%dma_wait3A_367 : memref<100096xf32, #tpu.memory_space<hbm>>)
      tpu.yield
    }) : () -> ()
    %barrier3A = arith.constant 0 : index
    tpu.barrier barrier_id(%barrier3A)
    %mul3A_20 = arith.constant 16 : i32
    %mul3A_21 = arith.muli %arg0, %mul3A_20 : i32
    %add3A_22 = arith.constant 0 : i32
    %add3A_23 = arith.addi %mul3A_21, %add3A_22 : i32
    %mul3A_24 = arith.constant 100096 : i32
    %mul3A_25 = arith.muli %add3A_23, %mul3A_24 : i32
    %mul3A_26 = arith.constant 6256 : i32
    %mul3A_27 = arith.muli %arg1, %mul3A_26 : i32
    %add3A_28 = arith.addi %mul3A_25, %mul3A_27 : i32
    %dma_start3A = arith.constant 0 : i32
    %dma_start3A_29 = tpu.memref_slice %arg9[%dma_start3A] : memref<100096xf32, #tpu.memory_space<vmem>> -> memref<6256xf32, #tpu.memory_space<vmem>>
    %dma_start3A_30 = tpu.memref_slice %arg4[%add3A_28] : memref<3203072xf32, #tpu.memory_space<hbm>> -> memref<6256xf32, #tpu.memory_space<hbm>>
    %dma_start3A_31 = arith.constant 0 : i32
    %dma_start3A_32 = tpu.memref_slice %arg9[%dma_start3A_31] : memref<100096xf32, #tpu.memory_space<vmem>> -> memref<6256xf32, #tpu.memory_space<vmem>>
    %dma_start3A_33 = tpu.memref_slice %arg4[%add3A_28] : memref<3203072xf32, #tpu.memory_space<hbm>> -> memref<6256xf32, #tpu.memory_space<hbm>>
    tpu.enqueue_dma source(%dma_start3A_33 : memref<6256xf32, #tpu.memory_space<hbm>>) target(%dma_start3A_32 : memref<6256xf32, #tpu.memory_space<vmem>>) target_semaphore(%arg15 : memref<!tpu.dma_semaphore, #tpu.memory_space<semaphore_mem>>)
    %mul3A_34 = arith.constant 16 : i32
    %mul3A_35 = arith.muli %arg0, %mul3A_34 : i32
    %add3A_36 = arith.constant 1 : i32
    %add3A_37 = arith.addi %mul3A_35, %add3A_36 : i32
    %mul3A_38 = arith.constant 100096 : i32
    %mul3A_39 = arith.muli %add3A_37, %mul3A_38 : i32
    %mul3A_40 = arith.constant 6256 : i32
    %mul3A_41 = arith.muli %arg1, %mul3A_40 : i32
    %add3A_42 = arith.addi %mul3A_39, %mul3A_41 : i32
    %dma_start3A_43 = arith.constant 6256 : i32
    %dma_start3A_44 = tpu.memref_slice %arg9[%dma_start3A_43] : memref<100096xf32, #tpu.memory_space<vmem>> -> memref<6256xf32, #tpu.memory_space<vmem>>
    %dma_start3A_45 = tpu.memref_slice %arg4[%add3A_42] : memref<3203072xf32, #tpu.memory_space<hbm>> -> memref<6256xf32, #tpu.memory_space<hbm>>
    %dma_start3A_46 = arith.constant 6256 : i32
    %dma_start3A_47 = tpu.memref_slice %arg9[%dma_start3A_46] : memref<100096xf32, #tpu.memory_space<vmem>> -> memref<6256xf32, #tpu.memory_space<vmem>>
    %dma_start3A_48 = tpu.memref_slice %arg4[%add3A_42] : memref<3203072xf32, #tpu.memory_space<hbm>> -> memref<6256xf32, #tpu.memory_space<hbm>>
    tpu.enqueue_dma source(%dma_start3A_48 : memref<6256xf32, #tpu.memory_space<hbm>>) target(%dma_start3A_47 : memref<6256xf32, #tpu.memory_space<vmem>>) target_semaphore(%arg15 : memref<!tpu.dma_semaphore, #tpu.memory_space<semaphore_mem>>)
    %mul3A_49 = arith.constant 16 : i32
    %mul3A_50 = arith.muli %arg0, %mul3A_49 : i32
    %add3A_51 = arith.constant 2 : i32
    %add3A_52 = arith.addi %mul3A_50, %add3A_51 : i32
    %mul3A_53 = arith.constant 100096 : i32
    %mul3A_54 = arith.muli %add3A_52, %mul3A_53 : i32
    %mul3A_55 = arith.constant 6256 : i32
    %mul3A_56 = arith.muli %arg1, %mul3A_55 : i32
    %add3A_57 = arith.addi %mul3A_54, %mul3A_56 : i32
    %dma_start3A_58 = arith.constant 12512 : i32
    %dma_start3A_59 = tpu.memref_slice %arg9[%dma_start3A_58] : memref<100096xf32, #tpu.memory_space<vmem>> -> memref<6256xf32, #tpu.memory_space<vmem>>
    %dma_start3A_60 = tpu.memref_slice %arg4[%add3A_57] : memref<3203072xf32, #tpu.memory_space<hbm>> -> memref<6256xf32, #tpu.memory_space<hbm>>
    %dma_start3A_61 = arith.constant 12512 : i32
    %dma_start3A_62 = tpu.memref_slice %arg9[%dma_start3A_61] : memref<100096xf32, #tpu.memory_space<vmem>> -> memref<6256xf32, #tpu.memory_space<vmem>>
    %dma_start3A_63 = tpu.memref_slice %arg4[%add3A_57] : memref<3203072xf32, #tpu.memory_space<hbm>> -> memref<6256xf32, #tpu.memory_space<hbm>>
    tpu.enqueue_dma source(%dma_start3A_63 : memref<6256xf32, #tpu.memory_space<hbm>>) target(%dma_start3A_62 : memref<6256xf32, #tpu.memory_space<vmem>>) target_semaphore(%arg15 : memref<!tpu.dma_semaphore, #tpu.memory_space<semaphore_mem>>)
    %mul3A_64 = arith.constant 16 : i32
    %mul3A_65 = arith.muli %arg0, %mul3A_64 : i32
    %add3A_66 = arith.constant 3 : i32
    %add3A_67 = arith.addi %mul3A_65, %add3A_66 : i32
    %mul3A_68 = arith.constant 100096 : i32
    %mul3A_69 = arith.muli %add3A_67, %mul3A_68 : i32
    %mul3A_70 = arith.constant 6256 : i32
    %mul3A_71 = arith.muli %arg1, %mul3A_70 : i32
    %add3A_72 = arith.addi %mul3A_69, %mul3A_71 : i32
    %dma_start3A_73 = arith.constant 18768 : i32
    %dma_start3A_74 = tpu.memref_slice %arg9[%dma_start3A_73] : memref<100096xf32, #tpu.memory_space<vmem>> -> memref<6256xf32, #tpu.memory_space<vmem>>
    %dma_start3A_75 = tpu.memref_slice %arg4[%add3A_72] : memref<3203072xf32, #tpu.memory_space<hbm>> -> memref<6256xf32, #tpu.memory_space<hbm>>
    %dma_start3A_76 = arith.constant 18768 : i32
    %dma_start3A_77 = tpu.memref_slice %arg9[%dma_start3A_76] : memref<100096xf32, #tpu.memory_space<vmem>> -> memref<6256xf32, #tpu.memory_space<vmem>>
    %dma_start3A_78 = tpu.memref_slice %arg4[%add3A_72] : memref<3203072xf32, #tpu.memory_space<hbm>> -> memref<6256xf32, #tpu.memory_space<hbm>>
    tpu.enqueue_dma source(%dma_start3A_78 : memref<6256xf32, #tpu.memory_space<hbm>>) target(%dma_start3A_77 : memref<6256xf32, #tpu.memory_space<vmem>>) target_semaphore(%arg15 : memref<!tpu.dma_semaphore, #tpu.memory_space<semaphore_mem>>)
    %mul3A_79 = arith.constant 16 : i32
    %mul3A_80 = arith.muli %arg0, %mul3A_79 : i32
    %add3A_81 = arith.constant 4 : i32
    %add3A_82 = arith.addi %mul3A_80, %add3A_81 : i32
    %mul3A_83 = arith.constant 100096 : i32
    %mul3A_84 = arith.muli %add3A_82, %mul3A_83 : i32
    %mul3A_85 = arith.constant 6256 : i32
    %mul3A_86 = arith.muli %arg1, %mul3A_85 : i32
    %add3A_87 = arith.addi %mul3A_84, %mul3A_86 : i32
    %dma_start3A_88 = arith.constant 25024 : i32
    %dma_start3A_89 = tpu.memref_slice %arg9[%dma_start3A_88] : memref<100096xf32, #tpu.memory_space<vmem>> -> memref<6256xf32, #tpu.memory_space<vmem>>
    %dma_start3A_90 = tpu.memref_slice %arg4[%add3A_87] : memref<3203072xf32, #tpu.memory_space<hbm>> -> memref<6256xf32, #tpu.memory_space<hbm>>
    %dma_start3A_91 = arith.constant 25024 : i32
    %dma_start3A_92 = tpu.memref_slice %arg9[%dma_start3A_91] : memref<100096xf32, #tpu.memory_space<vmem>> -> memref<6256xf32, #tpu.memory_space<vmem>>
    %dma_start3A_93 = tpu.memref_slice %arg4[%add3A_87] : memref<3203072xf32, #tpu.memory_space<hbm>> -> memref<6256xf32, #tpu.memory_space<hbm>>
    tpu.enqueue_dma source(%dma_start3A_93 : memref<6256xf32, #tpu.memory_space<hbm>>) target(%dma_start3A_92 : memref<6256xf32, #tpu.memory_space<vmem>>) target_semaphore(%arg15 : memref<!tpu.dma_semaphore, #tpu.memory_space<semaphore_mem>>)
    %mul3A_94 = arith.constant 16 : i32
    %mul3A_95 = arith.muli %arg0, %mul3A_94 : i32
    %add3A_96 = arith.constant 5 : i32
    %add3A_97 = arith.addi %mul3A_95, %add3A_96 : i32
    %mul3A_98 = arith.constant 100096 : i32
    %mul3A_99 = arith.muli %add3A_97, %mul3A_98 : i32
    %mul3A_100 = arith.constant 6256 : i32
    %mul3A_101 = arith.muli %arg1, %mul3A_100 : i32
    %add3A_102 = arith.addi %mul3A_99, %mul3A_101 : i32
    %dma_start3A_103 = arith.constant 31280 : i32
    %dma_start3A_104 = tpu.memref_slice %arg9[%dma_start3A_103] : memref<100096xf32, #tpu.memory_space<vmem>> -> memref<6256xf32, #tpu.memory_space<vmem>>
    %dma_start3A_105 = tpu.memref_slice %arg4[%add3A_102] : memref<3203072xf32, #tpu.memory_space<hbm>> -> memref<6256xf32, #tpu.memory_space<hbm>>
    %dma_start3A_106 = arith.constant 31280 : i32
    %dma_start3A_107 = tpu.memref_slice %arg9[%dma_start3A_106] : memref<100096xf32, #tpu.memory_space<vmem>> -> memref<6256xf32, #tpu.memory_space<vmem>>
    %dma_start3A_108 = tpu.memref_slice %arg4[%add3A_102] : memref<3203072xf32, #tpu.memory_space<hbm>> -> memref<6256xf32, #tpu.memory_space<hbm>>
    tpu.enqueue_dma source(%dma_start3A_108 : memref<6256xf32, #tpu.memory_space<hbm>>) target(%dma_start3A_107 : memref<6256xf32, #tpu.memory_space<vmem>>) target_semaphore(%arg15 : memref<!tpu.dma_semaphore, #tpu.memory_space<semaphore_mem>>)
    %mul3A_109 = arith.constant 16 : i32
    %mul3A_110 = arith.muli %arg0, %mul3A_109 : i32
    %add3A_111 = arith.constant 6 : i32
    %add3A_112 = arith.addi %mul3A_110, %add3A_111 : i32
    %mul3A_113 = arith.constant 100096 : i32
    %mul3A_114 = arith.muli %add3A_112, %mul3A_113 : i32
    %mul3A_115 = arith.constant 6256 : i32
    %mul3A_116 = arith.muli %arg1, %mul3A_115 : i32
    %add3A_117 = arith.addi %mul3A_114, %mul3A_116 : i32
    %dma_start3A_118 = arith.constant 37536 : i32
    %dma_start3A_119 = tpu.memref_slice %arg9[%dma_start3A_118] : memref<100096xf32, #tpu.memory_space<vmem>> -> memref<6256xf32, #tpu.memory_space<vmem>>
    %dma_start3A_120 = tpu.memref_slice %arg4[%add3A_117] : memref<3203072xf32, #tpu.memory_space<hbm>> -> memref<6256xf32, #tpu.memory_space<hbm>>
    %dma_start3A_121 = arith.constant 37536 : i32
    %dma_start3A_122 = tpu.memref_slice %arg9[%dma_start3A_121] : memref<100096xf32, #tpu.memory_space<vmem>> -> memref<6256xf32, #tpu.memory_space<vmem>>
    %dma_start3A_123 = tpu.memref_slice %arg4[%add3A_117] : memref<3203072xf32, #tpu.memory_space<hbm>> -> memref<6256xf32, #tpu.memory_space<hbm>>
    tpu.enqueue_dma source(%dma_start3A_123 : memref<6256xf32, #tpu.memory_space<hbm>>) target(%dma_start3A_122 : memref<6256xf32, #tpu.memory_space<vmem>>) target_semaphore(%arg15 : memref<!tpu.dma_semaphore, #tpu.memory_space<semaphore_mem>>)
    %mul3A_124 = arith.constant 16 : i32
    %mul3A_125 = arith.muli %arg0, %mul3A_124 : i32
    %add3A_126 = arith.constant 7 : i32
    %add3A_127 = arith.addi %mul3A_125, %add3A_126 : i32
    %mul3A_128 = arith.constant 100096 : i32
    %mul3A_129 = arith.muli %add3A_127, %mul3A_128 : i32
    %mul3A_130 = arith.constant 6256 : i32
    %mul3A_131 = arith.muli %arg1, %mul3A_130 : i32
    %add3A_132 = arith.addi %mul3A_129, %mul3A_131 : i32
    %dma_start3A_133 = arith.constant 43792 : i32
    %dma_start3A_134 = tpu.memref_slice %arg9[%dma_start3A_133] : memref<100096xf32, #tpu.memory_space<vmem>> -> memref<6256xf32, #tpu.memory_space<vmem>>
    %dma_start3A_135 = tpu.memref_slice %arg4[%add3A_132] : memref<3203072xf32, #tpu.memory_space<hbm>> -> memref<6256xf32, #tpu.memory_space<hbm>>
    %dma_start3A_136 = arith.constant 43792 : i32
    %dma_start3A_137 = tpu.memref_slice %arg9[%dma_start3A_136] : memref<100096xf32, #tpu.memory_space<vmem>> -> memref<6256xf32, #tpu.memory_space<vmem>>
    %dma_start3A_138 = tpu.memref_slice %arg4[%add3A_132] : memref<3203072xf32, #tpu.memory_space<hbm>> -> memref<6256xf32, #tpu.memory_space<hbm>>
    tpu.enqueue_dma source(%dma_start3A_138 : memref<6256xf32, #tpu.memory_space<hbm>>) target(%dma_start3A_137 : memref<6256xf32, #tpu.memory_space<vmem>>) target_semaphore(%arg15 : memref<!tpu.dma_semaphore, #tpu.memory_space<semaphore_mem>>)
    %mul3A_139 = arith.constant 16 : i32
    %mul3A_140 = arith.muli %arg0, %mul3A_139 : i32
    %add3A_141 = arith.constant 8 : i32
    %add3A_142 = arith.addi %mul3A_140, %add3A_141 : i32
    %mul3A_143 = arith.constant 100096 : i32
    %mul3A_144 = arith.muli %add3A_142, %mul3A_143 : i32
    %mul3A_145 = arith.constant 6256 : i32
    %mul3A_146 = arith.muli %arg1, %mul3A_145 : i32
    %add3A_147 = arith.addi %mul3A_144, %mul3A_146 : i32
    %dma_start3A_148 = arith.constant 50048 : i32
    %dma_start3A_149 = tpu.memref_slice %arg9[%dma_start3A_148] : memref<100096xf32, #tpu.memory_space<vmem>> -> memref<6256xf32, #tpu.memory_space<vmem>>
    %dma_start3A_150 = tpu.memref_slice %arg4[%add3A_147] : memref<3203072xf32, #tpu.memory_space<hbm>> -> memref<6256xf32, #tpu.memory_space<hbm>>
    %dma_start3A_151 = arith.constant 50048 : i32
    %dma_start3A_152 = tpu.memref_slice %arg9[%dma_start3A_151] : memref<100096xf32, #tpu.memory_space<vmem>> -> memref<6256xf32, #tpu.memory_space<vmem>>
    %dma_start3A_153 = tpu.memref_slice %arg4[%add3A_147] : memref<3203072xf32, #tpu.memory_space<hbm>> -> memref<6256xf32, #tpu.memory_space<hbm>>
    tpu.enqueue_dma source(%dma_start3A_153 : memref<6256xf32, #tpu.memory_space<hbm>>) target(%dma_start3A_152 : memref<6256xf32, #tpu.memory_space<vmem>>) target_semaphore(%arg15 : memref<!tpu.dma_semaphore, #tpu.memory_space<semaphore_mem>>)
    %mul3A_154 = arith.constant 16 : i32
    %mul3A_155 = arith.muli %arg0, %mul3A_154 : i32
    %add3A_156 = arith.constant 9 : i32
    %add3A_157 = arith.addi %mul3A_155, %add3A_156 : i32
    %mul3A_158 = arith.constant 100096 : i32
    %mul3A_159 = arith.muli %add3A_157, %mul3A_158 : i32
    %mul3A_160 = arith.constant 6256 : i32
    %mul3A_161 = arith.muli %arg1, %mul3A_160 : i32
    %add3A_162 = arith.addi %mul3A_159, %mul3A_161 : i32
    %dma_start3A_163 = arith.constant 56304 : i32
    %dma_start3A_164 = tpu.memref_slice %arg9[%dma_start3A_163] : memref<100096xf32, #tpu.memory_space<vmem>> -> memref<6256xf32, #tpu.memory_space<vmem>>
    %dma_start3A_165 = tpu.memref_slice %arg4[%add3A_162] : memref<3203072xf32, #tpu.memory_space<hbm>> -> memref<6256xf32, #tpu.memory_space<hbm>>
    %dma_start3A_166 = arith.constant 56304 : i32
    %dma_start3A_167 = tpu.memref_slice %arg9[%dma_start3A_166] : memref<100096xf32, #tpu.memory_space<vmem>> -> memref<6256xf32, #tpu.memory_space<vmem>>
    %dma_start3A_168 = tpu.memref_slice %arg4[%add3A_162] : memref<3203072xf32, #tpu.memory_space<hbm>> -> memref<6256xf32, #tpu.memory_space<hbm>>
    tpu.enqueue_dma source(%dma_start3A_168 : memref<6256xf32, #tpu.memory_space<hbm>>) target(%dma_start3A_167 : memref<6256xf32, #tpu.memory_space<vmem>>) target_semaphore(%arg15 : memref<!tpu.dma_semaphore, #tpu.memory_space<semaphore_mem>>)
    %mul3A_169 = arith.constant 16 : i32
    %mul3A_170 = arith.muli %arg0, %mul3A_169 : i32
    %add3A_171 = arith.constant 10 : i32
    %add3A_172 = arith.addi %mul3A_170, %add3A_171 : i32
    %mul3A_173 = arith.constant 100096 : i32
    %mul3A_174 = arith.muli %add3A_172, %mul3A_173 : i32
    %mul3A_175 = arith.constant 6256 : i32
    %mul3A_176 = arith.muli %arg1, %mul3A_175 : i32
    %add3A_177 = arith.addi %mul3A_174, %mul3A_176 : i32
    %dma_start3A_178 = arith.constant 62560 : i32
    %dma_start3A_179 = tpu.memref_slice %arg9[%dma_start3A_178] : memref<100096xf32, #tpu.memory_space<vmem>> -> memref<6256xf32, #tpu.memory_space<vmem>>
    %dma_start3A_180 = tpu.memref_slice %arg4[%add3A_177] : memref<3203072xf32, #tpu.memory_space<hbm>> -> memref<6256xf32, #tpu.memory_space<hbm>>
    %dma_start3A_181 = arith.constant 62560 : i32
    %dma_start3A_182 = tpu.memref_slice %arg9[%dma_start3A_181] : memref<100096xf32, #tpu.memory_space<vmem>> -> memref<6256xf32, #tpu.memory_space<vmem>>
    %dma_start3A_183 = tpu.memref_slice %arg4[%add3A_177] : memref<3203072xf32, #tpu.memory_space<hbm>> -> memref<6256xf32, #tpu.memory_space<hbm>>
    tpu.enqueue_dma source(%dma_start3A_183 : memref<6256xf32, #tpu.memory_space<hbm>>) target(%dma_start3A_182 : memref<6256xf32, #tpu.memory_space<vmem>>) target_semaphore(%arg15 : memref<!tpu.dma_semaphore, #tpu.memory_space<semaphore_mem>>)
    %mul3A_184 = arith.constant 16 : i32
    %mul3A_185 = arith.muli %arg0, %mul3A_184 : i32
    %add3A_186 = arith.constant 11 : i32
    %add3A_187 = arith.addi %mul3A_185, %add3A_186 : i32
    %mul3A_188 = arith.constant 100096 : i32
    %mul3A_189 = arith.muli %add3A_187, %mul3A_188 : i32
    %mul3A_190 = arith.constant 6256 : i32
    %mul3A_191 = arith.muli %arg1, %mul3A_190 : i32
    %add3A_192 = arith.addi %mul3A_189, %mul3A_191 : i32
    %dma_start3A_193 = arith.constant 68816 : i32
    %dma_start3A_194 = tpu.memref_slice %arg9[%dma_start3A_193] : memref<100096xf32, #tpu.memory_space<vmem>> -> memref<6256xf32, #tpu.memory_space<vmem>>
    %dma_start3A_195 = tpu.memref_slice %arg4[%add3A_192] : memref<3203072xf32, #tpu.memory_space<hbm>> -> memref<6256xf32, #tpu.memory_space<hbm>>
    %dma_start3A_196 = arith.constant 68816 : i32
    %dma_start3A_197 = tpu.memref_slice %arg9[%dma_start3A_196] : memref<100096xf32, #tpu.memory_space<vmem>> -> memref<6256xf32, #tpu.memory_space<vmem>>
    %dma_start3A_198 = tpu.memref_slice %arg4[%add3A_192] : memref<3203072xf32, #tpu.memory_space<hbm>> -> memref<6256xf32, #tpu.memory_space<hbm>>
    tpu.enqueue_dma source(%dma_start3A_198 : memref<6256xf32, #tpu.memory_space<hbm>>) target(%dma_start3A_197 : memref<6256xf32, #tpu.memory_space<vmem>>) target_semaphore(%arg15 : memref<!tpu.dma_semaphore, #tpu.memory_space<semaphore_mem>>)
    %mul3A_199 = arith.constant 16 : i32
    %mul3A_200 = arith.muli %arg0, %mul3A_199 : i32
    %add3A_201 = arith.constant 12 : i32
    %add3A_202 = arith.addi %mul3A_200, %add3A_201 : i32
    %mul3A_203 = arith.constant 100096 : i32
    %mul3A_204 = arith.muli %add3A_202, %mul3A_203 : i32
    %mul3A_205 = arith.constant 6256 : i32
    %mul3A_206 = arith.muli %arg1, %mul3A_205 : i32
    %add3A_207 = arith.addi %mul3A_204, %mul3A_206 : i32
    %dma_start3A_208 = arith.constant 75072 : i32
    %dma_start3A_209 = tpu.memref_slice %arg9[%dma_start3A_208] : memref<100096xf32, #tpu.memory_space<vmem>> -> memref<6256xf32, #tpu.memory_space<vmem>>
    %dma_start3A_210 = tpu.memref_slice %arg4[%add3A_207] : memref<3203072xf32, #tpu.memory_space<hbm>> -> memref<6256xf32, #tpu.memory_space<hbm>>
    %dma_start3A_211 = arith.constant 75072 : i32
    %dma_start3A_212 = tpu.memref_slice %arg9[%dma_start3A_211] : memref<100096xf32, #tpu.memory_space<vmem>> -> memref<6256xf32, #tpu.memory_space<vmem>>
    %dma_start3A_213 = tpu.memref_slice %arg4[%add3A_207] : memref<3203072xf32, #tpu.memory_space<hbm>> -> memref<6256xf32, #tpu.memory_space<hbm>>
    tpu.enqueue_dma source(%dma_start3A_213 : memref<6256xf32, #tpu.memory_space<hbm>>) target(%dma_start3A_212 : memref<6256xf32, #tpu.memory_space<vmem>>) target_semaphore(%arg15 : memref<!tpu.dma_semaphore, #tpu.memory_space<semaphore_mem>>)
    %mul3A_214 = arith.constant 16 : i32
    %mul3A_215 = arith.muli %arg0, %mul3A_214 : i32
    %add3A_216 = arith.constant 13 : i32
    %add3A_217 = arith.addi %mul3A_215, %add3A_216 : i32
    %mul3A_218 = arith.constant 100096 : i32
    %mul3A_219 = arith.muli %add3A_217, %mul3A_218 : i32
    %mul3A_220 = arith.constant 6256 : i32
    %mul3A_221 = arith.muli %arg1, %mul3A_220 : i32
    %add3A_222 = arith.addi %mul3A_219, %mul3A_221 : i32
    %dma_start3A_223 = arith.constant 81328 : i32
    %dma_start3A_224 = tpu.memref_slice %arg9[%dma_start3A_223] : memref<100096xf32, #tpu.memory_space<vmem>> -> memref<6256xf32, #tpu.memory_space<vmem>>
    %dma_start3A_225 = tpu.memref_slice %arg4[%add3A_222] : memref<3203072xf32, #tpu.memory_space<hbm>> -> memref<6256xf32, #tpu.memory_space<hbm>>
    %dma_start3A_226 = arith.constant 81328 : i32
    %dma_start3A_227 = tpu.memref_slice %arg9[%dma_start3A_226] : memref<100096xf32, #tpu.memory_space<vmem>> -> memref<6256xf32, #tpu.memory_space<vmem>>
    %dma_start3A_228 = tpu.memref_slice %arg4[%add3A_222] : memref<3203072xf32, #tpu.memory_space<hbm>> -> memref<6256xf32, #tpu.memory_space<hbm>>
    tpu.enqueue_dma source(%dma_start3A_228 : memref<6256xf32, #tpu.memory_space<hbm>>) target(%dma_start3A_227 : memref<6256xf32, #tpu.memory_space<vmem>>) target_semaphore(%arg15 : memref<!tpu.dma_semaphore, #tpu.memory_space<semaphore_mem>>)
    %mul3A_229 = arith.constant 16 : i32
    %mul3A_230 = arith.muli %arg0, %mul3A_229 : i32
    %add3A_231 = arith.constant 14 : i32
    %add3A_232 = arith.addi %mul3A_230, %add3A_231 : i32
    %mul3A_233 = arith.constant 100096 : i32
    %mul3A_234 = arith.muli %add3A_232, %mul3A_233 : i32
    %mul3A_235 = arith.constant 6256 : i32
    %mul3A_236 = arith.muli %arg1, %mul3A_235 : i32
    %add3A_237 = arith.addi %mul3A_234, %mul3A_236 : i32
    %dma_start3A_238 = arith.constant 87584 : i32
    %dma_start3A_239 = tpu.memref_slice %arg9[%dma_start3A_238] : memref<100096xf32, #tpu.memory_space<vmem>> -> memref<6256xf32, #tpu.memory_space<vmem>>
    %dma_start3A_240 = tpu.memref_slice %arg4[%add3A_237] : memref<3203072xf32, #tpu.memory_space<hbm>> -> memref<6256xf32, #tpu.memory_space<hbm>>
    %dma_start3A_241 = arith.constant 87584 : i32
    %dma_start3A_242 = tpu.memref_slice %arg9[%dma_start3A_241] : memref<100096xf32, #tpu.memory_space<vmem>> -> memref<6256xf32, #tpu.memory_space<vmem>>
    %dma_start3A_243 = tpu.memref_slice %arg4[%add3A_237] : memref<3203072xf32, #tpu.memory_space<hbm>> -> memref<6256xf32, #tpu.memory_space<hbm>>
    tpu.enqueue_dma source(%dma_start3A_243 : memref<6256xf32, #tpu.memory_space<hbm>>) target(%dma_start3A_242 : memref<6256xf32, #tpu.memory_space<vmem>>) target_semaphore(%arg15 : memref<!tpu.dma_semaphore, #tpu.memory_space<semaphore_mem>>)
    %mul3A_244 = arith.constant 16 : i32
    %mul3A_245 = arith.muli %arg0, %mul3A_244 : i32
    %add3A_246 = arith.constant 15 : i32
    %add3A_247 = arith.addi %mul3A_245, %add3A_246 : i32
    %mul3A_248 = arith.constant 100096 : i32
    %mul3A_249 = arith.muli %add3A_247, %mul3A_248 : i32
    %mul3A_250 = arith.constant 6256 : i32
    %mul3A_251 = arith.muli %arg1, %mul3A_250 : i32
    %add3A_252 = arith.addi %mul3A_249, %mul3A_251 : i32
    %dma_start3A_253 = arith.constant 93840 : i32
    %dma_start3A_254 = tpu.memref_slice %arg9[%dma_start3A_253] : memref<100096xf32, #tpu.memory_space<vmem>> -> memref<6256xf32, #tpu.memory_space<vmem>>
    %dma_start3A_255 = tpu.memref_slice %arg4[%add3A_252] : memref<3203072xf32, #tpu.memory_space<hbm>> -> memref<6256xf32, #tpu.memory_space<hbm>>
    %dma_start3A_256 = arith.constant 93840 : i32
    %dma_start3A_257 = tpu.memref_slice %arg9[%dma_start3A_256] : memref<100096xf32, #tpu.memory_space<vmem>> -> memref<6256xf32, #tpu.memory_space<vmem>>
    %dma_start3A_258 = tpu.memref_slice %arg4[%add3A_252] : memref<3203072xf32, #tpu.memory_space<hbm>> -> memref<6256xf32, #tpu.memory_space<hbm>>
    tpu.enqueue_dma source(%dma_start3A_258 : memref<6256xf32, #tpu.memory_space<hbm>>) target(%dma_start3A_257 : memref<6256xf32, #tpu.memory_space<vmem>>) target_semaphore(%arg15 : memref<!tpu.dma_semaphore, #tpu.memory_space<semaphore_mem>>)
    %dma_wait3A = arith.constant 0 : i32
    %dma_wait3A_259 = tpu.memref_slice %arg9[%dma_wait3A] : memref<100096xf32, #tpu.memory_space<vmem>> -> memref<6256xf32, #tpu.memory_space<vmem>>
    %dma_wait3A_260 = tpu.memref_slice %arg4[%add3A_28] : memref<3203072xf32, #tpu.memory_space<hbm>> -> memref<6256xf32, #tpu.memory_space<hbm>>
    %dma_wait3A_261 = arith.constant 0 : i32
    %dma_wait3A_262 = tpu.memref_slice %arg9[%dma_wait3A_261] : memref<100096xf32, #tpu.memory_space<vmem>> -> memref<6256xf32, #tpu.memory_space<vmem>>
    %dma_wait3A_263 = tpu.memref_slice %arg4[%add3A_28] : memref<3203072xf32, #tpu.memory_space<hbm>> -> memref<6256xf32, #tpu.memory_space<hbm>>
    tpu.wait_dma2 semaphore(%arg15 : memref<!tpu.dma_semaphore, #tpu.memory_space<semaphore_mem>>) src(%dma_wait3A_263 : memref<6256xf32, #tpu.memory_space<hbm>>) dst(%dma_wait3A_262 : memref<6256xf32, #tpu.memory_space<vmem>>)
    %dma_wait3A_264 = arith.constant 6256 : i32
    %dma_wait3A_265 = tpu.memref_slice %arg9[%dma_wait3A_264] : memref<100096xf32, #tpu.memory_space<vmem>> -> memref<6256xf32, #tpu.memory_space<vmem>>
    %dma_wait3A_266 = tpu.memref_slice %arg4[%add3A_42] : memref<3203072xf32, #tpu.memory_space<hbm>> -> memref<6256xf32, #tpu.memory_space<hbm>>
    %dma_wait3A_267 = arith.constant 6256 : i32
    %dma_wait3A_268 = tpu.memref_slice %arg9[%dma_wait3A_267] : memref<100096xf32, #tpu.memory_space<vmem>> -> memref<6256xf32, #tpu.memory_space<vmem>>
    %dma_wait3A_269 = tpu.memref_slice %arg4[%add3A_42] : memref<3203072xf32, #tpu.memory_space<hbm>> -> memref<6256xf32, #tpu.memory_space<hbm>>
    tpu.wait_dma2 semaphore(%arg15 : memref<!tpu.dma_semaphore, #tpu.memory_space<semaphore_mem>>) src(%dma_wait3A_269 : memref<6256xf32, #tpu.memory_space<hbm>>) dst(%dma_wait3A_268 : memref<6256xf32, #tpu.memory_space<vmem>>)
    %dma_wait3A_270 = arith.constant 12512 : i32
    %dma_wait3A_271 = tpu.memref_slice %arg9[%dma_wait3A_270] : memref<100096xf32, #tpu.memory_space<vmem>> -> memref<6256xf32, #tpu.memory_space<vmem>>
    %dma_wait3A_272 = tpu.memref_slice %arg4[%add3A_57] : memref<3203072xf32, #tpu.memory_space<hbm>> -> memref<6256xf32, #tpu.memory_space<hbm>>
    %dma_wait3A_273 = arith.constant 12512 : i32
    %dma_wait3A_274 = tpu.memref_slice %arg9[%dma_wait3A_273] : memref<100096xf32, #tpu.memory_space<vmem>> -> memref<6256xf32, #tpu.memory_space<vmem>>
    %dma_wait3A_275 = tpu.memref_slice %arg4[%add3A_57] : memref<3203072xf32, #tpu.memory_space<hbm>> -> memref<6256xf32, #tpu.memory_space<hbm>>
    tpu.wait_dma2 semaphore(%arg15 : memref<!tpu.dma_semaphore, #tpu.memory_space<semaphore_mem>>) src(%dma_wait3A_275 : memref<6256xf32, #tpu.memory_space<hbm>>) dst(%dma_wait3A_274 : memref<6256xf32, #tpu.memory_space<vmem>>)
    %dma_wait3A_276 = arith.constant 18768 : i32
    %dma_wait3A_277 = tpu.memref_slice %arg9[%dma_wait3A_276] : memref<100096xf32, #tpu.memory_space<vmem>> -> memref<6256xf32, #tpu.memory_space<vmem>>
    %dma_wait3A_278 = tpu.memref_slice %arg4[%add3A_72] : memref<3203072xf32, #tpu.memory_space<hbm>> -> memref<6256xf32, #tpu.memory_space<hbm>>
    %dma_wait3A_279 = arith.constant 18768 : i32
    %dma_wait3A_280 = tpu.memref_slice %arg9[%dma_wait3A_279] : memref<100096xf32, #tpu.memory_space<vmem>> -> memref<6256xf32, #tpu.memory_space<vmem>>
    %dma_wait3A_281 = tpu.memref_slice %arg4[%add3A_72] : memref<3203072xf32, #tpu.memory_space<hbm>> -> memref<6256xf32, #tpu.memory_space<hbm>>
    tpu.wait_dma2 semaphore(%arg15 : memref<!tpu.dma_semaphore, #tpu.memory_space<semaphore_mem>>) src(%dma_wait3A_281 : memref<6256xf32, #tpu.memory_space<hbm>>) dst(%dma_wait3A_280 : memref<6256xf32, #tpu.memory_space<vmem>>)
    %dma_wait3A_282 = arith.constant 25024 : i32
    %dma_wait3A_283 = tpu.memref_slice %arg9[%dma_wait3A_282] : memref<100096xf32, #tpu.memory_space<vmem>> -> memref<6256xf32, #tpu.memory_space<vmem>>
    %dma_wait3A_284 = tpu.memref_slice %arg4[%add3A_87] : memref<3203072xf32, #tpu.memory_space<hbm>> -> memref<6256xf32, #tpu.memory_space<hbm>>
    %dma_wait3A_285 = arith.constant 25024 : i32
    %dma_wait3A_286 = tpu.memref_slice %arg9[%dma_wait3A_285] : memref<100096xf32, #tpu.memory_space<vmem>> -> memref<6256xf32, #tpu.memory_space<vmem>>
    %dma_wait3A_287 = tpu.memref_slice %arg4[%add3A_87] : memref<3203072xf32, #tpu.memory_space<hbm>> -> memref<6256xf32, #tpu.memory_space<hbm>>
    tpu.wait_dma2 semaphore(%arg15 : memref<!tpu.dma_semaphore, #tpu.memory_space<semaphore_mem>>) src(%dma_wait3A_287 : memref<6256xf32, #tpu.memory_space<hbm>>) dst(%dma_wait3A_286 : memref<6256xf32, #tpu.memory_space<vmem>>)
    %dma_wait3A_288 = arith.constant 31280 : i32
    %dma_wait3A_289 = tpu.memref_slice %arg9[%dma_wait3A_288] : memref<100096xf32, #tpu.memory_space<vmem>> -> memref<6256xf32, #tpu.memory_space<vmem>>
    %dma_wait3A_290 = tpu.memref_slice %arg4[%add3A_102] : memref<3203072xf32, #tpu.memory_space<hbm>> -> memref<6256xf32, #tpu.memory_space<hbm>>
    %dma_wait3A_291 = arith.constant 31280 : i32
    %dma_wait3A_292 = tpu.memref_slice %arg9[%dma_wait3A_291] : memref<100096xf32, #tpu.memory_space<vmem>> -> memref<6256xf32, #tpu.memory_space<vmem>>
    %dma_wait3A_293 = tpu.memref_slice %arg4[%add3A_102] : memref<3203072xf32, #tpu.memory_space<hbm>> -> memref<6256xf32, #tpu.memory_space<hbm>>
    tpu.wait_dma2 semaphore(%arg15 : memref<!tpu.dma_semaphore, #tpu.memory_space<semaphore_mem>>) src(%dma_wait3A_293 : memref<6256xf32, #tpu.memory_space<hbm>>) dst(%dma_wait3A_292 : memref<6256xf32, #tpu.memory_space<vmem>>)
    %dma_wait3A_294 = arith.constant 37536 : i32
    %dma_wait3A_295 = tpu.memref_slice %arg9[%dma_wait3A_294] : memref<100096xf32, #tpu.memory_space<vmem>> -> memref<6256xf32, #tpu.memory_space<vmem>>
    %dma_wait3A_296 = tpu.memref_slice %arg4[%add3A_117] : memref<3203072xf32, #tpu.memory_space<hbm>> -> memref<6256xf32, #tpu.memory_space<hbm>>
    %dma_wait3A_297 = arith.constant 37536 : i32
    %dma_wait3A_298 = tpu.memref_slice %arg9[%dma_wait3A_297] : memref<100096xf32, #tpu.memory_space<vmem>> -> memref<6256xf32, #tpu.memory_space<vmem>>
    %dma_wait3A_299 = tpu.memref_slice %arg4[%add3A_117] : memref<3203072xf32, #tpu.memory_space<hbm>> -> memref<6256xf32, #tpu.memory_space<hbm>>
    tpu.wait_dma2 semaphore(%arg15 : memref<!tpu.dma_semaphore, #tpu.memory_space<semaphore_mem>>) src(%dma_wait3A_299 : memref<6256xf32, #tpu.memory_space<hbm>>) dst(%dma_wait3A_298 : memref<6256xf32, #tpu.memory_space<vmem>>)
    %dma_wait3A_300 = arith.constant 43792 : i32
    %dma_wait3A_301 = tpu.memref_slice %arg9[%dma_wait3A_300] : memref<100096xf32, #tpu.memory_space<vmem>> -> memref<6256xf32, #tpu.memory_space<vmem>>
    %dma_wait3A_302 = tpu.memref_slice %arg4[%add3A_132] : memref<3203072xf32, #tpu.memory_space<hbm>> -> memref<6256xf32, #tpu.memory_space<hbm>>
    %dma_wait3A_303 = arith.constant 43792 : i32
    %dma_wait3A_304 = tpu.memref_slice %arg9[%dma_wait3A_303] : memref<100096xf32, #tpu.memory_space<vmem>> -> memref<6256xf32, #tpu.memory_space<vmem>>
    %dma_wait3A_305 = tpu.memref_slice %arg4[%add3A_132] : memref<3203072xf32, #tpu.memory_space<hbm>> -> memref<6256xf32, #tpu.memory_space<hbm>>
    tpu.wait_dma2 semaphore(%arg15 : memref<!tpu.dma_semaphore, #tpu.memory_space<semaphore_mem>>) src(%dma_wait3A_305 : memref<6256xf32, #tpu.memory_space<hbm>>) dst(%dma_wait3A_304 : memref<6256xf32, #tpu.memory_space<vmem>>)
    %dma_wait3A_306 = arith.constant 50048 : i32
    %dma_wait3A_307 = tpu.memref_slice %arg9[%dma_wait3A_306] : memref<100096xf32, #tpu.memory_space<vmem>> -> memref<6256xf32, #tpu.memory_space<vmem>>
    %dma_wait3A_308 = tpu.memref_slice %arg4[%add3A_147] : memref<3203072xf32, #tpu.memory_space<hbm>> -> memref<6256xf32, #tpu.memory_space<hbm>>
    %dma_wait3A_309 = arith.constant 50048 : i32
    %dma_wait3A_310 = tpu.memref_slice %arg9[%dma_wait3A_309] : memref<100096xf32, #tpu.memory_space<vmem>> -> memref<6256xf32, #tpu.memory_space<vmem>>
    %dma_wait3A_311 = tpu.memref_slice %arg4[%add3A_147] : memref<3203072xf32, #tpu.memory_space<hbm>> -> memref<6256xf32, #tpu.memory_space<hbm>>
    tpu.wait_dma2 semaphore(%arg15 : memref<!tpu.dma_semaphore, #tpu.memory_space<semaphore_mem>>) src(%dma_wait3A_311 : memref<6256xf32, #tpu.memory_space<hbm>>) dst(%dma_wait3A_310 : memref<6256xf32, #tpu.memory_space<vmem>>)
    %dma_wait3A_312 = arith.constant 56304 : i32
    %dma_wait3A_313 = tpu.memref_slice %arg9[%dma_wait3A_312] : memref<100096xf32, #tpu.memory_space<vmem>> -> memref<6256xf32, #tpu.memory_space<vmem>>
    %dma_wait3A_314 = tpu.memref_slice %arg4[%add3A_162] : memref<3203072xf32, #tpu.memory_space<hbm>> -> memref<6256xf32, #tpu.memory_space<hbm>>
    %dma_wait3A_315 = arith.constant 56304 : i32
    %dma_wait3A_316 = tpu.memref_slice %arg9[%dma_wait3A_315] : memref<100096xf32, #tpu.memory_space<vmem>> -> memref<6256xf32, #tpu.memory_space<vmem>>
    %dma_wait3A_317 = tpu.memref_slice %arg4[%add3A_162] : memref<3203072xf32, #tpu.memory_space<hbm>> -> memref<6256xf32, #tpu.memory_space<hbm>>
    tpu.wait_dma2 semaphore(%arg15 : memref<!tpu.dma_semaphore, #tpu.memory_space<semaphore_mem>>) src(%dma_wait3A_317 : memref<6256xf32, #tpu.memory_space<hbm>>) dst(%dma_wait3A_316 : memref<6256xf32, #tpu.memory_space<vmem>>)
    %dma_wait3A_318 = arith.constant 62560 : i32
    %dma_wait3A_319 = tpu.memref_slice %arg9[%dma_wait3A_318] : memref<100096xf32, #tpu.memory_space<vmem>> -> memref<6256xf32, #tpu.memory_space<vmem>>
    %dma_wait3A_320 = tpu.memref_slice %arg4[%add3A_177] : memref<3203072xf32, #tpu.memory_space<hbm>> -> memref<6256xf32, #tpu.memory_space<hbm>>
    %dma_wait3A_321 = arith.constant 62560 : i32
    %dma_wait3A_322 = tpu.memref_slice %arg9[%dma_wait3A_321] : memref<100096xf32, #tpu.memory_space<vmem>> -> memref<6256xf32, #tpu.memory_space<vmem>>
    %dma_wait3A_323 = tpu.memref_slice %arg4[%add3A_177] : memref<3203072xf32, #tpu.memory_space<hbm>> -> memref<6256xf32, #tpu.memory_space<hbm>>
    tpu.wait_dma2 semaphore(%arg15 : memref<!tpu.dma_semaphore, #tpu.memory_space<semaphore_mem>>) src(%dma_wait3A_323 : memref<6256xf32, #tpu.memory_space<hbm>>) dst(%dma_wait3A_322 : memref<6256xf32, #tpu.memory_space<vmem>>)
    %dma_wait3A_324 = arith.constant 68816 : i32
    %dma_wait3A_325 = tpu.memref_slice %arg9[%dma_wait3A_324] : memref<100096xf32, #tpu.memory_space<vmem>> -> memref<6256xf32, #tpu.memory_space<vmem>>
    %dma_wait3A_326 = tpu.memref_slice %arg4[%add3A_192] : memref<3203072xf32, #tpu.memory_space<hbm>> -> memref<6256xf32, #tpu.memory_space<hbm>>
    %dma_wait3A_327 = arith.constant 68816 : i32
    %dma_wait3A_328 = tpu.memref_slice %arg9[%dma_wait3A_327] : memref<100096xf32, #tpu.memory_space<vmem>> -> memref<6256xf32, #tpu.memory_space<vmem>>
    %dma_wait3A_329 = tpu.memref_slice %arg4[%add3A_192] : memref<3203072xf32, #tpu.memory_space<hbm>> -> memref<6256xf32, #tpu.memory_space<hbm>>
    tpu.wait_dma2 semaphore(%arg15 : memref<!tpu.dma_semaphore, #tpu.memory_space<semaphore_mem>>) src(%dma_wait3A_329 : memref<6256xf32, #tpu.memory_space<hbm>>) dst(%dma_wait3A_328 : memref<6256xf32, #tpu.memory_space<vmem>>)
    %dma_wait3A_330 = arith.constant 75072 : i32
    %dma_wait3A_331 = tpu.memref_slice %arg9[%dma_wait3A_330] : memref<100096xf32, #tpu.memory_space<vmem>> -> memref<6256xf32, #tpu.memory_space<vmem>>
    %dma_wait3A_332 = tpu.memref_slice %arg4[%add3A_207] : memref<3203072xf32, #tpu.memory_space<hbm>> -> memref<6256xf32, #tpu.memory_space<hbm>>
    %dma_wait3A_333 = arith.constant 75072 : i32
    %dma_wait3A_334 = tpu.memref_slice %arg9[%dma_wait3A_333] : memref<100096xf32, #tpu.memory_space<vmem>> -> memref<6256xf32, #tpu.memory_space<vmem>>
    %dma_wait3A_335 = tpu.memref_slice %arg4[%add3A_207] : memref<3203072xf32, #tpu.memory_space<hbm>> -> memref<6256xf32, #tpu.memory_space<hbm>>
    tpu.wait_dma2 semaphore(%arg15 : memref<!tpu.dma_semaphore, #tpu.memory_space<semaphore_mem>>) src(%dma_wait3A_335 : memref<6256xf32, #tpu.memory_space<hbm>>) dst(%dma_wait3A_334 : memref<6256xf32, #tpu.memory_space<vmem>>)
    %dma_wait3A_336 = arith.constant 81328 : i32
    %dma_wait3A_337 = tpu.memref_slice %arg9[%dma_wait3A_336] : memref<100096xf32, #tpu.memory_space<vmem>> -> memref<6256xf32, #tpu.memory_space<vmem>>
    %dma_wait3A_338 = tpu.memref_slice %arg4[%add3A_222] : memref<3203072xf32, #tpu.memory_space<hbm>> -> memref<6256xf32, #tpu.memory_space<hbm>>
    %dma_wait3A_339 = arith.constant 81328 : i32
    %dma_wait3A_340 = tpu.memref_slice %arg9[%dma_wait3A_339] : memref<100096xf32, #tpu.memory_space<vmem>> -> memref<6256xf32, #tpu.memory_space<vmem>>
    %dma_wait3A_341 = tpu.memref_slice %arg4[%add3A_222] : memref<3203072xf32, #tpu.memory_space<hbm>> -> memref<6256xf32, #tpu.memory_space<hbm>>
    tpu.wait_dma2 semaphore(%arg15 : memref<!tpu.dma_semaphore, #tpu.memory_space<semaphore_mem>>) src(%dma_wait3A_341 : memref<6256xf32, #tpu.memory_space<hbm>>) dst(%dma_wait3A_340 : memref<6256xf32, #tpu.memory_space<vmem>>)
    %dma_wait3A_342 = arith.constant 87584 : i32
    %dma_wait3A_343 = tpu.memref_slice %arg9[%dma_wait3A_342] : memref<100096xf32, #tpu.memory_space<vmem>> -> memref<6256xf32, #tpu.memory_space<vmem>>
    %dma_wait3A_344 = tpu.memref_slice %arg4[%add3A_237] : memref<3203072xf32, #tpu.memory_space<hbm>> -> memref<6256xf32, #tpu.memory_space<hbm>>
    %dma_wait3A_345 = arith.constant 87584 : i32
    %dma_wait3A_346 = tpu.memref_slice %arg9[%dma_wait3A_345] : memref<100096xf32, #tpu.memory_space<vmem>> -> memref<6256xf32, #tpu.memory_space<vmem>>
    %dma_wait3A_347 = tpu.memref_slice %arg4[%add3A_237] : memref<3203072xf32, #tpu.memory_space<hbm>> -> memref<6256xf32, #tpu.memory_space<hbm>>
    tpu.wait_dma2 semaphore(%arg15 : memref<!tpu.dma_semaphore, #tpu.memory_space<semaphore_mem>>) src(%dma_wait3A_347 : memref<6256xf32, #tpu.memory_space<hbm>>) dst(%dma_wait3A_346 : memref<6256xf32, #tpu.memory_space<vmem>>)
    %dma_wait3A_348 = arith.constant 93840 : i32
    %dma_wait3A_349 = tpu.memref_slice %arg9[%dma_wait3A_348] : memref<100096xf32, #tpu.memory_space<vmem>> -> memref<6256xf32, #tpu.memory_space<vmem>>
    %dma_wait3A_350 = tpu.memref_slice %arg4[%add3A_252] : memref<3203072xf32, #tpu.memory_space<hbm>> -> memref<6256xf32, #tpu.memory_space<hbm>>
    %dma_wait3A_351 = arith.constant 93840 : i32
    %dma_wait3A_352 = tpu.memref_slice %arg9[%dma_wait3A_351] : memref<100096xf32, #tpu.memory_space<vmem>> -> memref<6256xf32, #tpu.memory_space<vmem>>
    %dma_wait3A_353 = tpu.memref_slice %arg4[%add3A_252] : memref<3203072xf32, #tpu.memory_space<hbm>> -> memref<6256xf32, #tpu.memory_space<hbm>>
    tpu.wait_dma2 semaphore(%arg15 : memref<!tpu.dma_semaphore, #tpu.memory_space<semaphore_mem>>) src(%dma_wait3A_353 : memref<6256xf32, #tpu.memory_space<hbm>>) dst(%dma_wait3A_352 : memref<6256xf32, #tpu.memory_space<vmem>>)
    %scan3A_354 = arith.constant 0 : i32
    %scan3A_355 = arith.constant 391 : i32
    %scan3A_356 = arith.addi %scan3A_354, %scan3A_355 : i32
    %scan3A_357 = arith.constant 1 : i32
    scf.for %scan3A_364 = %scan3A_354 to %scan3A_356 step %scan3A_357  : i32 {
      %mul3A_365 = arith.constant 16 : i32
      %mul3A_366 = arith.muli %scan3A_364, %mul3A_365 : i32
      %add3A_367 = arith.constant 0 : i32
      %add3A_368 = arith.addi %add3A_367, %mul3A_366 : i32
      %get3A = arith.index_cast %add3A_368 : i32 to index
      %get3A_369 = tpu.vector_load %arg9[%get3A] {strides = array<i32>} : memref<100096xf32, #tpu.memory_space<vmem>>, vector<16xf32>,
      %add3A_370 = arith.constant 6256 : i32
      %add3A_371 = arith.addi %add3A_370, %add3A_368 : i32
      %get3A_372 = arith.index_cast %add3A_371 : i32 to index
      %get3A_373 = tpu.vector_load %arg9[%get3A_372] {strides = array<i32>} : memref<100096xf32, #tpu.memory_space<vmem>>, vector<16xf32>,
      %add3A_374 = arith.addf %get3A_369, %get3A_373 : vector<16xf32>
      %add3A_375 = arith.constant 12512 : i32
      %add3A_376 = arith.addi %add3A_375, %add3A_368 : i32
      %get3A_377 = arith.index_cast %add3A_376 : i32 to index
      %get3A_378 = tpu.vector_load %arg9[%get3A_377] {strides = array<i32>} : memref<100096xf32, #tpu.memory_space<vmem>>, vector<16xf32>,
      %add3A_379 = arith.addf %add3A_374, %get3A_378 : vector<16xf32>
      %add3A_380 = arith.constant 18768 : i32
      %add3A_381 = arith.addi %add3A_380, %add3A_368 : i32
      %get3A_382 = arith.index_cast %add3A_381 : i32 to index
      %get3A_383 = tpu.vector_load %arg9[%get3A_382] {strides = array<i32>} : memref<100096xf32, #tpu.memory_space<vmem>>, vector<16xf32>,
      %add3A_384 = arith.addf %add3A_379, %get3A_383 : vector<16xf32>
      %add3A_385 = arith.constant 25024 : i32
      %add3A_386 = arith.addi %add3A_385, %add3A_368 : i32
      %get3A_387 = arith.index_cast %add3A_386 : i32 to index
      %get3A_388 = tpu.vector_load %arg9[%get3A_387] {strides = array<i32>} : memref<100096xf32, #tpu.memory_space<vmem>>, vector<16xf32>,
      %add3A_389 = arith.addf %add3A_384, %get3A_388 : vector<16xf32>
      %add3A_390 = arith.constant 31280 : i32
      %add3A_391 = arith.addi %add3A_390, %add3A_368 : i32
      %get3A_392 = arith.index_cast %add3A_391 : i32 to index
      %get3A_393 = tpu.vector_load %arg9[%get3A_392] {strides = array<i32>} : memref<100096xf32, #tpu.memory_space<vmem>>, vector<16xf32>,
      %add3A_394 = arith.addf %add3A_389, %get3A_393 : vector<16xf32>
      %add3A_395 = arith.constant 37536 : i32
      %add3A_396 = arith.addi %add3A_395, %add3A_368 : i32
      %get3A_397 = arith.index_cast %add3A_396 : i32 to index
      %get3A_398 = tpu.vector_load %arg9[%get3A_397] {strides = array<i32>} : memref<100096xf32, #tpu.memory_space<vmem>>, vector<16xf32>,
      %add3A_399 = arith.addf %add3A_394, %get3A_398 : vector<16xf32>
      %add3A_400 = arith.constant 43792 : i32
      %add3A_401 = arith.addi %add3A_400, %add3A_368 : i32
      %get3A_402 = arith.index_cast %add3A_401 : i32 to index
      %get3A_403 = tpu.vector_load %arg9[%get3A_402] {strides = array<i32>} : memref<100096xf32, #tpu.memory_space<vmem>>, vector<16xf32>,
      %add3A_404 = arith.addf %add3A_399, %get3A_403 : vector<16xf32>
      %add3A_405 = arith.constant 50048 : i32
      %add3A_406 = arith.addi %add3A_405, %add3A_368 : i32
      %get3A_407 = arith.index_cast %add3A_406 : i32 to index
      %get3A_408 = tpu.vector_load %arg9[%get3A_407] {strides = array<i32>} : memref<100096xf32, #tpu.memory_space<vmem>>, vector<16xf32>,
      %add3A_409 = arith.addf %add3A_404, %get3A_408 : vector<16xf32>
      %add3A_410 = arith.constant 56304 : i32
      %add3A_411 = arith.addi %add3A_410, %add3A_368 : i32
      %get3A_412 = arith.index_cast %add3A_411 : i32 to index
      %get3A_413 = tpu.vector_load %arg9[%get3A_412] {strides = array<i32>} : memref<100096xf32, #tpu.memory_space<vmem>>, vector<16xf32>,
      %add3A_414 = arith.addf %add3A_409, %get3A_413 : vector<16xf32>
      %add3A_415 = arith.constant 62560 : i32
      %add3A_416 = arith.addi %add3A_415, %add3A_368 : i32
      %get3A_417 = arith.index_cast %add3A_416 : i32 to index
      %get3A_418 = tpu.vector_load %arg9[%get3A_417] {strides = array<i32>} : memref<100096xf32, #tpu.memory_space<vmem>>, vector<16xf32>,
      %add3A_419 = arith.addf %add3A_414, %get3A_418 : vector<16xf32>
      %add3A_420 = arith.constant 68816 : i32
      %add3A_421 = arith.addi %add3A_420, %add3A_368 : i32
      %get3A_422 = arith.index_cast %add3A_421 : i32 to index
      %get3A_423 = tpu.vector_load %arg9[%get3A_422] {strides = array<i32>} : memref<100096xf32, #tpu.memory_space<vmem>>, vector<16xf32>,
      %add3A_424 = arith.addf %add3A_419, %get3A_423 : vector<16xf32>
      %add3A_425 = arith.constant 75072 : i32
      %add3A_426 = arith.addi %add3A_425, %add3A_368 : i32
      %get3A_427 = arith.index_cast %add3A_426 : i32 to index
      %get3A_428 = tpu.vector_load %arg9[%get3A_427] {strides = array<i32>} : memref<100096xf32, #tpu.memory_space<vmem>>, vector<16xf32>,
      %add3A_429 = arith.addf %add3A_424, %get3A_428 : vector<16xf32>
      %add3A_430 = arith.constant 81328 : i32
      %add3A_431 = arith.addi %add3A_430, %add3A_368 : i32
      %get3A_432 = arith.index_cast %add3A_431 : i32 to index
      %get3A_433 = tpu.vector_load %arg9[%get3A_432] {strides = array<i32>} : memref<100096xf32, #tpu.memory_space<vmem>>, vector<16xf32>,
      %add3A_434 = arith.addf %add3A_429, %get3A_433 : vector<16xf32>
      %add3A_435 = arith.constant 87584 : i32
      %add3A_436 = arith.addi %add3A_435, %add3A_368 : i32
      %get3A_437 = arith.index_cast %add3A_436 : i32 to index
      %get3A_438 = tpu.vector_load %arg9[%get3A_437] {strides = array<i32>} : memref<100096xf32, #tpu.memory_space<vmem>>, vector<16xf32>,
      %add3A_439 = arith.addf %add3A_434, %get3A_438 : vector<16xf32>
      %add3A_440 = arith.constant 93840 : i32
      %add3A_441 = arith.addi %add3A_440, %add3A_368 : i32
      %get3A_442 = arith.index_cast %add3A_441 : i32 to index
      %get3A_443 = tpu.vector_load %arg9[%get3A_442] {strides = array<i32>} : memref<100096xf32, #tpu.memory_space<vmem>>, vector<16xf32>,
      %add3A_444 = arith.addf %add3A_439, %get3A_443 : vector<16xf32>
      %swap3A = arith.index_cast %add3A_368 : i32 to index
      %swap3A_445 = tpu.vector_load %arg10[%swap3A] {strides = array<i32>} : memref<6256xf32, #tpu.memory_space<vmem>>, vector<16xf32>,
      tpu.vector_store %arg10[%swap3A], %add3A_444 {strides = array<i32>} : memref<6256xf32, #tpu.memory_space<vmem>>, vector<16xf32>,
    }
    %scan3A_358 = arith.constant 391 : i32
    %mul3A_359 = arith.constant 100096 : i32
    %mul3A_360 = arith.muli %arg0, %mul3A_359 : i32
    %mul3A_361 = arith.constant 6256 : i32
    %mul3A_362 = arith.muli %arg1, %mul3A_361 : i32
    %add3A_363 = arith.addi %mul3A_360, %mul3A_362 : i32
    "tpu.region"() ({
      %run_scoped3A = tpu.sem_alloc : memref<!tpu.dma_semaphore, #tpu.memory_space<semaphore_mem>>
      %dma_start3A_364 = tpu.memref_slice %arg3[%add3A_363] : memref<200192xf32, #tpu.memory_space<hbm>> -> memref<6256xf32, #tpu.memory_space<hbm>>
      %dma_start3A_365 = tpu.memref_slice %arg3[%add3A_363] : memref<200192xf32, #tpu.memory_space<hbm>> -> memref<6256xf32, #tpu.memory_space<hbm>>
      tpu.enqueue_dma source(%arg10 : memref<6256xf32, #tpu.memory_space<vmem>>) target(%dma_start3A_365 : memref<6256xf32, #tpu.memory_space<hbm>>) target_semaphore(%run_scoped3A : memref<!tpu.dma_semaphore, #tpu.memory_space<semaphore_mem>>)
      %dma_wait3A_366 = tpu.memref_slice %arg3[%add3A_363] : memref<200192xf32, #tpu.memory_space<hbm>> -> memref<6256xf32, #tpu.memory_space<hbm>>
      %dma_wait3A_367 = tpu.memref_slice %arg3[%add3A_363] : memref<200192xf32, #tpu.memory_space<hbm>> -> memref<6256xf32, #tpu.memory_space<hbm>>
      tpu.wait_dma2 semaphore(%run_scoped3A : memref<!tpu.dma_semaphore, #tpu.memory_space<semaphore_mem>>) src(%arg10 : memref<6256xf32, #tpu.memory_space<vmem>>) dst(%dma_wait3A_367 : memref<6256xf32, #tpu.memory_space<hbm>>)
      tpu.yield
    }) : () -> ()
    return
  }
}

module attributes {stable_mosaic.version = 14 : i64} {
  func.func @_glue_a(%arg0: memref<2x782x128xf32, #tpu.memory_space<vmem>>, %arg1: memref<2x782x128xf32, #tpu.memory_space<vmem>>, %arg2: memref<782x128xf32, #tpu.memory_space<vmem>>, %arg3: memref<2x782x128xf32, #tpu.memory_space<vmem>>) attributes {dimension_semantics = [], scalar_prefetch = 0 : i64, scratch_operands = 0 : i64, tpu.core_type = #tpu.core_type<tc>} {
    %get3A = arith.constant 0 : index
    %get3A_0 = arith.constant 0 : index
    %get3A_1 = arith.constant 0 : index
    %get3A_2 = vector.load %arg1[%get3A, %get3A_0, %get3A_1] : memref<2x782x128xf32, #tpu.memory_space<vmem>>, vector<1x782x128xf32>
    %get3A_3 = vector.shape_cast %get3A_2 : vector<1x782x128xf32> to vector<782x128xf32>
    %get3A_4 = arith.constant 1 : index
    %get3A_5 = arith.constant 0 : index
    %get3A_6 = arith.constant 0 : index
    %get3A_7 = vector.load %arg1[%get3A_4, %get3A_5, %get3A_6] : memref<2x782x128xf32, #tpu.memory_space<vmem>>, vector<1x782x128xf32>
    %get3A_8 = vector.shape_cast %get3A_7 : vector<1x782x128xf32> to vector<782x128xf32>
    %add3A = arith.addf %get3A_3, %get3A_8 : vector<782x128xf32>
    %add3A_9 = arith.constant 1.000000e+00 : f32
    %add3A_10 = vector.broadcast %add3A_9 : f32 to vector<782x128xf32>
    %add3A_11 = arith.addf %add3A, %add3A_10 : vector<782x128xf32>
    %rsqrt3A = math.rsqrt %add3A_11 : vector<782x128xf32>
    %swap3A = arith.constant 0 : index
    %swap3A_12 = arith.constant 0 : index
    %swap3A_13 = vector.load %arg2[%swap3A, %swap3A_12] : memref<782x128xf32, #tpu.memory_space<vmem>>, vector<782x128xf32>
    tpu.vector_store %arg2[%swap3A, %swap3A_12], %rsqrt3A {strides = array<i32>} : memref<782x128xf32, #tpu.memory_space<vmem>>, vector<782x128xf32>,
    %get3A_14 = arith.constant 0 : index
    %get3A_15 = arith.constant 0 : index
    %get3A_16 = arith.constant 0 : index
    %get3A_17 = vector.load %arg0[%get3A_14, %get3A_15, %get3A_16] : memref<2x782x128xf32, #tpu.memory_space<vmem>>, vector<1x782x128xf32>
    %get3A_18 = vector.shape_cast %get3A_17 : vector<1x782x128xf32> to vector<782x128xf32>
    %mul3A = arith.mulf %get3A_18, %rsqrt3A : vector<782x128xf32>
    %swap3A_19 = arith.constant 0 : index
    %swap3A_20 = arith.constant 0 : index
    %swap3A_21 = arith.constant 0 : index
    %swap3A_22 = vector.load %arg3[%swap3A_19, %swap3A_20, %swap3A_21] : memref<2x782x128xf32, #tpu.memory_space<vmem>>, vector<1x782x128xf32>
    %swap3A_23 = vector.shape_cast %swap3A_22 : vector<1x782x128xf32> to vector<782x128xf32>
    %swap3A_24 = vector.shape_cast %mul3A : vector<782x128xf32> to vector<1x782x128xf32>
    tpu.vector_store %arg3[%swap3A_19, %swap3A_20, %swap3A_21], %swap3A_24 {strides = array<i32>} : memref<2x782x128xf32, #tpu.memory_space<vmem>>, vector<1x782x128xf32>,
    %get3A_25 = arith.constant 1 : index
    %get3A_26 = arith.constant 0 : index
    %get3A_27 = arith.constant 0 : index
    %get3A_28 = vector.load %arg0[%get3A_25, %get3A_26, %get3A_27] : memref<2x782x128xf32, #tpu.memory_space<vmem>>, vector<1x782x128xf32>
    %get3A_29 = vector.shape_cast %get3A_28 : vector<1x782x128xf32> to vector<782x128xf32>
    %mul3A_30 = arith.mulf %get3A_29, %rsqrt3A : vector<782x128xf32>
    %swap3A_31 = arith.constant 1 : index
    %swap3A_32 = arith.constant 0 : index
    %swap3A_33 = arith.constant 0 : index
    %swap3A_34 = vector.load %arg3[%swap3A_31, %swap3A_32, %swap3A_33] : memref<2x782x128xf32, #tpu.memory_space<vmem>>, vector<1x782x128xf32>
    %swap3A_35 = vector.shape_cast %swap3A_34 : vector<1x782x128xf32> to vector<782x128xf32>
    %swap3A_36 = vector.shape_cast %mul3A_30 : vector<782x128xf32> to vector<1x782x128xf32>
    tpu.vector_store %arg3[%swap3A_31, %swap3A_32, %swap3A_33], %swap3A_36 {strides = array<i32>} : memref<2x782x128xf32, #tpu.memory_space<vmem>>, vector<1x782x128xf32>,
    return
  }
}

module attributes {stable_mosaic.version = 14 : i64} {
  func.func @_glue_b(%arg0: memref<2x2x782x128xf32, #tpu.memory_space<vmem>>, %arg1: memref<2x782x128xf32, #tpu.memory_space<vmem>>, %arg2: memref<782x128xf32, #tpu.memory_space<vmem>>, %arg3: memref<2x3xf32, #tpu.memory_space<vmem>>, %arg4: memref<1x3xf32, #tpu.memory_space<vmem>>, %arg5: memref<3x782x128xf32, #tpu.memory_space<vmem>>) attributes {dimension_semantics = [], scalar_prefetch = 0 : i64, scratch_operands = 0 : i64, tpu.core_type = #tpu.core_type<tc>} {
    %get3A = arith.constant 0 : index
    %get3A_0 = arith.constant 0 : index
    %get3A_1 = arith.constant 0 : index
    %get3A_2 = arith.constant 0 : index
    %get3A_3 = vector.load %arg0[%get3A, %get3A_0, %get3A_1, %get3A_2] : memref<2x2x782x128xf32, #tpu.memory_space<vmem>>, vector<1x1x782x128xf32>
    %get3A_4 = vector.shape_cast %get3A_3 : vector<1x1x782x128xf32> to vector<782x128xf32>
    %get3A_5 = arith.constant 1 : index
    %get3A_6 = arith.constant 0 : index
    %get3A_7 = arith.constant 0 : index
    %get3A_8 = arith.constant 0 : index
    %get3A_9 = vector.load %arg0[%get3A_5, %get3A_6, %get3A_7, %get3A_8] : memref<2x2x782x128xf32, #tpu.memory_space<vmem>>, vector<1x1x782x128xf32>
    %get3A_10 = vector.shape_cast %get3A_9 : vector<1x1x782x128xf32> to vector<782x128xf32>
    %add3A = arith.addf %get3A_4, %get3A_10 : vector<782x128xf32>
    %get3A_11 = arith.constant 0 : index
    %get3A_12 = arith.constant 0 : index
    %get3A_13 = arith.constant 0 : index
    %get3A_14 = vector.load %arg1[%get3A_11, %get3A_12, %get3A_13] : memref<2x782x128xf32, #tpu.memory_space<vmem>>, vector<1x782x128xf32>
    %get3A_15 = vector.shape_cast %get3A_14 : vector<1x782x128xf32> to vector<782x128xf32>
    %add3A_16 = arith.addf %add3A, %get3A_15 : vector<782x128xf32>
    %get3A_17 = arith.constant 0 : index
    %get3A_18 = arith.constant 1 : index
    %get3A_19 = arith.constant 0 : index
    %get3A_20 = arith.constant 0 : index
    %get3A_21 = vector.load %arg0[%get3A_17, %get3A_18, %get3A_19, %get3A_20] : memref<2x2x782x128xf32, #tpu.memory_space<vmem>>, vector<1x1x782x128xf32>
    %get3A_22 = vector.shape_cast %get3A_21 : vector<1x1x782x128xf32> to vector<782x128xf32>
    %get3A_23 = arith.constant 1 : index
    %get3A_24 = arith.constant 1 : index
    %get3A_25 = arith.constant 0 : index
    %get3A_26 = arith.constant 0 : index
    %get3A_27 = vector.load %arg0[%get3A_23, %get3A_24, %get3A_25, %get3A_26] : memref<2x2x782x128xf32, #tpu.memory_space<vmem>>, vector<1x1x782x128xf32>
    %get3A_28 = vector.shape_cast %get3A_27 : vector<1x1x782x128xf32> to vector<782x128xf32>
    %add3A_29 = arith.addf %get3A_22, %get3A_28 : vector<782x128xf32>
    %get3A_30 = arith.constant 1 : index
    %get3A_31 = arith.constant 0 : index
    %get3A_32 = arith.constant 0 : index
    %get3A_33 = vector.load %arg1[%get3A_30, %get3A_31, %get3A_32] : memref<2x782x128xf32, #tpu.memory_space<vmem>>, vector<1x782x128xf32>
    %get3A_34 = vector.shape_cast %get3A_33 : vector<1x782x128xf32> to vector<782x128xf32>
    %add3A_35 = arith.addf %add3A_29, %get3A_34 : vector<782x128xf32>
    %get3A_36 = arith.constant 0 : index
    %get3A_37 = arith.constant 0 : index
    %get3A_38 = vector.load %arg2[%get3A_36, %get3A_37] : memref<782x128xf32, #tpu.memory_space<vmem>>, vector<782x128xf32>
    %get3A_39 = arith.constant 0 : index
    %get3A_40 = arith.constant 0 : index
    %get3A_41 = vector.load %arg3[%get3A_39, %get3A_40] : memref<2x3xf32, #tpu.memory_space<vmem>>, vector<1x1xf32>
    %get3A_42 = vector.extract %get3A_41[0, 0] : f32 from vector<1x1xf32>
    %mul3A = vector.broadcast %get3A_42 : f32 to vector<782x128xf32>
    %mul3A_43 = arith.mulf %add3A_16, %mul3A : vector<782x128xf32>
    %get3A_44 = arith.constant 1 : index
    %get3A_45 = arith.constant 0 : index
    %get3A_46 = vector.load %arg3[%get3A_44, %get3A_45] : memref<2x3xf32, #tpu.memory_space<vmem>>, vector<1x1xf32>
    %get3A_47 = vector.extract %get3A_46[0, 0] : f32 from vector<1x1xf32>
    %mul3A_48 = vector.broadcast %get3A_47 : f32 to vector<782x128xf32>
    %mul3A_49 = arith.mulf %add3A_35, %mul3A_48 : vector<782x128xf32>
    %add3A_50 = arith.addf %mul3A_43, %mul3A_49 : vector<782x128xf32>
    %mul3A_51 = arith.mulf %get3A_38, %add3A_50 : vector<782x128xf32>
    %get3A_52 = arith.constant 0 : index
    %get3A_53 = arith.constant 0 : index
    %get3A_54 = vector.load %arg4[%get3A_52, %get3A_53] : memref<1x3xf32, #tpu.memory_space<vmem>>, vector<1x1xf32>
    %get3A_55 = vector.extract %get3A_54[0, 0] : f32 from vector<1x1xf32>
    %add3A_56 = vector.broadcast %get3A_55 : f32 to vector<782x128xf32>
    %add3A_57 = arith.addf %mul3A_51, %add3A_56 : vector<782x128xf32>
    %logistic3A = arith.negf %add3A_57 : vector<782x128xf32>
    %logistic3A_58 = math.exp %logistic3A : vector<782x128xf32>
    %logistic3A_59 = arith.constant 1.000000e+00 : f32
    %logistic3A_60 = vector.broadcast %logistic3A_59 : f32 to vector<782x128xf32>
    %logistic3A_61 = arith.addf %logistic3A_60, %logistic3A_58 : vector<782x128xf32>
    %logistic3A_62 = arith.divf %logistic3A_60, %logistic3A_61 : vector<782x128xf32>
    %swap3A = arith.constant 0 : index
    %swap3A_63 = arith.constant 0 : index
    %swap3A_64 = arith.constant 0 : index
    %swap3A_65 = vector.load %arg5[%swap3A, %swap3A_63, %swap3A_64] : memref<3x782x128xf32, #tpu.memory_space<vmem>>, vector<1x782x128xf32>
    %swap3A_66 = vector.shape_cast %swap3A_65 : vector<1x782x128xf32> to vector<782x128xf32>
    %swap3A_67 = vector.shape_cast %logistic3A_62 : vector<782x128xf32> to vector<1x782x128xf32>
    tpu.vector_store %arg5[%swap3A, %swap3A_63, %swap3A_64], %swap3A_67 {strides = array<i32>} : memref<3x782x128xf32, #tpu.memory_space<vmem>>, vector<1x782x128xf32>,
    %get3A_68 = arith.constant 0 : index
    %get3A_69 = arith.constant 1 : index
    %get3A_70 = vector.load %arg3[%get3A_68, %get3A_69] : memref<2x3xf32, #tpu.memory_space<vmem>>, vector<1x1xf32>
    %get3A_71 = vector.extract %get3A_70[0, 0] : f32 from vector<1x1xf32>
    %mul3A_72 = vector.broadcast %get3A_71 : f32 to vector<782x128xf32>
    %mul3A_73 = arith.mulf %add3A_16, %mul3A_72 : vector<782x128xf32>
    %get3A_74 = arith.constant 1 : index
    %get3A_75 = arith.constant 1 : index
    %get3A_76 = vector.load %arg3[%get3A_74, %get3A_75] : memref<2x3xf32, #tpu.memory_space<vmem>>, vector<1x1xf32>
    %get3A_77 = vector.extract %get3A_76[0, 0] : f32 from vector<1x1xf32>
    %mul3A_78 = vector.broadcast %get3A_77 : f32 to vector<782x128xf32>
    %mul3A_79 = arith.mulf %add3A_35, %mul3A_78 : vector<782x128xf32>
    %add3A_80 = arith.addf %mul3A_73, %mul3A_79 : vector<782x128xf32>
    %mul3A_81 = arith.mulf %get3A_38, %add3A_80 : vector<782x128xf32>
    %get3A_82 = arith.constant 0 : index
    %get3A_83 = arith.constant 1 : index
    %get3A_84 = vector.load %arg4[%get3A_82, %get3A_83] : memref<1x3xf32, #tpu.memory_space<vmem>>, vector<1x1xf32>
    %get3A_85 = vector.extract %get3A_84[0, 0] : f32 from vector<1x1xf32>
    %add3A_86 = vector.broadcast %get3A_85 : f32 to vector<782x128xf32>
    %add3A_87 = arith.addf %mul3A_81, %add3A_86 : vector<782x128xf32>
    %logistic3A_88 = arith.negf %add3A_87 : vector<782x128xf32>
    %logistic3A_89 = math.exp %logistic3A_88 : vector<782x128xf32>
    %logistic3A_90 = arith.constant 1.000000e+00 : f32
    %logistic3A_91 = vector.broadcast %logistic3A_90 : f32 to vector<782x128xf32>
    %logistic3A_92 = arith.addf %logistic3A_91, %logistic3A_89 : vector<782x128xf32>
    %logistic3A_93 = arith.divf %logistic3A_91, %logistic3A_92 : vector<782x128xf32>
    %swap3A_94 = arith.constant 1 : index
    %swap3A_95 = arith.constant 0 : index
    %swap3A_96 = arith.constant 0 : index
    %swap3A_97 = vector.load %arg5[%swap3A_94, %swap3A_95, %swap3A_96] : memref<3x782x128xf32, #tpu.memory_space<vmem>>, vector<1x782x128xf32>
    %swap3A_98 = vector.shape_cast %swap3A_97 : vector<1x782x128xf32> to vector<782x128xf32>
    %swap3A_99 = vector.shape_cast %logistic3A_93 : vector<782x128xf32> to vector<1x782x128xf32>
    tpu.vector_store %arg5[%swap3A_94, %swap3A_95, %swap3A_96], %swap3A_99 {strides = array<i32>} : memref<3x782x128xf32, #tpu.memory_space<vmem>>, vector<1x782x128xf32>,
    %get3A_100 = arith.constant 0 : index
    %get3A_101 = arith.constant 2 : index
    %get3A_102 = vector.load %arg3[%get3A_100, %get3A_101] : memref<2x3xf32, #tpu.memory_space<vmem>>, vector<1x1xf32>
    %get3A_103 = vector.extract %get3A_102[0, 0] : f32 from vector<1x1xf32>
    %mul3A_104 = vector.broadcast %get3A_103 : f32 to vector<782x128xf32>
    %mul3A_105 = arith.mulf %add3A_16, %mul3A_104 : vector<782x128xf32>
    %get3A_106 = arith.constant 1 : index
    %get3A_107 = arith.constant 2 : index
    %get3A_108 = vector.load %arg3[%get3A_106, %get3A_107] : memref<2x3xf32, #tpu.memory_space<vmem>>, vector<1x1xf32>
    %get3A_109 = vector.extract %get3A_108[0, 0] : f32 from vector<1x1xf32>
    %mul3A_110 = vector.broadcast %get3A_109 : f32 to vector<782x128xf32>
    %mul3A_111 = arith.mulf %add3A_35, %mul3A_110 : vector<782x128xf32>
    %add3A_112 = arith.addf %mul3A_105, %mul3A_111 : vector<782x128xf32>
    %mul3A_113 = arith.mulf %get3A_38, %add3A_112 : vector<782x128xf32>
    %get3A_114 = arith.constant 0 : index
    %get3A_115 = arith.constant 2 : index
    %get3A_116 = vector.load %arg4[%get3A_114, %get3A_115] : memref<1x3xf32, #tpu.memory_space<vmem>>, vector<1x1xf32>
    %get3A_117 = vector.extract %get3A_116[0, 0] : f32 from vector<1x1xf32>
    %add3A_118 = vector.broadcast %get3A_117 : f32 to vector<782x128xf32>
    %add3A_119 = arith.addf %mul3A_113, %add3A_118 : vector<782x128xf32>
    %logistic3A_120 = arith.negf %add3A_119 : vector<782x128xf32>
    %logistic3A_121 = math.exp %logistic3A_120 : vector<782x128xf32>
    %logistic3A_122 = arith.constant 1.000000e+00 : f32
    %logistic3A_123 = vector.broadcast %logistic3A_122 : f32 to vector<782x128xf32>
    %logistic3A_124 = arith.addf %logistic3A_123, %logistic3A_121 : vector<782x128xf32>
    %logistic3A_125 = arith.divf %logistic3A_123, %logistic3A_124 : vector<782x128xf32>
    %swap3A_126 = arith.constant 2 : index
    %swap3A_127 = arith.constant 0 : index
    %swap3A_128 = arith.constant 0 : index
    %swap3A_129 = vector.load %arg5[%swap3A_126, %swap3A_127, %swap3A_128] : memref<3x782x128xf32, #tpu.memory_space<vmem>>, vector<1x782x128xf32>
    %swap3A_130 = vector.shape_cast %swap3A_129 : vector<1x782x128xf32> to vector<782x128xf32>
    %swap3A_131 = vector.shape_cast %logistic3A_125 : vector<782x128xf32> to vector<1x782x128xf32>
    tpu.vector_store %arg5[%swap3A_126, %swap3A_127, %swap3A_128], %swap3A_131 {strides = array<i32>} : memref<3x782x128xf32, #tpu.memory_space<vmem>>, vector<1x782x128xf32>,
    return
  }
}

</mosaic_0001>

<sc_bundles>
// kernel: kernel.6.cloned.1.call-start
scs
__scs_entry_jumppad:
0x0: {  	(pc) =	sbr.rel $0x88, $3  }
0x1: {  	(tag) =	ssettag $0x0;
	lr =	simm.s32 $0x1  }
0x2: {  	[smem:$0x3F9D] =	sst lr;
	_ =	strace $0xD0000000  }
0x3: {  	_ = 	snop  }
0x4: {  	_ = 	snop  }
0x5: {  	_ = 	snop  }
0x6: {  	_ = 	snop  }
0x7: {  	_ = 	snop  }
__scs_overlays_trampoline_lowered:
0x8: {  	[smem:$0x3FAC] =	sst s0  }
0x9: {  	[smem:$0x3FAD] =	sst s1  }
0xa: {  	[smem:$0x3FAE] =	sst s2  }
0xb: {  	[smem:$0x3FAF] =	sst s3  }
0xc: {  	[smem:$0x3FB0] =	sst s4  }
0xd: {  	[smem:$0x3FB1] =	sst s5  }
0xe: {  	[smem:$0x3FB2] =	sst s6  }
0xf: {  	[smem:$0x3FB3] =	sst s7  }
0x10: {  	[smem:$0x3FB4] =	sst s8  }
0x11: {  	[smem:$0x3FB5] =	sst s9;
	s0 =	simm.s32 @!p0 $0x0  }
0x12: {  	s1 =	sld [smem:$0x3F9B];
	s0 =	simm.s32 @p0 $0x1  }
0x13: {  	[smem:$0x3FB6] =	sst s0;
	s0 =	simm.s32 @!p1 $0x0  }
0x14: {  	s2 =	sld [smem:$0x3F9A];
	s0 =	simm.s32 @p1 $0x1  }
0x15: {  	[smem:$0x3FB7] =	sst s0;
	s0 =	simm.s32 @!p2 $0x0  }
0x16: {  	s3 =	sld [smem:$0x3FDB];
	s0 =	simm.s32 @p2 $0x1  }
0x17: {  	s4 =	simm.s32 $0x1BF5;
	[smem:$0x3FB9] =	sst s0  }
0x18: {  	s0 =	sld [smem:$0x3F9C];
	_ =	swait.ge [sflag:s4], $0x0  }
0x19: {  	s7 =	sld [smem:$0x3F9D]  }
0x1a: {  	s8 =	sadd.s32 $0xFFFFE003, lr  }
0x1b: {  	s9 =	sadd.s32 $0xFFFFFEF7, lr;
	s5 =	simm.s32 $0xFFFFFFFF;
	p2 =	slt.u32 s8, $0xFFFFF086  }
0x1c: {  	p1 =	slt.u32 s9, $0xF7A;
	s5 =	simm.s32 @!p2 $0x0  }
0x1d: {  	s5 =	simm.s32 @p1 $0x1;
	p0 =	seq.s32 s7, s2  }
0x1e: {  	s7 =	smul.u32 @!p0 $0xF7A, s2;
	p2 =	seq.s32 @!p0 s5, $0x0  }
0x1f: {  	s9 =	smul.u32 $0xF7A, s1;
	s8 =	simm.s32 @!p0 $0x1BF5;
	p2 =	por !p2, p0  }
0x20: {  	[sflag:s8] =	ssyncset.s32 @!p0 $0xFFFFF086;
	s6 =	sadd.s32 @!p0 s3, s7;
	s7 =	simm.s32 @!p0 $0x108  }
0x21: {  	s3 =	sadd.s32 s3, s9;
	s6 =	sadd.s32 @!p0 $0x88, s6;
	s7 =	simm.s32 @p2 $0x1082  }
0x22: {  	[simem:s7], [sflag:s8] =	dma.local @!p0 [hbm:s6], $0xF7A  }
0x23: {  	s9 =	sor.u32 $0xD0000000, s2;
	s6 =	simm.s32 $0x108;
	_ =	swait.ge @!p0 [sflag:s8], $0x0  }
0x24: {  	s3 =	sadd.s32 $0x88, s3;
	s6 =	simm.s32 @!p1 $0x1082;
	[sflag:s4] =	ssyncset.s32 $0xFFFFF086  }
0x25: {  	[simem:s6], [sflag:s4] =	dma.local [hbm:s3], $0xF7A  }
0x26: {  	[smem:$0x3F9D] =	sst s1;
	(tag) =	ssettag s2;
	_ =	strace s9  }
0x27: {  	s1 =	sld [smem:$0x3FAD]  }
0x28: {  	s2 =	sld [smem:$0x3FAE]  }
0x29: {  	s4 =	sld [smem:$0x3FB0]  }
0x2a: {  	p0 =	seq.s32 s5, $0x0;
	s5 =	sld [smem:$0x3FB1]  }
0x2b: {  	s6 =	sld [smem:$0x3FB2]  }
0x2c: {  	s7 =	sld [smem:$0x3FB3]  }
0x2d: {  	s3 =	simm.s32 $0x108;
	s8 =	sld [smem:$0x3FB4]  }
0x2e: {  	s3 =	simm.s32 @!p0 $0x1082;
	s9 =	sld [smem:$0x3FB5]  }
0x2f: {  	lr =	sadd.s32 s0, s3;
	s0 =	sld [smem:$0x3FAC]  }
0x30: {  	s3 =	sld [smem:$0x3FAF]  }
0x31: {  	[smem:$0x3FB8] =	sst s10  }
0x32: {  	s10 =	sld [smem:$0x3FB6];
	_ =	sdelay $0x3  }
0x33: {  	p0 =	seq.s32 s10, $0x1;
	s10 =	sld [smem:$0x3FB8];
	_ =	sdelay $0x3  }
0x34: {  	[smem:$0x3FB8] =	sst s10  }
0x35: {  	s10 =	sld [smem:$0x3FB7];
	_ =	sdelay $0x3  }
0x36: {  	p1 =	seq.s32 s10, $0x1;
	s10 =	sld [smem:$0x3FB8];
	_ =	sdelay $0x3  }
0x37: {  	[smem:$0x3FB8] =	sst s10  }
0x38: {  	s10 =	sld [smem:$0x3FB9]  }
0x39: {  	_ = 	snop;
	(pc) =	sbr.ind lr, $3  }
0x3a: {  	_ = 	snop  }
0x3b: {  	_ = 	snop  }
0x3c: {  	p2 =	seq.s32 s10, $0x1;
	s10 =	sld [smem:$0x3FB8]  }
0x3d: {  	_ =	shalt  }
0x3e: {  	_ =	shalt  }
0x3f: {  	_ =	shalt  }
0x40: {  	_ =	shalt  }
0x41: {  	_ =	shalt  }
0x42: {  	_ =	shalt  }
0x43: {  	_ =	shalt  }
0x44: {  	_ =	shalt  }
0x45: {  	_ =	shalt  }
0x46: {  	_ =	shalt  }
0x47: {  	_ =	shalt  }
0x48: {  	_ =	shalt  }
0x49: {  	_ =	shalt  }
0x4a: {  	_ =	shalt  }
0x4b: {  	_ =	shalt  }
0x4c: {  	_ =	shalt  }
0x4d: {  	_ =	shalt  }
0x4e: {  	_ =	shalt  }
0x4f: {  	_ =	shalt  }
0x50: {  	_ =	shalt  }
0x51: {  	_ =	shalt  }
0x52: {  	_ =	shalt  }
0x53: {  	_ =	shalt  }
0x54: {  	_ =	shalt  }
0x55: {  	_ =	shalt  }
0x56: {  	_ =	shalt  }
0x57: {  	_ =	shalt  }
0x58: {  	_ =	shalt  }
0x59: {  	_ =	shalt  }
0x5a: {  	_ =	shalt  }
0x5b: {  	_ =	shalt  }
0x5c: {  	_ =	shalt  }
0x5d: {  	_ =	shalt  }
0x5e: {  	_ =	shalt  }
0x5f: {  	_ =	shalt  }
0x60: {  	_ =	shalt  }
0x61: {  	_ =	shalt  }
0x62: {  	_ =	shalt  }
0x63: {  	_ =	shalt  }
0x64: {  	_ =	shalt  }
0x65: {  	_ =	shalt  }
0x66: {  	_ =	shalt  }
0x67: {  	_ =	shalt  }
0x68: {  	_ =	shalt  }
0x69: {  	_ =	shalt  }
0x6a: {  	_ =	shalt  }
0x6b: {  	_ =	shalt  }
0x6c: {  	_ =	shalt  }
0x6d: {  	_ =	shalt  }
0x6e: {  	_ =	shalt  }
0x6f: {  	_ =	shalt  }
0x70: {  	_ =	shalt  }
0x71: {  	_ =	shalt  }
0x72: {  	_ =	shalt  }
0x73: {  	_ =	shalt  }
0x74: {  	_ =	shalt  }
0x75: {  	_ =	shalt  }
0x76: {  	_ =	shalt  }
0x77: {  	_ =	shalt  }
0x78: {  	_ =	shalt  }
0x79: {  	_ =	shalt  }
0x7a: {  	_ =	shalt  }
0x7b: {  	_ =	shalt  }
0x7c: {  	_ =	shalt  }
0x7d: {  	_ =	shalt  }
0x7e: {  	_ =	shalt  }
0x7f: {  	_ =	shalt  }
0x80: {  	_ =	shalt  }
0x81: {  	_ =	shalt  }
0x82: {  	_ =	shalt  }
0x83: {  	_ =	shalt  }
0x84: {  	_ =	shalt  }
0x85: {  	_ =	shalt  }
0x86: {  	_ =	shalt  }
0x87: {  	_ =	shalt  }
.Lfunc_end0:
.L_simem_size_0:
called_computation_lowered:
.L_overlay_start_0:
0x88: {  	s2 =	sld [smem:$0x3FD9]  }
0x89: {  	s3 =	sld [smem:$0x3FFE];
	_ =	sdelay $0x1  }
0x8a: {  	s1 =	srdreg.scid  }
0x8b: {  	s0 =	sand.u32 $0x1, s1  }
0x8c: {  	s17 =	sshll.u32 s0, $0xA;
	s2 =	sadd.s32 s3, s2  }
0x8d: {  	s2 =	sadd.s32 s2, s17  }
0x8e: {  	[smem:$0x3FC4] =	sst s2  }
0x8f: {  	_ = 	snop  }
0x90: {  	s2 =	sld [smem:$0x3FD0];
	(tm) =	ssettm $0x1  }
0x91: {  	s18 =	sld [smem:$0x3FFB];
	_ =	sdelay $0x3  }
0x92: {  	_ =	strace s18  }
0x93: {  	s3 =	sld [smem:$0x3FFC];
	_ =	sdelay $0x3  }
0x94: {  	_ =	strace s3  }
0x95: {  	s3 =	sld [smem:$0x3FFD];
	_ =	sdelay $0x3  }
0x96: {  	_ =	strace s3  }
0x97: {  	_ =	strace $0x8FFFFFFF  }
0x98: {  	s19 =	sld [smem:$0x3FDB];
	_ =	sdelay $0x1  }
0x99: {  	s4 =	simm.s32 $_scs_section_size  }
0x9a: {  	s5 =	simm.s32 $_size__tile_overlayer_lowered;
	s6 =	simm.s32 $_tile_overlayer_lowered  }
0x9b: {  	s22 =	simm.s32 $0x1BFF;
	s21 =	sshll.u32 s6, $0x1;
	s3 =	sadd.s32 s4, s19  }
0x9c: {  	s7 =	simm.s32 $0x0;
	s20 =	sshll.u32 s5, $0x1;
	s5 =	sadd.s32 s21, s3  }
0x9d: {  	[timem:s7], [sflag:s22] =	dma.local [hbm:s5], s20  }
0x9e: {  	_ =	swait.ge [sflag:s22], s20  }
0x9f: {  	s4 =	ssub.s32 $0x0, s20;
	[sflag:s22] =	ssyncset.done $0x0  }
0xa0: {  	[sflag:s22] =	ssyncadd.s32 s4;
	_ =	sdelay $0x1  }
0xa1: {  	s23 =	simm.s32 $0x1B8B  }
0xa2: {  	_ =	swait.ge [sflag:s23], $0x1  }
0xa3: {  	[sflag:s23] =	ssyncset.done $0x0  }
0xa4: {  	s25 =	simm.s32 $0x1B8E;
	s24 =	sld [smem:$0x3FFE];
	[sflag:s23] =	ssyncadd.s32 $0xFFFFFFFF  }
0xa5: {  	s26 =	simm.s32 $execute0_lowered;
	[smem:$0x3FD2] =	sst s25  }
0xa6: {  	s5 =	sshll.u32 s26, $0x1;
	_ =	strace $0x80000046;
	[dreg:$0x1] =	wrdreg $0xFFFFFFFF  }
0xa7: {  	s28 =	simm.s32 $_size_execute0_lowered;
	s3 =	sadd.s32 s3, s5;
	[dreg:$0x0] =	wrdreg $0x0  }
0xa8: {  	s5 =	sshll.u32 s28, $0x1;
	[dreg:$0x2] =	wrdreg s3  }
0xa9: {  	[dreg:$0x3] =	wrdreg s5  }
0xaa: {  	[dreg:$0x4] =	wrdreg $0xC0  }
0xab: {  	_ =	task [dreg:s7], $0x5FFFF  }
0xac: {  	[dreg:$0x1] =	wrdreg $0xFFFFFFFF  }
0xad: {  	[dreg:$0x0] =	wrdreg $0x60  }
0xae: {  	[dreg:$0x2] =	wrdreg s24  }
0xaf: {  	[dreg:$0x3] =	wrdreg s2  }
0xb0: {  	[dreg:$0x4] =	wrdreg $0x9  }
0xb1: {  	_ =	task.clear_ibuf [dreg:s7], $0x5FFFF;
	_ =	strace $0x90000046  }
0xb2: {  	s29 =	simm.s32 $0x9;
	_ =	strace $0x80000048  }
0xb3: {  	_ =	swait.ge [sflag:s29], $0x1  }
0xb4: {  	[sflag:s29] =	ssyncadd.s32 $0xFFFFFFFF  }
0xb5: {  	_ =	strace $0x90000048  }
0xb6: {  	_ =	sfence  }
0xb7: {  	s30 =	sld [smem:$0x0];
	_ =	sdelay $0x2  }
0xb8: {  	s31 =	sshll.u32 s1, $0xD;
	s1 =	sshrl.u32 s1, $0x2  }
0xb9: {  	s3 =	sand.u32 $0x4000, s31;
	s1 =	sadd.s32 s1, s30  }
0xba: {  	s0 =	sor.u32 s3, s0;
	s1 =	sshll.u32 s1, $0x11  }
0xbb: {  	s0 =	sor.u32 s1, s0  }
0xbc: {  	s0 =	sadd.s32 $0x8F2B, s0  }
0xbd: {  	[sflag:s0] =	ssyncadd.remote.s32 $0x1  }
0xbe: {  	_ =	sfence.sel $0xFFFF  }
0xbf: {  	[dreg:$0x0] =	wrdreg $0xFFFFFFFF;
	(pc) =	sbr.abs _section_cstart, $3  }
0xc0: {  	[dreg:$0x1] =	wrdreg $0xFFFFFFFF  }
0xc1: {  	_ =	task.clear_ibuf [dreg:s7], $0x2FFFF;
	_ =	strace $0x9FFFFFFF  }
0xc2: {  	(tm) =	ssettm $0x7FFFFFFF  }
0xc3: {  	_ =	shalt  }
tec
execute0_lowered:
.L_overlay_start_1:
0x0: {  	(tag) =	ssettag $0x1  }
0x1: {  	s0 =	rddreg [dreg:$0x0]  }
0x2: {  	s1 =	rddreg [dreg:$0x1];
	s3 =	simm.s32 $0x0  }
0x3: {  	s2 =	srdreg.scid;
	s8 =	stileid.u32;
	s28 =	simm.s32 $0x1  }
0x4: {  	s29 =	simm.s32 $0x2000;
	s30 =	simm.s32 $0x2;
	s31 =	simm.s32 $0x3  }
0x5: {  	[smem:$0x7FF] =	sst s3;
	s2 =	sand.u32 $0x1, s2;
	s6 =	smul.u32 $0x1870, s8  }
0x6: {  	s3 =	sadd.s32 $0x1400, s0;
	s4 =	smul.u32 $0x187000, s2;
	s5 =	sshll.u32 s2, $0x4  }
0x7: {  	s0 =	sadd.s32 $0x188000, s0;
	_ =	strace $0x80000047;
	s5 =	sor.u32 s8, s5  }
0x8: {  	s7 =	ssub.s32 $0x2, s2;
	s4 =	sadd.s32 s6, s4;
	s9 =	smul.u32 $0x30E0, s5  }
0x9: {  	s26 =	smul.u32 $0x18700, s2;
	s20 =	sshrl.u32 s7, $0x1;
	s10 =	sshrl.u32 s4, $0x3  }
0xa: {  	s4 =	smul.u32 $0x30D40, s5;
	s5 =	sadd.s32 s0, s10;
	s0 =	sadd.s32 s0, s9  }
0xb: {  	s2 =	simm.s32 $0x5;
	s7 =	ssub.s32 s7, s20;
	[dreg:$0x3] =	wrdreg s0  }
0xc: {  	s21 =	sadd.s32 $0x30E0, s5;
	s22 =	sadd.s32 $0x61C0, s5;
	s23 =	sadd.s32 $0x92A0, s5  }
0xd: {  	s24 =	sadd.s32 $0xC380, s5;
	s25 =	sadd.s32 $0xF460, s5;
	s12 =	sadd.s32 $0x12540, s5  }
0xe: {  	s13 =	sadd.s32 $0x15620, s5;
	s14 =	sadd.s32 $0x18700, s5;
	s15 =	sadd.s32 $0x1B7E0, s5  }
0xf: {  	s16 =	sadd.s32 $0x1E8C0, s5;
	s17 =	sadd.s32 $0x219A0, s5;
	[dreg:$0x4] =	wrdreg s21  }
0x10: {  	s18 =	sadd.s32 $0x24A80, s5;
	s0 =	sadd.s32 s6, s26;
	[dreg:$0x5] =	wrdreg s22  }
0x11: {  	s19 =	sadd.s32 $0x27B60, s5;
	s20 =	sadd.s32 $0x2AC40, s5;
	[dreg:$0x6] =	wrdreg s23  }
0x12: {  	s26 =	simm.s32 $0x1800;
	s6 =	simm.s32 $0x0;
	[dreg:$0x7] =	wrdreg s24  }
0x13: {  	[dreg:$0x8] =	wrdreg s25;
	s0 =	sshrl.u32 s0, $0x3;
	s21 =	sadd.s32 $0x2DD20, s5  }
0x14: {  	s23 =	smax.u32 s7, $0x1;
	s24 =	simm.s32 $0x800;
	s25 =	simm.s32 $0x1000  }
0x15: {  	v0 =	vimm.f32 $0.0e+00;
	v1 =	vimm.f32 $1.000000000e+00;
	s22 =	sadd.s32 s1, s0;
	s0 =	simm.s32 $0x4;
	s1 =	simm.s32 $0x6  }
.LBB2_1:
0x16: {  	s8 =	simm.s32 $0x0;
	s7 =	simm.s32 $0x200  }
.LBB2_2:
0x17: {  	p0 =	sne.s32 s7, $0x61A00;
	[tilespmem:s8+$0x2070] =	vst v0  }
0x18: {  	[tilespmem:s8+$0x2000] =	vst v0  }
0x19: {  	[tilespmem:s8+$0x2010] =	vst v0  }
.Ltmp0:
0x1a: {  	[tilespmem:s8+$0x2020] =	vst v0;
	(pc) =	sbr.rel @p0 .LBB2_2-.Ltmp0, $4  }
0x1b: {  	[tilespmem:s8+$0x2030] =	vst v0  }
0x1c: {  	[tilespmem:s8+$0x2040] =	vst v0  }
0x1d: {  	[tilespmem:s8+$0x2050] =	vst v0  }
0x1e: {  	[tilespmem:s8+$0x2060] =	vst v0;
	s8 =	sshra.s32 s7, $0x2;
	s7 =	sadd.s32 $0x200, s7  }
0x1f: {  	[tilespmem:s8+$0x2070] =	vst v0  }
0x20: {  	[tilespmem:s8+$0x2000] =	vst v0  }
0x21: {  	[tilespmem:s8+$0x2010] =	vst v0  }
0x22: {  	[tilespmem:s8+$0x2020] =	vst v0  }
0x23: {  	[tilespmem:s8+$0x2030] =	vst v0  }
0x24: {  	[tilespmem:s8+$0x2040] =	vst v0  }
0x25: {  	[tilespmem:s8+$0x2050] =	vst v0  }
0x26: {  	s7 =	simm.s32 $0x0;
	[tilespmem:s8+$0x2060] =	vst v0;
	s8 =	simm.s32 $0x0  }
.LBB2_4:
0x27: {  	s9 =	smul.u32 $0x1F40, s8;
	_ =	sdelay $0x1  }
0x28: {  	s9 =	sadd.s32 s4, s9  }
0x29: {  	s9 =	sshrl.u32 s9, $0x3  }
0x2a: {  	s9 =	sadd.s32 s3, s9  }
0x2b: {  	[tilespmem:s7], [sflag:$0x1] =	stream.linear.gather [hbm4b:s9+s7], $0x7D0, $0x38;
	[tilespmem:$0x1BF80] =	vst v63  }
0x2c: {  	s10 =	sadd.s32 $0xFA, s9  }
0x2d: {  	[tilespmem:s24], [sflag:$0x2] =	stream.linear.gather [hbm4b:s10+s7], $0x7D0, $0x38;
	[tilespmem:$0x1BF80] =	vst v63  }
0x2e: {  	s11 =	sadd.s32 $0x1F4, s9  }
0x2f: {  	[tilespmem:s25], [sflag:$0x3] =	stream.linear.gather [hbm4b:s11+s7], $0x7D0, $0x38;
	[tilespmem:$0x1BF80] =	vst v63  }
0x30: {  	s9 =	sadd.s32 $0x2EE, s9  }
0x31: {  	[tilespmem:s26], [sflag:$0x4] =	stream.linear.gather [hbm4b:s9+s7], $0x7D0, $0x38;
	[tilespmem:$0x1BF80] =	vst v63  }
0x32: {  	_ =	swait.ge [sflag:s28], $0x7D0  }
0x33: {  	[sflag:s28] =	ssyncset.done $0x0  }
0x34: {  	s9 =	simm.s32 $0x0;
	[sflag:s28] =	ssyncadd.s32 $0xFFFFF830  }
.LBB2_5:
0x35: {  	s10 =	sshra.s32 s9, $0x2  }
0x36: {  	v2 =	vld [tilespmem:s10+$0x0];
	_ =	sdelay $0x7  }
0x37: {  	[tilespmem:v2+s29+$0x0] =	vst.idx.add.f32.msk $0xffff, v1  }
0x38: {  	v2 =	vld [tilespmem:s10+$0x10];
	_ =	sdelay $0x7  }
0x39: {  	[tilespmem:v2+s29+$0x0] =	vst.idx.add.f32.msk $0xffff, v1  }
0x3a: {  	v2 =	vld [tilespmem:s10+$0x20];
	_ =	sdelay $0x7  }
0x3b: {  	[tilespmem:v2+s29+$0x0] =	vst.idx.add.f32.msk $0xffff, v1  }
0x3c: {  	v2 =	vld [tilespmem:s10+$0x30];
	_ =	sdelay $0x7  }
0x3d: {  	[tilespmem:v2+s29+$0x0] =	vst.idx.add.f32.msk $0xffff, v1  }
0x3e: {  	v2 =	vld [tilespmem:s10+$0x40];
	_ =	sdelay $0x7  }
0x3f: {  	[tilespmem:v2+s29+$0x0] =	vst.idx.add.f32.msk $0xffff, v1  }
0x40: {  	v2 =	vld [tilespmem:s10+$0x50];
	_ =	sdelay $0x7  }
0x41: {  	[tilespmem:v2+s29+$0x0] =	vst.idx.add.f32.msk $0xffff, v1  }
0x42: {  	v2 =	vld [tilespmem:s10+$0x60];
	_ =	sdelay $0x7  }
0x43: {  	[tilespmem:v2+s29+$0x0] =	vst.idx.add.f32.msk $0xffff, v1  }
0x44: {  	v2 =	vld [tilespmem:s10+$0x70];
	_ =	sdelay $0x2  }
0x45: {  	p0 =	sne.s32 s9, $0x1C00  }
.Ltmp1:
0x46: {  	_ = 	snop;
	(pc) =	sbr.rel @p0 .LBB2_5-.Ltmp1, $2  }
0x47: {  	_ =	sdelay $0x2  }
0x48: {  	s9 =	sadd.s32 $0x200, s9;
	[tilespmem:v2+s29+$0x0] =	vst.idx.add.f32.msk $0xffff, v1  }
0x49: {  	v2 =	vld [tilespmem:$0x780];
	_ =	sdelay $0x7  }
0x4a: {  	[tilespmem:v2+s29+$0x0] =	vst.idx.add.f32.msk $0xffff, v1  }
0x4b: {  	v2 =	vld [tilespmem:$0x790];
	_ =	sdelay $0x7  }
0x4c: {  	[tilespmem:v2+s29+$0x0] =	vst.idx.add.f32.msk $0xffff, v1  }
0x4d: {  	v2 =	vld [tilespmem:$0x7A0];
	_ =	sdelay $0x7  }
0x4e: {  	[tilespmem:v2+s29+$0x0] =	vst.idx.add.f32.msk $0xffff, v1  }
0x4f: {  	v2 =	vld [tilespmem:$0x7B0];
	_ =	sdelay $0x7  }
0x50: {  	[tilespmem:v2+s29+$0x0] =	vst.idx.add.f32.msk $0xffff, v1  }
0x51: {  	v2 =	vld [tilespmem:$0x7C0];
	_ =	sdelay $0x7  }
0x52: {  	[tilespmem:v2+s29+$0x0] =	vst.idx.add.f32.msk $0xffff, v1  }
0x53: {  	_ =	swait.ge [sflag:s30], $0x7D0  }
0x54: {  	[sflag:s30] =	ssyncset.done $0x0  }
0x55: {  	s9 =	simm.s32 $0x0;
	[sflag:s30] =	ssyncadd.s32 $0xFFFFF830  }
.LBB2_7:
0x56: {  	s10 =	sshra.s32 s9, $0x2  }
0x57: {  	v2 =	vld [tilespmem:s10+$0x800];
	_ =	sdelay $0x7  }
0x58: {  	[tilespmem:v2+s29+$0x0] =	vst.idx.add.f32.msk $0xffff, v1  }
0x59: {  	v2 =	vld [tilespmem:s10+$0x810];
	_ =	sdelay $0x7  }
0x5a: {  	[tilespmem:v2+s29+$0x0] =	vst.idx.add.f32.msk $0xffff, v1  }
0x5b: {  	v2 =	vld [tilespmem:s10+$0x820];
	_ =	sdelay $0x7  }
0x5c: {  	[tilespmem:v2+s29+$0x0] =	vst.idx.add.f32.msk $0xffff, v1  }
0x5d: {  	v2 =	vld [tilespmem:s10+$0x830];
	_ =	sdelay $0x7  }
0x5e: {  	[tilespmem:v2+s29+$0x0] =	vst.idx.add.f32.msk $0xffff, v1  }
0x5f: {  	v2 =	vld [tilespmem:s10+$0x840];
	_ =	sdelay $0x7  }
0x60: {  	[tilespmem:v2+s29+$0x0] =	vst.idx.add.f32.msk $0xffff, v1  }
0x61: {  	v2 =	vld [tilespmem:s10+$0x850];
	_ =	sdelay $0x7  }
0x62: {  	[tilespmem:v2+s29+$0x0] =	vst.idx.add.f32.msk $0xffff, v1  }
0x63: {  	v2 =	vld [tilespmem:s10+$0x860];
	_ =	sdelay $0x7  }
0x64: {  	[tilespmem:v2+s29+$0x0] =	vst.idx.add.f32.msk $0xffff, v1  }
0x65: {  	v2 =	vld [tilespmem:s10+$0x870];
	_ =	sdelay $0x2  }
0x66: {  	p0 =	sne.s32 s9, $0x1C00  }
.Ltmp2:
0x67: {  	_ = 	snop;
	(pc) =	sbr.rel @p0 .LBB2_7-.Ltmp2, $2  }
0x68: {  	_ =	sdelay $0x2  }
0x69: {  	s9 =	sadd.s32 $0x200, s9;
	[tilespmem:v2+s29+$0x0] =	vst.idx.add.f32.msk $0xffff, v1  }
0x6a: {  	v2 =	vld [tilespmem:$0xF80];
	_ =	sdelay $0x7  }
0x6b: {  	[tilespmem:v2+s29+$0x0] =	vst.idx.add.f32.msk $0xffff, v1  }
0x6c: {  	v2 =	vld [tilespmem:$0xF90];
	_ =	sdelay $0x7  }
0x6d: {  	[tilespmem:v2+s29+$0x0] =	vst.idx.add.f32.msk $0xffff, v1  }
0x6e: {  	v2 =	vld [tilespmem:$0xFA0];
	_ =	sdelay $0x7  }
0x6f: {  	[tilespmem:v2+s29+$0x0] =	vst.idx.add.f32.msk $0xffff, v1  }
0x70: {  	v2 =	vld [tilespmem:$0xFB0];
	_ =	sdelay $0x7  }
0x71: {  	[tilespmem:v2+s29+$0x0] =	vst.idx.add.f32.msk $0xffff, v1  }
0x72: {  	v2 =	vld [tilespmem:$0xFC0];
	_ =	sdelay $0x7  }
0x73: {  	[tilespmem:v2+s29+$0x0] =	vst.idx.add.f32.msk $0xffff, v1  }
0x74: {  	_ =	swait.ge [sflag:s31], $0x7D0  }
0x75: {  	[sflag:s31] =	ssyncset.done $0x0  }
0x76: {  	s9 =	simm.s32 $0x0;
	[sflag:s31] =	ssyncadd.s32 $0xFFFFF830  }
.LBB2_9:
0x77: {  	s10 =	sshra.s32 s9, $0x2  }
0x78: {  	v2 =	vld [tilespmem:s10+$0x1000];
	_ =	sdelay $0x7  }
0x79: {  	[tilespmem:v2+s29+$0x0] =	vst.idx.add.f32.msk $0xffff, v1  }
0x7a: {  	v2 =	vld [tilespmem:s10+$0x1010];
	_ =	sdelay $0x7  }
0x7b: {  	[tilespmem:v2+s29+$0x0] =	vst.idx.add.f32.msk $0xffff, v1  }
0x7c: {  	v2 =	vld [tilespmem:s10+$0x1020];
	_ =	sdelay $0x7  }
0x7d: {  	[tilespmem:v2+s29+$0x0] =	vst.idx.add.f32.msk $0xffff, v1  }
0x7e: {  	v2 =	vld [tilespmem:s10+$0x1030];
	_ =	sdelay $0x7  }
0x7f: {  	[tilespmem:v2+s29+$0x0] =	vst.idx.add.f32.msk $0xffff, v1  }
0x80: {  	v2 =	vld [tilespmem:s10+$0x1040];
	_ =	sdelay $0x7  }
0x81: {  	[tilespmem:v2+s29+$0x0] =	vst.idx.add.f32.msk $0xffff, v1  }
0x82: {  	v2 =	vld [tilespmem:s10+$0x1050];
	_ =	sdelay $0x7  }
0x83: {  	[tilespmem:v2+s29+$0x0] =	vst.idx.add.f32.msk $0xffff, v1  }
0x84: {  	v2 =	vld [tilespmem:s10+$0x1060];
	_ =	sdelay $0x7  }
0x85: {  	[tilespmem:v2+s29+$0x0] =	vst.idx.add.f32.msk $0xffff, v1  }
0x86: {  	v2 =	vld [tilespmem:s10+$0x1070];
	_ =	sdelay $0x2  }
0x87: {  	p0 =	sne.s32 s9, $0x1C00  }
.Ltmp3:
0x88: {  	_ = 	snop;
	(pc) =	sbr.rel @p0 .LBB2_9-.Ltmp3, $2  }
0x89: {  	_ =	sdelay $0x2  }
0x8a: {  	s9 =	sadd.s32 $0x200, s9;
	[tilespmem:v2+s29+$0x0] =	vst.idx.add.f32.msk $0xffff, v1  }
0x8b: {  	v2 =	vld [tilespmem:$0x1780];
	_ =	sdelay $0x7  }
0x8c: {  	[tilespmem:v2+s29+$0x0] =	vst.idx.add.f32.msk $0xffff, v1  }
0x8d: {  	v2 =	vld [tilespmem:$0x1790];
	_ =	sdelay $0x7  }
0x8e: {  	[tilespmem:v2+s29+$0x0] =	vst.idx.add.f32.msk $0xffff, v1  }
0x8f: {  	v2 =	vld [tilespmem:$0x17A0];
	_ =	sdelay $0x7  }
0x90: {  	[tilespmem:v2+s29+$0x0] =	vst.idx.add.f32.msk $0xffff, v1  }
0x91: {  	v2 =	vld [tilespmem:$0x17B0];
	_ =	sdelay $0x7  }
0x92: {  	[tilespmem:v2+s29+$0x0] =	vst.idx.add.f32.msk $0xffff, v1  }
0x93: {  	v2 =	vld [tilespmem:$0x17C0];
	_ =	sdelay $0x7  }
0x94: {  	[tilespmem:v2+s29+$0x0] =	vst.idx.add.f32.msk $0xffff, v1  }
0x95: {  	_ =	swait.ge [sflag:s0], $0x7D0  }
0x96: {  	[sflag:s0] =	ssyncset.done $0x0  }
0x97: {  	s9 =	simm.s32 $0x0;
	[sflag:s0] =	ssyncadd.s32 $0xFFFFF830  }
.LBB2_11:
0x98: {  	s10 =	sshra.s32 s9, $0x2  }
0x99: {  	v2 =	vld [tilespmem:s10+$0x1800];
	_ =	sdelay $0x7  }
0x9a: {  	[tilespmem:v2+s29+$0x0] =	vst.idx.add.f32.msk $0xffff, v1  }
0x9b: {  	v2 =	vld [tilespmem:s10+$0x1810];
	_ =	sdelay $0x7  }
0x9c: {  	[tilespmem:v2+s29+$0x0] =	vst.idx.add.f32.msk $0xffff, v1  }
0x9d: {  	v2 =	vld [tilespmem:s10+$0x1820];
	_ =	sdelay $0x7  }
0x9e: {  	[tilespmem:v2+s29+$0x0] =	vst.idx.add.f32.msk $0xffff, v1  }
0x9f: {  	v2 =	vld [tilespmem:s10+$0x1830];
	_ =	sdelay $0x7  }
0xa0: {  	[tilespmem:v2+s29+$0x0] =	vst.idx.add.f32.msk $0xffff, v1  }
0xa1: {  	v2 =	vld [tilespmem:s10+$0x1840];
	_ =	sdelay $0x7  }
0xa2: {  	[tilespmem:v2+s29+$0x0] =	vst.idx.add.f32.msk $0xffff, v1  }
0xa3: {  	v2 =	vld [tilespmem:s10+$0x1850];
	_ =	sdelay $0x7  }
0xa4: {  	[tilespmem:v2+s29+$0x0] =	vst.idx.add.f32.msk $0xffff, v1  }
0xa5: {  	v2 =	vld [tilespmem:s10+$0x1860];
	_ =	sdelay $0x7  }
0xa6: {  	[tilespmem:v2+s29+$0x0] =	vst.idx.add.f32.msk $0xffff, v1  }
0xa7: {  	v2 =	vld [tilespmem:s10+$0x1870];
	_ =	sdelay $0x2  }
0xa8: {  	p0 =	sne.s32 s9, $0x1C00  }
.Ltmp4:
0xa9: {  	_ = 	snop;
	(pc) =	sbr.rel @p0 .LBB2_11-.Ltmp4, $2  }
0xaa: {  	_ =	sdelay $0x2  }
0xab: {  	s9 =	sadd.s32 $0x200, s9;
	[tilespmem:v2+s29+$0x0] =	vst.idx.add.f32.msk $0xffff, v1  }
0xac: {  	v2 =	vld [tilespmem:$0x1F80];
	_ =	sdelay $0x7  }
0xad: {  	[tilespmem:v2+s29+$0x0] =	vst.idx.add.f32.msk $0xffff, v1  }
0xae: {  	v2 =	vld [tilespmem:$0x1F90];
	_ =	sdelay $0x7  }
0xaf: {  	[tilespmem:v2+s29+$0x0] =	vst.idx.add.f32.msk $0xffff, v1  }
0xb0: {  	v2 =	vld [tilespmem:$0x1FA0];
	_ =	sdelay $0x7  }
0xb1: {  	[tilespmem:v2+s29+$0x0] =	vst.idx.add.f32.msk $0xffff, v1  }
0xb2: {  	v2 =	vld [tilespmem:$0x1FB0];
	_ =	sdelay $0x7  }
0xb3: {  	[tilespmem:v2+s29+$0x0] =	vst.idx.add.f32.msk $0xffff, v1  }
0xb4: {  	v2 =	vld [tilespmem:$0x1FC0];
	_ =	sdelay $0x1  }
0xb5: {  	s8 =	sadd.s32 $0x1, s8  }
0xb6: {  	p0 =	sne.s32 s8, $0x19  }
.Ltmp5:
0xb7: {  	_ = 	snop;
	(pc) =	sbr.rel @p0 .LBB2_4-.Ltmp5, $2  }
0xb8: {  	_ =	sdelay $0x2  }
0xb9: {  	[tilespmem:v2+s29+$0x0] =	vst.idx.add.f32.msk $0xffff, v1  }
0xba: {  	s7 =	simm.s32 $0x0;
	s8 =	rddreg [dreg:$0x3]  }
0xbb: {  	[hbm4b:s8+s7] =	stream.linear.scatter [tilespmem:s29], [sflag:$0x6], $0x18700, $0x38;
	[tilespmem:$0x1BF80] =	vst v63  }
0xbc: {  	_ =	swait.ge [sflag:s1], $0x18700  }
0xbd: {  	[sflag:s1] =	ssyncset.done $0x0  }
0xbe: {  	[sflag:s1] =	ssyncadd.s32 $0xFFFE7900  }
0xbf: {  	[bflag:$0x0] =	sbarrier.arrive $0xFFFF  }
0xc0: {  	[tilespmem:s29], [sflag:$0x5] =	stream.linear.gather [hbm4b:s5+s7], $0x1870, $0x38;
	[tilespmem:$0x1BF80] =	vst v63  }
0xc1: {  	s9 =	simm.s32 $0x3870;
	s11 =	rddreg [dreg:$0x4]  }
0xc2: {  	[tilespmem:s9], [sflag:$0x5] =	stream.linear.gather [hbm4b:s11+s7], $0x1870, $0x38;
	[tilespmem:$0x1BF80] =	vst v63  }
0xc3: {  	s10 =	rddreg [dreg:$0x5];
	s11 =	simm.s32 $0x50E0  }
0xc4: {  	[tilespmem:s11], [sflag:$0x5] =	stream.linear.gather [hbm4b:s10+s7], $0x1870, $0x38;
	[tilespmem:$0x1BF80] =	vst v63  }
0xc5: {  	s10 =	rddreg [dreg:$0x6];
	s11 =	simm.s32 $0x6950  }
0xc6: {  	[tilespmem:s11], [sflag:$0x5] =	stream.linear.gather [hbm4b:s10+s7], $0x1870, $0x38;
	[tilespmem:$0x1BF80] =	vst v63  }
0xc7: {  	s10 =	rddreg [dreg:$0x7];
	s11 =	simm.s32 $0x81C0  }
0xc8: {  	[tilespmem:s11], [sflag:$0x5] =	stream.linear.gather [hbm4b:s10+s7], $0x1870, $0x38;
	[tilespmem:$0x1BF80] =	vst v63  }
0xc9: {  	s10 =	rddreg [dreg:$0x8];
	s11 =	simm.s32 $0x9A30  }
0xca: {  	[tilespmem:s11], [sflag:$0x5] =	stream.linear.gather [hbm4b:s10+s7], $0x1870, $0x38;
	[tilespmem:$0x1BF80] =	vst v63  }
0xcb: {  	s10 =	simm.s32 $0xB2A0  }
0xcc: {  	[tilespmem:s10], [sflag:$0x5] =	stream.linear.gather [hbm4b:s12+s7], $0x1870, $0x38;
	[tilespmem:$0x1BF80] =	vst v63  }
0xcd: {  	s11 =	simm.s32 $0xCB10  }
0xce: {  	[tilespmem:s11], [sflag:$0x5] =	stream.linear.gather [hbm4b:s13+s7], $0x1870, $0x38;
	[tilespmem:$0x1BF80] =	vst v63  }
0xcf: {  	s9 =	simm.s32 $0xE380  }
0xd0: {  	[tilespmem:s9], [sflag:$0x5] =	stream.linear.gather [hbm4b:s14+s7], $0x1870, $0x38;
	[tilespmem:$0x1BF80] =	vst v63  }
0xd1: {  	s10 =	simm.s32 $0xFBF0  }
0xd2: {  	[tilespmem:s10], [sflag:$0x5] =	stream.linear.gather [hbm4b:s15+s7], $0x1870, $0x38;
	[tilespmem:$0x1BF80] =	vst v63  }
0xd3: {  	s11 =	simm.s32 $0x11460  }
0xd4: {  	[tilespmem:s11], [sflag:$0x5] =	stream.linear.gather [hbm4b:s16+s7], $0x1870, $0x38;
	[tilespmem:$0x1BF80] =	vst v63  }
0xd5: {  	s9 =	simm.s32 $0x12CD0  }
0xd6: {  	[tilespmem:s9], [sflag:$0x5] =	stream.linear.gather [hbm4b:s17+s7], $0x1870, $0x38;
	[tilespmem:$0x1BF80] =	vst v63  }
0xd7: {  	s10 =	simm.s32 $0x14540  }
0xd8: {  	[tilespmem:s10], [sflag:$0x5] =	stream.linear.gather [hbm4b:s18+s7], $0x1870, $0x38;
	[tilespmem:$0x1BF80] =	vst v63  }
0xd9: {  	s11 =	simm.s32 $0x15DB0  }
0xda: {  	[tilespmem:s11], [sflag:$0x5] =	stream.linear.gather [hbm4b:s19+s7], $0x1870, $0x38;
	[tilespmem:$0x1BF80] =	vst v63  }
0xdb: {  	s9 =	simm.s32 $0x17620  }
0xdc: {  	[tilespmem:s9], [sflag:$0x5] =	stream.linear.gather [hbm4b:s20+s7], $0x1870, $0x38;
	[tilespmem:$0x1BF80] =	vst v63  }
0xdd: {  	s10 =	simm.s32 $0x18E90  }
0xde: {  	[tilespmem:s10], [sflag:$0x5] =	stream.linear.gather [hbm4b:s21+s7], $0x1870, $0x38;
	[tilespmem:$0x1BF80] =	vst v63  }
0xdf: {  	_ =	swait.ge [sflag:s2], $0x1870  }
0xe0: {  	[sflag:s2] =	ssyncset.done $0x0  }
0xe1: {  	[sflag:s2] =	ssyncadd.s32 $0xFFFFE790  }
0xe2: {  	_ =	swait.ge [sflag:s2], $0x1870  }
0xe3: {  	[sflag:s2] =	ssyncset.done $0x0  }
0xe4: {  	[sflag:s2] =	ssyncadd.s32 $0xFFFFE790  }
0xe5: {  	_ =	swait.ge [sflag:s2], $0x1870  }
0xe6: {  	[sflag:s2] =	ssyncset.done $0x0  }
0xe7: {  	[sflag:s2] =	ssyncadd.s32 $0xFFFFE790  }
0xe8: {  	_ =	swait.ge [sflag:s2], $0x1870  }
0xe9: {  	[sflag:s2] =	ssyncset.done $0x0  }
0xea: {  	[sflag:s2] =	ssyncadd.s32 $0xFFFFE790  }
0xeb: {  	_ =	swait.ge [sflag:s2], $0x1870  }
0xec: {  	[sflag:s2] =	ssyncset.done $0x0  }
0xed: {  	[sflag:s2] =	ssyncadd.s32 $0xFFFFE790  }
0xee: {  	_ =	swait.ge [sflag:s2], $0x1870  }
0xef: {  	[sflag:s2] =	ssyncset.done $0x0  }
0xf0: {  	[sflag:s2] =	ssyncadd.s32 $0xFFFFE790  }
0xf1: {  	_ =	swait.ge [sflag:s2], $0x1870  }
0xf2: {  	[sflag:s2] =	ssyncset.done $0x0  }
0xf3: {  	[sflag:s2] =	ssyncadd.s32 $0xFFFFE790  }
0xf4: {  	_ =	swait.ge [sflag:s2], $0x1870  }
0xf5: {  	[sflag:s2] =	ssyncset.done $0x0  }
0xf6: {  	[sflag:s2] =	ssyncadd.s32 $0xFFFFE790  }
0xf7: {  	_ =	swait.ge [sflag:s2], $0x1870  }
0xf8: {  	[sflag:s2] =	ssyncset.done $0x0  }
0xf9: {  	[sflag:s2] =	ssyncadd.s32 $0xFFFFE790  }
0xfa: {  	_ =	swait.ge [sflag:s2], $0x1870  }
0xfb: {  	[sflag:s2] =	ssyncset.done $0x0  }
0xfc: {  	[sflag:s2] =	ssyncadd.s32 $0xFFFFE790  }
0xfd: {  	_ =	swait.ge [sflag:s2], $0x1870  }
0xfe: {  	[sflag:s2] =	ssyncset.done $0x0  }
0xff: {  	[sflag:s2] =	ssyncadd.s32 $0xFFFFE790  }
0x100: {  	_ =	swait.ge [sflag:s2], $0x1870  }
0x101: {  	[sflag:s2] =	ssyncset.done $0x0  }
0x102: {  	[sflag:s2] =	ssyncadd.s32 $0xFFFFE790  }
0x103: {  	_ =	swait.ge [sflag:s2], $0x1870  }
0x104: {  	[sflag:s2] =	ssyncset.done $0x0  }
0x105: {  	[sflag:s2] =	ssyncadd.s32 $0xFFFFE790  }
0x106: {  	_ =	swait.ge [sflag:s2], $0x1870  }
0x107: {  	[sflag:s2] =	ssyncset.done $0x0  }
0x108: {  	[sflag:s2] =	ssyncadd.s32 $0xFFFFE790  }
0x109: {  	_ =	swait.ge [sflag:s2], $0x1870  }
0x10a: {  	[sflag:s2] =	ssyncset.done $0x0  }
0x10b: {  	[sflag:s2] =	ssyncadd.s32 $0xFFFFE790  }
0x10c: {  	_ =	swait.ge [sflag:s2], $0x1870  }
0x10d: {  	[sflag:s2] =	ssyncset.done $0x0  }
0x10e: {  	s8 =	simm.s32 $0x0;
	[sflag:s2] =	ssyncadd.s32 $0xFFFFE790  }
0x10f: {  	v2 =	vld [tilespmem:s8+$0x2000]  }
0x110: {  	v3 =	vld [tilespmem:s8+$0x3870];
	_ =	sdelay $0x1  }
0x111: {  	v4 =	vld [tilespmem:s8+$0x50E0];
	_ =	sdelay $0x1  }
0x112: {  	v5 =	vld [tilespmem:s8+$0x6950]  }
0x113: {  	v2 =	vadd.f32 v3, v2  }
0x114: {  	v3 =	vld [tilespmem:s8+$0x81C0]  }
0x115: {  	v2 =	vadd.f32 v4, v2  }
0x116: {  	v4 =	vld [tilespmem:s8+$0x9A30]  }
0x117: {  	v2 =	vadd.f32 v5, v2  }
0x118: {  	v5 =	vld [tilespmem:s8+$0xB2A0]  }
0x119: {  	v2 =	vadd.f32 v3, v2  }
0x11a: {  	v3 =	vld [tilespmem:s8+$0xCB10]  }
0x11b: {  	s11 =	sand.u32 $0x1FF0, s7;
	v2 =	vadd.f32 v4, v2  }
0x11c: {  	v6 =	vld [tilespmem:s11+$0xE380]  }
0x11d: {  	v2 =	vadd.f32 v5, v2  }
0x11e: {  	v7 =	vld [tilespmem:s8+$0xFBF0]  }
0x11f: {  	v2 =	vadd.f32 v3, v2  }
0x120: {  	v4 =	vld [tilespmem:s8+$0x11460]  }
0x121: {  	s9 =	simm.s32 $0x10;
	v5 =	vld [tilespmem:s8+$0x12CD0];
	v6 =	vadd.f32 v6, v2  }
0x122: {  	v3 =	vld [tilespmem:s9+$0x2000]  }
0x123: {  	s10 =	simm.s32 $0x80;
	v2 =	vld [tilespmem:s8+$0x14540];
	v6 =	vadd.f32 v7, v6  }
.LBB2_14:
0x124: {  	p0 =	sne.s32 s10, $0x6180;
	v7 =	vld [tilespmem:s9+$0x3870]  }
0x125: {  	v4 =	vadd.f32 v4, v6;
	v6 =	vld [tilespmem:s8+$0x15DB0]  }
0x126: {  	v8 =	vld [tilespmem:s9+$0x50E0]  }
0x127: {  	v4 =	vadd.f32 v5, v4;
	v5 =	vld [tilespmem:s8+$0x17620]  }
0x128: {  	v9 =	vld [tilespmem:s9+$0x6950]  }
0x129: {  	v3 =	vadd.f32 v7, v3;
	v2 =	vadd.f32 v2, v4;
	v4 =	vld [tilespmem:s8+$0x18E90]  }
0x12a: {  	v7 =	vld [tilespmem:s9+$0x81C0]  }
0x12b: {  	v3 =	vadd.f32 v8, v3;
	v2 =	vadd.f32 v6, v2  }
0x12c: {  	v6 =	vld [tilespmem:s9+$0x9A30]  }
0x12d: {  	v3 =	vadd.f32 v9, v3;
	v2 =	vadd.f32 v5, v2  }
0x12e: {  	v5 =	vld [tilespmem:s9+$0xB2A0]  }
0x12f: {  	v3 =	vadd.f32 v7, v3;
	v2 =	vadd.f32 v4, v2  }
0x130: {  	s7 =	sadd.s32 $0x10, s7;
	v4 =	vld [tilespmem:s9+$0xCB10]  }
0x131: {  	s11 =	sand.u32 $0x1FF0, s7;
	v3 =	vadd.f32 v6, v3;
	[tilespmem:s8+$0x1A700] =	vst v2;
	s8 =	smov.u32 s9  }
0x132: {  	v2 =	vld [tilespmem:s11+$0xE380]  }
0x133: {  	v3 =	vadd.f32 v5, v3  }
0x134: {  	v6 =	vld [tilespmem:s8+$0xFBF0]  }
.Ltmp6:
0x135: {  	v3 =	vadd.f32 v4, v3;
	(pc) =	sbr.rel @p0 .LBB2_14-.Ltmp6, $4  }
0x136: {  	v4 =	vld [tilespmem:s8+$0x11460]  }
0x137: {  	v7 =	vadd.f32 v2, v3;
	v2 =	vld [tilespmem:s8+$0x14540]  }
0x138: {  	s9 =	sshra.s32 s10, $0x2;
	v5 =	vld [tilespmem:s8+$0x12CD0]  }
0x139: {  	s10 =	sadd.s32 $0x40, s10;
	v3 =	vld [tilespmem:s9+$0x2000];
	v6 =	vadd.f32 v6, v7  }
0x13a: {  	v7 =	vld [tilespmem:s9+$0x3870]  }
0x13b: {  	v52 =	vld [tilespmem:s8+$0x15DB0];
	v4 =	vadd.f32 v4, v6  }
0x13c: {  	v8 =	vld [tilespmem:s9+$0x50E0]  }
0x13d: {  	v53 =	vld [tilespmem:s8+$0x17620];
	v4 =	vadd.f32 v5, v4  }
0x13e: {  	v9 =	vld [tilespmem:s9+$0x6950]  }
0x13f: {  	v54 =	vld [tilespmem:s8+$0x18E90];
	v3 =	vadd.f32 v7, v3;
	v2 =	vadd.f32 v2, v4  }
0x140: {  	v55 =	vld [tilespmem:s9+$0x81C0]  }
0x141: {  	v3 =	vadd.f32 v8, v3;
	v2 =	vadd.f32 v52, v2  }
0x142: {  	v56 =	vld [tilespmem:s9+$0x9A30]  }
0x143: {  	v3 =	vadd.f32 v9, v3;
	v2 =	vadd.f32 v53, v2  }
0x144: {  	v57 =	vld [tilespmem:s9+$0xB2A0]  }
0x145: {  	v3 =	vadd.f32 v55, v3;
	v2 =	vadd.f32 v54, v2  }
0x146: {  	v58 =	vld [tilespmem:s9+$0xCB10];
	s7 =	sadd.s32 $0x10, s7  }
0x147: {  	s7 =	sand.u32 $0x1FF0, s7;
	v3 =	vadd.f32 v56, v3;
	[tilespmem:s8+$0x1A700] =	vst v2  }
0x148: {  	v2 =	vld [tilespmem:s7+$0xE380]  }
0x149: {  	v3 =	vadd.f32 v57, v3  }
0x14a: {  	v59 =	vld [tilespmem:s9+$0xFBF0]  }
0x14b: {  	v3 =	vadd.f32 v58, v3  }
0x14c: {  	v60 =	vld [tilespmem:s9+$0x11460]  }
0x14d: {  	v2 =	vadd.f32 v2, v3  }
0x14e: {  	v3 =	vld [tilespmem:s9+$0x12CD0]  }
0x14f: {  	v2 =	vadd.f32 v59, v2  }
0x150: {  	v61 =	vld [tilespmem:s9+$0x14540]  }
0x151: {  	v2 =	vadd.f32 v60, v2  }
0x152: {  	v62 =	vld [tilespmem:s9+$0x15DB0]  }
0x153: {  	v2 =	vadd.f32 v3, v2  }
0x154: {  	v3 =	vld [tilespmem:s9+$0x17620]  }
0x155: {  	v2 =	vadd.f32 v61, v2  }
0x156: {  	v63 =	vld [tilespmem:s9+$0x18E90]  }
0x157: {  	v2 =	vadd.f32 v62, v2;
	_ =	sdelay $0x1  }
0x158: {  	v2 =	vadd.f32 v3, v2;
	_ =	sdelay $0x1  }
0x159: {  	s6 =	sadd.s32 $0x1, s6;
	v2 =	vadd.f32 v63, v2  }
0x15a: {  	p0 =	sne.s32 s6, s23  }
.Ltmp7:
0x15b: {  	s10 =	simm.s32 $0x0;
	s11 =	simm.s32 $0x1A700;
	[tilespmem:s9+$0x1A700] =	vst v2;
	(pc) =	sbr.rel @p0 .LBB2_1-.Ltmp7, $4  }
0x15c: {  	[hbm4b:s22+s10] =	stream.linear.scatter [tilespmem:s11], [sflag:$0x6], $0x1870, $0x38;
	[tilespmem:$0x1BF80] =	vst v63  }
0x15d: {  	_ =	swait.ge [sflag:s1], $0x1870  }
0x15e: {  	[sflag:s1] =	ssyncset.done $0x0  }
0x15f: {  	[sflag:s1] =	ssyncadd.s32 $0xFFFFE790  }
0x160: {  	_ =	sfence.sel $0x180000  }
0x161: {  	[bflag:$0x0] =	sbarrier.arrive $0xFFFF  }
0x162: {  	_ =	strace $0x90000047  }
0x163: {  	s0 =	stileid.u32;
	[bflag:$0x2] =	sbarrier.arrive $0xFFFF  }
0x164: {  	p0 =	sne.s32 s0, $0x0;
	s0 =	rddreg [dreg:$0x2]  }
0x165: {  	s0 =	sadd.s32 @!p0 $0x100000, s0  }
0x166: {  	[sflag:s0] =	ssyncadd.tile.s32 @!p0 $0x1;
	_ =	shalt  }
.Lfunc_end2:
_tile_overlayer_lowered:
.L_overlay_start_2:
0x167: {  	(tag) =	ssettag $0x2  }
0x168: {  	s0 =	rddreg [dreg:$0x0];
	s2 =	stileid.u32  }
0x169: {  	s1 =	rddreg [dreg:$0x1];
	p0 =	sne.s32 s2, $0x0  }
0x16a: {  	s3 =	rddreg [dreg:$0x2];
	[bflag:$0x3] =	sbarrier.arrive $0xFFFF;
	s2 =	simm.s32 @!p0 $0x1C06  }
0x16b: {  	[timem:s3], [sflag:s2] =	dma.local @!p0 [hbm:s0], s1  }
0x16c: {  	s0 =	simm.s32 @!p0 $0x6  }
0x16d: {  	_ =	swait.ge @!p0 [sflag:s0], s1  }
0x16e: {  	s1 =	ssub.s32 @!p0 $0x0, s1;
	[sflag:s0] =	ssyncset.done @!p0 $0x0  }
0x16f: {  	[sflag:s0] =	ssyncadd.s32 @!p0 s1  }
0x170: {  	[bflag:$0x3] =	sbarrier.arrive $0xFFFF  }
0x171: {  	_ =	shalt  }

// kernel: kernel.9.cloned.1.call-start
scs
__scs_entry_jumppad:
0x0: {  	(pc) =	sbr.rel $0x88, $3  }
0x1: {  	(tag) =	ssettag $0x0;
	lr =	simm.s32 $0x1  }
0x2: {  	[smem:$0x3F9D] =	sst lr;
	_ =	strace $0xD0000000  }
0x3: {  	_ = 	snop  }
0x4: {  	_ = 	snop  }
0x5: {  	_ = 	snop  }
0x6: {  	_ = 	snop  }
0x7: {  	_ = 	snop  }
__scs_overlays_trampoline_lowered:
0x8: {  	[smem:$0x3FAC] =	sst s0  }
0x9: {  	[smem:$0x3FAD] =	sst s1  }
0xa: {  	[smem:$0x3FAE] =	sst s2  }
0xb: {  	[smem:$0x3FAF] =	sst s3  }
0xc: {  	[smem:$0x3FB0] =	sst s4  }
0xd: {  	[smem:$0x3FB1] =	sst s5  }
0xe: {  	[smem:$0x3FB2] =	sst s6  }
0xf: {  	[smem:$0x3FB3] =	sst s7  }
0x10: {  	[smem:$0x3FB4] =	sst s8  }
0x11: {  	[smem:$0x3FB5] =	sst s9;
	s0 =	simm.s32 @!p0 $0x0  }
0x12: {  	s1 =	sld [smem:$0x3F9B];
	s0 =	simm.s32 @p0 $0x1  }
0x13: {  	[smem:$0x3FB6] =	sst s0;
	s0 =	simm.s32 @!p1 $0x0  }
0x14: {  	s2 =	sld [smem:$0x3F9A];
	s0 =	simm.s32 @p1 $0x1  }
0x15: {  	[smem:$0x3FB7] =	sst s0;
	s0 =	simm.s32 @!p2 $0x0  }
0x16: {  	s3 =	sld [smem:$0x3FDB];
	s0 =	simm.s32 @p2 $0x1  }
0x17: {  	s4 =	simm.s32 $0x1BF5;
	[smem:$0x3FB9] =	sst s0  }
0x18: {  	s0 =	sld [smem:$0x3F9C];
	_ =	swait.ge [sflag:s4], $0x0  }
0x19: {  	s7 =	sld [smem:$0x3F9D]  }
0x1a: {  	s8 =	sadd.s32 $0xFFFFE003, lr  }
0x1b: {  	s9 =	sadd.s32 $0xFFFFFEF7, lr;
	s5 =	simm.s32 $0xFFFFFFFF;
	p2 =	slt.u32 s8, $0xFFFFF086  }
0x1c: {  	p1 =	slt.u32 s9, $0xF7A;
	s5 =	simm.s32 @!p2 $0x0  }
0x1d: {  	s5 =	simm.s32 @p1 $0x1;
	p0 =	seq.s32 s7, s2  }
0x1e: {  	s7 =	smul.u32 @!p0 $0xF7A, s2;
	p2 =	seq.s32 @!p0 s5, $0x0  }
0x1f: {  	s9 =	smul.u32 $0xF7A, s1;
	s8 =	simm.s32 @!p0 $0x1BF5;
	p2 =	por !p2, p0  }
0x20: {  	[sflag:s8] =	ssyncset.s32 @!p0 $0xFFFFF086;
	s6 =	sadd.s32 @!p0 s3, s7;
	s7 =	simm.s32 @!p0 $0x108  }
0x21: {  	s3 =	sadd.s32 s3, s9;
	s6 =	sadd.s32 @!p0 $0x88, s6;
	s7 =	simm.s32 @p2 $0x1082  }
0x22: {  	[simem:s7], [sflag:s8] =	dma.local @!p0 [hbm:s6], $0xF7A  }
0x23: {  	s9 =	sor.u32 $0xD0000000, s2;
	s6 =	simm.s32 $0x108;
	_ =	swait.ge @!p0 [sflag:s8], $0x0  }
0x24: {  	s3 =	sadd.s32 $0x88, s3;
	s6 =	simm.s32 @!p1 $0x1082;
	[sflag:s4] =	ssyncset.s32 $0xFFFFF086  }
0x25: {  	[simem:s6], [sflag:s4] =	dma.local [hbm:s3], $0xF7A  }
0x26: {  	[smem:$0x3F9D] =	sst s1;
	(tag) =	ssettag s2;
	_ =	strace s9  }
0x27: {  	s1 =	sld [smem:$0x3FAD]  }
0x28: {  	s2 =	sld [smem:$0x3FAE]  }
0x29: {  	s4 =	sld [smem:$0x3FB0]  }
0x2a: {  	p0 =	seq.s32 s5, $0x0;
	s5 =	sld [smem:$0x3FB1]  }
0x2b: {  	s6 =	sld [smem:$0x3FB2]  }
0x2c: {  	s7 =	sld [smem:$0x3FB3]  }
0x2d: {  	s3 =	simm.s32 $0x108;
	s8 =	sld [smem:$0x3FB4]  }
0x2e: {  	s3 =	simm.s32 @!p0 $0x1082;
	s9 =	sld [smem:$0x3FB5]  }
0x2f: {  	lr =	sadd.s32 s0, s3;
	s0 =	sld [smem:$0x3FAC]  }
0x30: {  	s3 =	sld [smem:$0x3FAF]  }
0x31: {  	[smem:$0x3FB8] =	sst s10  }
0x32: {  	s10 =	sld [smem:$0x3FB6];
	_ =	sdelay $0x3  }
0x33: {  	p0 =	seq.s32 s10, $0x1;
	s10 =	sld [smem:$0x3FB8];
	_ =	sdelay $0x3  }
0x34: {  	[smem:$0x3FB8] =	sst s10  }
0x35: {  	s10 =	sld [smem:$0x3FB7];
	_ =	sdelay $0x3  }
0x36: {  	p1 =	seq.s32 s10, $0x1;
	s10 =	sld [smem:$0x3FB8];
	_ =	sdelay $0x3  }
0x37: {  	[smem:$0x3FB8] =	sst s10  }
0x38: {  	s10 =	sld [smem:$0x3FB9]  }
0x39: {  	_ = 	snop;
	(pc) =	sbr.ind lr, $3  }
0x3a: {  	_ = 	snop  }
0x3b: {  	_ = 	snop  }
0x3c: {  	p2 =	seq.s32 s10, $0x1;
	s10 =	sld [smem:$0x3FB8]  }
0x3d: {  	_ =	shalt  }
0x3e: {  	_ =	shalt  }
0x3f: {  	_ =	shalt  }
0x40: {  	_ =	shalt  }
0x41: {  	_ =	shalt  }
0x42: {  	_ =	shalt  }
0x43: {  	_ =	shalt  }
0x44: {  	_ =	shalt  }
0x45: {  	_ =	shalt  }
0x46: {  	_ =	shalt  }
0x47: {  	_ =	shalt  }
0x48: {  	_ =	shalt  }
0x49: {  	_ =	shalt  }
0x4a: {  	_ =	shalt  }
0x4b: {  	_ =	shalt  }
0x4c: {  	_ =	shalt  }
0x4d: {  	_ =	shalt  }
0x4e: {  	_ =	shalt  }
0x4f: {  	_ =	shalt  }
0x50: {  	_ =	shalt  }
0x51: {  	_ =	shalt  }
0x52: {  	_ =	shalt  }
0x53: {  	_ =	shalt  }
0x54: {  	_ =	shalt  }
0x55: {  	_ =	shalt  }
0x56: {  	_ =	shalt  }
0x57: {  	_ =	shalt  }
0x58: {  	_ =	shalt  }
0x59: {  	_ =	shalt  }
0x5a: {  	_ =	shalt  }
0x5b: {  	_ =	shalt  }
0x5c: {  	_ =	shalt  }
0x5d: {  	_ =	shalt  }
0x5e: {  	_ =	shalt  }
0x5f: {  	_ =	shalt  }
0x60: {  	_ =	shalt  }
0x61: {  	_ =	shalt  }
0x62: {  	_ =	shalt  }
0x63: {  	_ =	shalt  }
0x64: {  	_ =	shalt  }
0x65: {  	_ =	shalt  }
0x66: {  	_ =	shalt  }
0x67: {  	_ =	shalt  }
0x68: {  	_ =	shalt  }
0x69: {  	_ =	shalt  }
0x6a: {  	_ =	shalt  }
0x6b: {  	_ =	shalt  }
0x6c: {  	_ =	shalt  }
0x6d: {  	_ =	shalt  }
0x6e: {  	_ =	shalt  }
0x6f: {  	_ =	shalt  }
0x70: {  	_ =	shalt  }
0x71: {  	_ =	shalt  }
0x72: {  	_ =	shalt  }
0x73: {  	_ =	shalt  }
0x74: {  	_ =	shalt  }
0x75: {  	_ =	shalt  }
0x76: {  	_ =	shalt  }
0x77: {  	_ =	shalt  }
0x78: {  	_ =	shalt  }
0x79: {  	_ =	shalt  }
0x7a: {  	_ =	shalt  }
0x7b: {  	_ =	shalt  }
0x7c: {  	_ =	shalt  }
0x7d: {  	_ =	shalt  }
0x7e: {  	_ =	shalt  }
0x7f: {  	_ =	shalt  }
0x80: {  	_ =	shalt  }
0x81: {  	_ =	shalt  }
0x82: {  	_ =	shalt  }
0x83: {  	_ =	shalt  }
0x84: {  	_ =	shalt  }
0x85: {  	_ =	shalt  }
0x86: {  	_ =	shalt  }
0x87: {  	_ =	shalt  }
.Lfunc_end0:
.L_simem_size_0:
called_computation.1_lowered:
.L_overlay_start_0:
0x88: {  	s2 =	sld [smem:$0x3FD9]  }
0x89: {  	s3 =	sld [smem:$0x3FFE];
	_ =	sdelay $0x1  }
0x8a: {  	s1 =	srdreg.scid  }
0x8b: {  	s0 =	sand.u32 $0x1, s1  }
0x8c: {  	s17 =	sshll.u32 s0, $0xA;
	s2 =	sadd.s32 s3, s2  }
0x8d: {  	s2 =	sadd.s32 s2, s17  }
0x8e: {  	[smem:$0x3FC4] =	sst s2  }
0x8f: {  	_ = 	snop  }
0x90: {  	s2 =	sld [smem:$0x3FD0];
	(tm) =	ssettm $0x1  }
0x91: {  	s18 =	sld [smem:$0x3FFB];
	_ =	sdelay $0x3  }
0x92: {  	_ =	strace s18  }
0x93: {  	s3 =	sld [smem:$0x3FFC];
	_ =	sdelay $0x3  }
0x94: {  	_ =	strace s3  }
0x95: {  	s3 =	sld [smem:$0x3FFD];
	_ =	sdelay $0x3  }
0x96: {  	_ =	strace s3  }
0x97: {  	_ =	strace $0x8FFFFFFF  }
0x98: {  	s19 =	sld [smem:$0x3FDB];
	_ =	sdelay $0x1  }
0x99: {  	s4 =	simm.s32 $_scs_section_size  }
0x9a: {  	s5 =	simm.s32 $_size__tile_overlayer_lowered;
	s6 =	simm.s32 $_tile_overlayer_lowered  }
0x9b: {  	s22 =	simm.s32 $0x1BFF;
	s21 =	sshll.u32 s6, $0x1;
	s3 =	sadd.s32 s4, s19  }
0x9c: {  	s7 =	simm.s32 $0x0;
	s20 =	sshll.u32 s5, $0x1;
	s5 =	sadd.s32 s21, s3  }
0x9d: {  	[timem:s7], [sflag:s22] =	dma.local [hbm:s5], s20  }
0x9e: {  	_ =	swait.ge [sflag:s22], s20  }
0x9f: {  	s4 =	ssub.s32 $0x0, s20;
	[sflag:s22] =	ssyncset.done $0x0  }
0xa0: {  	[sflag:s22] =	ssyncadd.s32 s4;
	_ =	sdelay $0x1  }
0xa1: {  	s23 =	simm.s32 $0x1B8B  }
0xa2: {  	_ =	swait.ge [sflag:s23], $0x1  }
0xa3: {  	[sflag:s23] =	ssyncset.done $0x0  }
0xa4: {  	s25 =	simm.s32 $0x1B8E;
	s24 =	sld [smem:$0x3FFE];
	[sflag:s23] =	ssyncadd.s32 $0xFFFFFFFF  }
0xa5: {  	s26 =	simm.s32 $execute0_lowered;
	[smem:$0x3FD2] =	sst s25  }
0xa6: {  	s5 =	sshll.u32 s26, $0x1;
	_ =	strace $0x80000049;
	[dreg:$0x1] =	wrdreg $0xFFFFFFFF  }
0xa7: {  	s28 =	simm.s32 $_size_execute0_lowered;
	s3 =	sadd.s32 s3, s5;
	[dreg:$0x0] =	wrdreg $0x0  }
0xa8: {  	s5 =	sshll.u32 s28, $0x1;
	[dreg:$0x2] =	wrdreg s3  }
0xa9: {  	[dreg:$0x3] =	wrdreg s5  }
0xaa: {  	[dreg:$0x4] =	wrdreg $0xC0  }
0xab: {  	_ =	task [dreg:s7], $0x5FFFF  }
0xac: {  	[dreg:$0x1] =	wrdreg $0xFFFFFFFF  }
0xad: {  	[dreg:$0x0] =	wrdreg $0x60  }
0xae: {  	[dreg:$0x2] =	wrdreg s24  }
0xaf: {  	[dreg:$0x3] =	wrdreg s2  }
0xb0: {  	[dreg:$0x4] =	wrdreg $0x189600  }
0xb1: {  	[dreg:$0x5] =	wrdreg $0x1A1D00  }
0xb2: {  	[dreg:$0x6] =	wrdreg $0x158800  }
0xb3: {  	[dreg:$0x7] =	wrdreg $0x170F00  }
0xb4: {  	[dreg:$0x8] =	wrdreg $0x9  }
0xb5: {  	_ =	task.clear_ibuf [dreg:s7], $0x9FFFF;
	_ =	strace $0x90000049  }
0xb6: {  	s29 =	simm.s32 $0x9;
	_ =	strace $0x8000004B  }
0xb7: {  	_ =	swait.ge [sflag:s29], $0x1  }
0xb8: {  	[sflag:s29] =	ssyncadd.s32 $0xFFFFFFFF  }
0xb9: {  	_ =	strace $0x9000004B  }
0xba: {  	_ =	sfence  }
0xbb: {  	s30 =	sld [smem:$0x0];
	_ =	sdelay $0x2  }
0xbc: {  	s31 =	sshll.u32 s1, $0xD;
	s1 =	sshrl.u32 s1, $0x2  }
0xbd: {  	s3 =	sand.u32 $0x4000, s31;
	s1 =	sadd.s32 s1, s30  }
0xbe: {  	s0 =	sor.u32 s3, s0;
	s1 =	sshll.u32 s1, $0x11  }
0xbf: {  	s0 =	sor.u32 s1, s0  }
0xc0: {  	s0 =	sadd.s32 $0x8F2B, s0  }
0xc1: {  	[sflag:s0] =	ssyncadd.remote.s32 $0x1  }
0xc2: {  	_ =	sfence.sel $0xFFFF  }
0xc3: {  	[dreg:$0x0] =	wrdreg $0xFFFFFFFF;
	(pc) =	sbr.abs _section_cstart, $3  }
0xc4: {  	[dreg:$0x1] =	wrdreg $0xFFFFFFFF  }
0xc5: {  	_ =	task.clear_ibuf [dreg:s7], $0x2FFFF;
	_ =	strace $0x9FFFFFFF  }
0xc6: {  	(tm) =	ssettm $0x7FFFFFFF  }
0xc7: {  	_ =	shalt  }
tec
execute0_lowered:
.L_overlay_start_1:
0x0: {  	(tag) =	ssettag $0x1  }
0x1: {  	s0 =	rddreg [dreg:$0x0]  }
0x2: {  	s4 =	rddreg [dreg:$0x1]  }
0x3: {  	s2 =	rddreg [dreg:$0x2]  }
0x4: {  	s3 =	rddreg [dreg:$0x3]  }
0x5: {  	s5 =	rddreg [dreg:$0x4]  }
0x6: {  	s21 =	rddreg [dreg:$0x5];
	s6 =	simm.s32 $0x0;
	s14 =	stileid.u32  }
0x7: {  	s8 =	srdreg.scid;
	s28 =	simm.s32 $0xA;
	s29 =	simm.s32 $0xB  }
0x8: {  	[smem:$0x7FF] =	sst s6;
	s7 =	smul.u32 $0x1870, s14;
	s9 =	sadd.s32 $0xC4A00, s0  }
0x9: {  	s8 =	sand.u32 $0x1, s8;
	s10 =	sadd.s32 $0x1400, s0;
	s22 =	smul.u32 $0x30D40, s14  }
0xa: {  	s30 =	simm.s32 $0x1;
	_ =	strace $0x8000004A;
	s13 =	smul.u32 $0x30D400, s8  }
0xb: {  	s12 =	ssub.s32 $0x2, s8;
	s24 =	smul.u32 $0x30E00, s8;
	s23 =	sadd.s32 s7, s2  }
0xc: {  	s11 =	sshrl.u32 s7, $0x3;
	s25 =	sadd.s32 s7, s3;
	[dreg:$0x10] =	wrdreg s23  }
0xd: {  	s19 =	sshrl.u32 s12, $0x1;
	s14 =	sadd.s32 s7, s5;
	[dreg:$0x12] =	wrdreg s25  }
0xe: {  	s31 =	sadd.s32 s7, s21;
	s0 =	sadd.s32 s11, s0;
	[dreg:$0x13] =	wrdreg s14  }
0xf: {  	s11 =	ssub.s32 s12, s19;
	s26 =	sadd.s32 s22, s13;
	[dreg:$0x14] =	wrdreg s31  }
0x10: {  	s12 =	simm.s32 $0x7;
	s20 =	sadd.s32 $0x18B200, s0;
	s0 =	sadd.s32 $0x188000, s0  }
0x11: {  	s1 =	sshrl.u32 s26, $0x3;
	s13 =	sadd.s32 $0x3A98, s26;
	s18 =	sadd.s32 $0x2710, s26  }
0x12: {  	s8 =	sadd.s32 $0x1388, s26;
	s26 =	smax.u32 s11, $0x1;
	[dreg:$0xf] =	wrdreg s20  }
0x13: {  	s11 =	simm.s32 $0x6;
	[dreg:$0x11] =	wrdreg s0;
	s0 =	sadd.s32 s7, s24  }
0x14: {  	s15 =	sadd.s32 s1, s10;
	s7 =	sadd.s32 s1, s9;
	s16 =	sshrl.u32 s13, $0x3  }
0x15: {  	s20 =	sshrl.u32 s18, $0x3;
	s8 =	sshrl.u32 s8, $0x3;
	[dreg:$0x17] =	wrdreg s26  }
0x16: {  	s18 =	simm.s32 $0x5000;
	s26 =	simm.s32 $0x1388;
	[dreg:$0x7] =	wrdreg s15  }
0x17: {  	s13 =	simm.s32 $0x5;
	s0 =	sshrl.u32 s0, $0x3;
	[dreg:$0x8] =	wrdreg s7  }
0x18: {  	s17 =	sadd.s32 s16, s10;
	s19 =	sadd.s32 s16, s9;
	s22 =	sadd.s32 s20, s10  }
0x19: {  	s23 =	sadd.s32 s20, s9;
	s24 =	sadd.s32 s8, s10;
	[dreg:$0x9] =	wrdreg s17  }
0x1a: {  	s25 =	sadd.s32 s8, s9;
	s8 =	simm.s32 $0x14000;
	[dreg:$0xa] =	wrdreg s19  }
0x1b: {  	s10 =	simm.s32 $0xD;
	s20 =	simm.s32 $0x7800;
	[dreg:$0xb] =	wrdreg s22  }
0x1c: {  	s7 =	simm.s32 $0x0;
	s9 =	simm.s32 $0x3;
	[dreg:$0xc] =	wrdreg s23  }
0x1d: {  	s15 =	simm.s32 $0x4;
	s16 =	simm.s32 $0x8;
	[dreg:$0xd] =	wrdreg s24  }
0x1e: {  	s4 =	sadd.s32 s4, s0;
	[dreg:$0xe] =	wrdreg s25;
	s19 =	simm.s32 $0x1400  }
0x1f: {  	s23 =	simm.s32 $0x8C00;
	[dreg:$0x15] =	wrdreg s4;
	s4 =	sadd.s32 $0x30E0, s4  }
0x20: {  	v0 =	vimm.f32 $0.0e+00;
	s17 =	simm.s32 $0x9;
	[dreg:$0x16] =	wrdreg s4;
	s4 =	simm.s32 $0x2  }
.LBB2_1:
0x21: {  	[dreg:$0x18] =	wrdreg s7  }
0x22: {  	s0 =	rddreg [dreg:$0xf]  }
0x23: {  	[tilespmem:s8], [sflag:$0xD] =	stream.linear.gather [hbm4b:s0+s6], $0x1870, $0x38;
	[tilespmem:$0x1BA40] =	vst v63  }
0x24: {  	_ =	swait.ge [sflag:s10], $0x1870  }
0x25: {  	[sflag:s10] =	ssyncset.done $0x0  }
0x26: {  	s22 =	rddreg [dreg:$0x10];
	[sflag:s10] =	ssyncadd.s32 $0xFFFFE790  }
0x27: {  	[spmem:s22] =	stream.linear.scatter [tilespmem:s8], [sflag:$0xD], $0x1870, $0x38;
	[tilespmem:$0x1BA40] =	vst v63  }
0x28: {  	_ =	swait.ge [sflag:s10], $0x1870  }
0x29: {  	[sflag:s10] =	ssyncset.done $0x0  }
0x2a: {  	s24 =	rddreg [dreg:$0x11];
	[sflag:s10] =	ssyncadd.s32 $0xFFFFE790  }
0x2b: {  	[tilespmem:s8], [sflag:$0xD] =	stream.linear.gather [hbm4b:s24+s6], $0x1870, $0x38;
	[tilespmem:$0x1BA40] =	vst v63  }
0x2c: {  	_ =	swait.ge [sflag:s10], $0x1870  }
0x2d: {  	[sflag:s10] =	ssyncset.done $0x0  }
0x2e: {  	s25 =	rddreg [dreg:$0x12];
	[sflag:s10] =	ssyncadd.s32 $0xFFFFE790  }
0x2f: {  	[spmem:s25] =	stream.linear.scatter [tilespmem:s8], [sflag:$0xD], $0x1870, $0x38;
	[tilespmem:$0x1BA40] =	vst v63  }
0x30: {  	_ =	swait.ge [sflag:s10], $0x1870  }
0x31: {  	[sflag:s10] =	ssyncset.done $0x0  }
0x32: {  	s7 =	simm.s32 $0x0;
	s0 =	simm.s32 $0x40;
	[sflag:s10] =	ssyncadd.s32 $0xFFFFE790  }
.LBB2_2:
0x33: {  	p0 =	sne.s32 s0, $0x6180;
	[tilespmem:s7+$0x14000] =	vst v0;
	s7 =	smov.u32 s0;
	s0 =	sadd.s32 $0x40, s0  }
.Ltmp0:
0x34: {  	(pc) =	sbr.rel @p0 .LBB2_2-.Ltmp0, $2  }
0x35: {  	_ =	sdelay $0x2  }
0x36: {  	s7 =	sshra.s32 s7, $0x2  }
0x37: {  	[tilespmem:s7+$0x14000] =	vst v0  }
0x38: {  	[spmem:s14] =	stream.linear.scatter [tilespmem:s8], [sflag:$0xD], $0x1870, $0x38;
	[tilespmem:$0x1BA40] =	vst v63  }
0x39: {  	_ =	swait.ge [sflag:s10], $0x1870  }
0x3a: {  	[sflag:s10] =	ssyncset.done $0x0  }
0x3b: {  	[sflag:s10] =	ssyncadd.s32 $0xFFFFE790  }
0x3c: {  	[spmem:s31] =	stream.linear.scatter [tilespmem:s8], [sflag:$0xD], $0x1870, $0x38;
	[tilespmem:$0x1BA40] =	vst v63  }
0x3d: {  	_ =	swait.ge [sflag:s10], $0x1870  }
0x3e: {  	[sflag:s10] =	ssyncset.done $0x0  }
0x3f: {  	[sflag:s10] =	ssyncadd.s32 $0xFFFFE790  }
0x40: {  	[bflag:$0x0] =	sbarrier.arrive $0xFFFF  }
0x41: {  	s0 =	rddreg [dreg:$0x8]  }
0x42: {  	s1 =	rddreg [dreg:$0x7];
	s0 =	sadd.s32 $0x0, s0  }
0x43: {  	[tilespmem:s6], [sflag:$0x1] =	stream.linear.gather [hbm4b:s0+s6], $0x1388, $0x38;
	[tilespmem:$0x1BA40] =	vst v63  }
0x44: {  	s31 =	rddreg [dreg:$0xe];
	s8 =	sadd.s32 $0x0, s1  }
0x45: {  	[tilespmem:s18], [sflag:$0x1] =	stream.linear.gather [hbm4b:s8+s6], $0x1388, $0x38;
	[tilespmem:$0x1BA40] =	vst v63  }
0x46: {  	s10 =	rddreg [dreg:$0xd];
	s14 =	sadd.s32 $0x0, s31  }
0x47: {  	[tilespmem:s19], [sflag:$0x2] =	stream.linear.gather [hbm4b:s14+s6], $0x1388, $0x38;
	[tilespmem:$0x1BA40] =	vst v63  }
0x48: {  	s24 =	simm.s32 $0x6400;
	s31 =	rddreg [dreg:$0xc];
	s22 =	sadd.s32 $0x0, s10  }
0x49: {  	[tilespmem:s24], [sflag:$0x2] =	stream.linear.gather [hbm4b:s22+s6], $0x1388, $0x38;
	[tilespmem:$0x1BA40] =	vst v63  }
0x4a: {  	s25 =	rddreg [dreg:$0xb];
	s1 =	simm.s32 $0x2800;
	s8 =	sadd.s32 $0x0, s31  }
0x4b: {  	[tilespmem:s1], [sflag:$0x3] =	stream.linear.gather [hbm4b:s8+s6], $0x1388, $0x38;
	[tilespmem:$0x1BA40] =	vst v63  }
0x4c: {  	s10 =	sadd.s32 $0x0, s25;
	s31 =	rddreg [dreg:$0xa]  }
0x4d: {  	[tilespmem:s20], [sflag:$0x3] =	stream.linear.gather [hbm4b:s10+s6], $0x1388, $0x38;
	[tilespmem:$0x1BA40] =	vst v63  }
0x4e: {  	s14 =	rddreg [dreg:$0x9];
	s22 =	simm.s32 $0x3C00;
	s20 =	sadd.s32 $0x0, s31  }
0x4f: {  	[tilespmem:s22], [sflag:$0x4] =	stream.linear.gather [hbm4b:s20+s6], $0x1388, $0x38;
	[tilespmem:$0x1BA40] =	vst v63  }
0x50: {  	s25 =	sadd.s32 $0x0, s14  }
0x51: {  	[tilespmem:s23], [sflag:$0x4] =	stream.linear.gather [hbm4b:s25+s6], $0x1388, $0x38;
	[tilespmem:$0x1BA40] =	vst v63  }
0x52: {  	_ =	swait.ge [sflag:s30], $0x1388  }
0x53: {  	[sflag:s30] =	ssyncset.done $0x0  }
0x54: {  	[sflag:s30] =	ssyncadd.s32 $0xFFFFEC78  }
0x55: {  	_ =	swait.ge [sflag:s30], $0x1388  }
0x56: {  	[sflag:s30] =	ssyncset.done $0x0  }
0x57: {  	s0 =	simm.s32 $0xA000;
	[sflag:s30] =	ssyncadd.s32 $0xFFFFEC78  }
0x58: {  	[tilespmem:s0], [sflag:$0x5] =	stream.indirect.gather [spmem:s2], $0x1, s6, s26, $0xb8;
	[tilespmem:$0x1BA40] =	vst v63  }
0x59: {  	s7 =	simm.s32 $0xF000  }
0x5a: {  	[tilespmem:s7], [sflag:$0x5] =	stream.indirect.gather [spmem:s3], $0x1, s6, s26, $0xb8;
	[tilespmem:$0x1BA40] =	vst v63  }
0x5b: {  	_ =	swait.ge [sflag:s4], $0x1388  }
0x5c: {  	[sflag:s4] =	ssyncset.done $0x0  }
0x5d: {  	[sflag:s4] =	ssyncadd.s32 $0xFFFFEC78  }
0x5e: {  	_ =	swait.ge [sflag:s4], $0x1388  }
0x5f: {  	[sflag:s4] =	ssyncset.done $0x0  }
0x60: {  	s8 =	simm.s32 $0xB400;
	[sflag:s4] =	ssyncadd.s32 $0xFFFFEC78  }
0x61: {  	[tilespmem:s8], [sflag:$0x6] =	stream.indirect.gather [spmem:s2], $0x1, s19, s26, $0xb8;
	[tilespmem:$0x1BA40] =	vst v63  }
0x62: {  	s10 =	simm.s32 $0x10400  }
0x63: {  	[tilespmem:s10], [sflag:$0x6] =	stream.indirect.gather [spmem:s3], $0x1, s19, s26, $0xb8;
	[tilespmem:$0x1BA40] =	vst v63  }
0x64: {  	_ =	swait.ge [sflag:s9], $0x1388  }
0x65: {  	[sflag:s9] =	ssyncset.done $0x0  }
0x66: {  	[sflag:s9] =	ssyncadd.s32 $0xFFFFEC78  }
0x67: {  	_ =	swait.ge [sflag:s9], $0x1388  }
0x68: {  	[sflag:s9] =	ssyncset.done $0x0  }
0x69: {  	s14 =	simm.s32 $0xC800;
	[sflag:s9] =	ssyncadd.s32 $0xFFFFEC78  }
0x6a: {  	[tilespmem:s14], [sflag:$0x7] =	stream.indirect.gather [spmem:s2], $0x1, s1, s26, $0xb8;
	[tilespmem:$0x1BA40] =	vst v63  }
0x6b: {  	s20 =	simm.s32 $0x11800  }
0x6c: {  	[tilespmem:s20], [sflag:$0x7] =	stream.indirect.gather [spmem:s3], $0x1, s1, s26, $0xb8;
	[tilespmem:$0x1BA40] =	vst v63  }
0x6d: {  	_ =	swait.ge [sflag:s15], $0x1388  }
0x6e: {  	[sflag:s15] =	ssyncset.done $0x0  }
0x6f: {  	[sflag:s15] =	ssyncadd.s32 $0xFFFFEC78  }
0x70: {  	_ =	swait.ge [sflag:s15], $0x1388  }
0x71: {  	[sflag:s15] =	ssyncset.done $0x0  }
0x72: {  	s1 =	simm.s32 $0xDC00;
	[sflag:s15] =	ssyncadd.s32 $0xFFFFEC78  }
0x73: {  	[tilespmem:s1], [sflag:$0x8] =	stream.indirect.gather [spmem:s2], $0x1, s22, s26, $0xb8;
	[tilespmem:$0x1BA40] =	vst v63  }
0x74: {  	s25 =	simm.s32 $0x12C00  }
0x75: {  	[tilespmem:s25], [sflag:$0x8] =	stream.indirect.gather [spmem:s3], $0x1, s22, s26, $0xb8;
	[tilespmem:$0x1BA40] =	vst v63  }
0x76: {  	_ =	swait.ge [sflag:s13], $0x1388  }
0x77: {  	[sflag:s13] =	ssyncset.done $0x0  }
0x78: {  	[sflag:s13] =	ssyncadd.s32 $0xFFFFEC78  }
0x79: {  	_ =	swait.ge [sflag:s13], $0x1388  }
0x7a: {  	[sflag:s13] =	ssyncset.done $0x0  }
0x7b: {  	[sflag:s13] =	ssyncadd.s32 $0xFFFFEC78  }
0x7c: {  	[spmem:s5] =	stream.indirect.scatter.add.f32 [tilespmem:s0], [sflag:$0x9], $0x1, s18, s26, $0xb8;
	[tilespmem:$0x1BA40] =	vst v63  }
0x7d: {  	_ = 	snop  }
0x7e: {  	[spmem:s21] =	stream.indirect.scatter.add.f32 [tilespmem:s7], [sflag:$0x9], $0x1, s18, s26, $0xb8;
	[tilespmem:$0x1BA40] =	vst v63  }
0x7f: {  	_ =	swait.ge [sflag:s11], $0x1388  }
0x80: {  	[sflag:s11] =	ssyncset.done $0x0  }
0x81: {  	[sflag:s11] =	ssyncadd.s32 $0xFFFFEC78  }
0x82: {  	_ =	swait.ge [sflag:s11], $0x1388  }
0x83: {  	[sflag:s11] =	ssyncset.done $0x0  }
0x84: {  	[sflag:s11] =	ssyncadd.s32 $0xFFFFEC78  }
0x85: {  	[spmem:s5] =	stream.indirect.scatter.add.f32 [tilespmem:s8], [sflag:$0xA], $0x1, s24, s26, $0xb8;
	[tilespmem:$0x1BA40] =	vst v63  }
0x86: {  	_ = 	snop  }
0x87: {  	[spmem:s21] =	stream.indirect.scatter.add.f32 [tilespmem:s10], [sflag:$0xA], $0x1, s24, s26, $0xb8;
	[tilespmem:$0x1BA40] =	vst v63  }
0x88: {  	_ =	swait.ge [sflag:s12], $0x1388  }
0x89: {  	[sflag:s12] =	ssyncset.done $0x0  }
0x8a: {  	[sflag:s12] =	ssyncadd.s32 $0xFFFFEC78  }
0x8b: {  	_ =	swait.ge [sflag:s12], $0x1388  }
0x8c: {  	[sflag:s12] =	ssyncset.done $0x0  }
0x8d: {  	s23 =	simm.s32 $0x7800;
	[sflag:s12] =	ssyncadd.s32 $0xFFFFEC78  }
0x8e: {  	[spmem:s5] =	stream.indirect.scatter.add.f32 [tilespmem:s14], [sflag:$0xB], $0x1, s23, s26, $0xb8;
	[tilespmem:$0x1BA40] =	vst v63  }
0x8f: {  	_ = 	snop  }
0x90: {  	[spmem:s21] =	stream.indirect.scatter.add.f32 [tilespmem:s20], [sflag:$0xB], $0x1, s23, s26, $0xb8;
	[tilespmem:$0x1BA40] =	vst v63  }
0x91: {  	_ =	swait.ge [sflag:s16], $0x1388  }
0x92: {  	[sflag:s16] =	ssyncset.done $0x0  }
0x93: {  	[sflag:s16] =	ssyncadd.s32 $0xFFFFEC78  }
0x94: {  	_ =	swait.ge [sflag:s16], $0x1388  }
0x95: {  	[sflag:s16] =	ssyncset.done $0x0  }
0x96: {  	s23 =	simm.s32 $0x8C00;
	[sflag:s16] =	ssyncadd.s32 $0xFFFFEC78  }
0x97: {  	[spmem:s5] =	stream.indirect.scatter.add.f32 [tilespmem:s1], [sflag:$0xC], $0x1, s23, s26, $0xb8;
	[tilespmem:$0x1BA40] =	vst v63  }
0x98: {  	_ = 	snop  }
0x99: {  	[spmem:s21] =	stream.indirect.scatter.add.f32 [tilespmem:s25], [sflag:$0xC], $0x1, s23, s26, $0xb8;
	[tilespmem:$0x1BA40] =	vst v63  }
0x9a: {  	_ =	swait.ge [sflag:s17], $0x1388  }
0x9b: {  	[sflag:s17] =	ssyncset.done $0x0  }
0x9c: {  	[sflag:s17] =	ssyncadd.s32 $0xFFFFEC78  }
0x9d: {  	_ =	swait.ge [sflag:s17], $0x1388  }
0x9e: {  	[sflag:s17] =	ssyncset.done $0x0  }
0x9f: {  	[sflag:s17] =	ssyncadd.s32 $0xFFFFEC78  }
0xa0: {  	_ =	swait.ge [sflag:s28], $0x1388  }
0xa1: {  	[sflag:s28] =	ssyncset.done $0x0  }
0xa2: {  	[sflag:s28] =	ssyncadd.s32 $0xFFFFEC78  }
0xa3: {  	_ =	swait.ge [sflag:s28], $0x1388  }
0xa4: {  	[sflag:s28] =	ssyncset.done $0x0  }
0xa5: {  	[sflag:s28] =	ssyncadd.s32 $0xFFFFEC78  }
0xa6: {  	_ =	swait.ge [sflag:s29], $0x1388  }
0xa7: {  	[sflag:s29] =	ssyncset.done $0x0  }
0xa8: {  	[sflag:s29] =	ssyncadd.s32 $0xFFFFEC78  }
0xa9: {  	_ =	swait.ge [sflag:s29], $0x1388  }
0xaa: {  	[sflag:s29] =	ssyncset.done $0x0  }
0xab: {  	s1 =	simm.s32 $0xC;
	[sflag:s29] =	ssyncadd.s32 $0xFFFFEC78  }
0xac: {  	_ =	swait.ge [sflag:s1], $0x1388  }
0xad: {  	[sflag:s1] =	ssyncset.done $0x0  }
0xae: {  	[sflag:s1] =	ssyncadd.s32 $0xFFFFEC78  }
0xaf: {  	s31 =	simm.s32 $0x9C4;
	s0 =	simm.s32 $0x1388;
	_ =	swait.ge [sflag:s1], $0x1388  }
0xb0: {  	s20 =	simm.s32 $0x7800;
	s7 =	rddreg [dreg:$0x8];
	[sflag:s1] =	ssyncset.done $0x0  }
.LBB2_4:
0xb1: {  	[sflag:s1] =	ssyncadd.s32 $0xFFFFEC78;
	s10 =	rddreg [dreg:$0x7];
	s7 =	sadd.s32 s31, s7  }
0xb2: {  	[tilespmem:s6], [sflag:$0x1] =	stream.linear.gather [hbm4b:s7+s6], $0x1388, $0x38;
	[tilespmem:$0x1BA40] =	vst v63  }
0xb3: {  	s14 =	rddreg [dreg:$0xe];
	s22 =	sadd.s32 s31, s10  }
0xb4: {  	[tilespmem:s18], [sflag:$0x1] =	stream.linear.gather [hbm4b:s22+s6], $0x1388, $0x38;
	[tilespmem:$0x1BA40] =	vst v63  }
0xb5: {  	s24 =	rddreg [dreg:$0xd];
	s25 =	sadd.s32 s31, s14  }
0xb6: {  	[tilespmem:s19], [sflag:$0x2] =	stream.linear.gather [hbm4b:s25+s6], $0x1388, $0x38;
	[tilespmem:$0x1BA40] =	vst v63  }
0xb7: {  	s1 =	rddreg [dreg:$0xc];
	s10 =	sadd.s32 s31, s24;
	s24 =	simm.s32 $0x6400  }
0xb8: {  	[tilespmem:s24], [sflag:$0x2] =	stream.linear.gather [hbm4b:s10+s6], $0x1388, $0x38;
	[tilespmem:$0x1BA40] =	vst v63  }
0xb9: {  	s18 =	rddreg [dreg:$0xb];
	s22 =	sadd.s32 s31, s1;
	s1 =	simm.s32 $0x2800  }
0xba: {  	[tilespmem:s1], [sflag:$0x3] =	stream.linear.gather [hbm4b:s22+s6], $0x1388, $0x38;
	[tilespmem:$0x1BA40] =	vst v63  }
0xbb: {  	s25 =	rddreg [dreg:$0xa];
	s10 =	sadd.s32 s31, s18  }
0xbc: {  	[tilespmem:s20], [sflag:$0x3] =	stream.linear.gather [hbm4b:s10+s6], $0x1388, $0x38;
	[tilespmem:$0x1BA40] =	vst v63  }
0xbd: {  	s18 =	rddreg [dreg:$0x9];
	s22 =	simm.s32 $0x3C00;
	s20 =	sadd.s32 s31, s25  }
0xbe: {  	[tilespmem:s22], [sflag:$0x4] =	stream.linear.gather [hbm4b:s20+s6], $0x1388, $0x38;
	[tilespmem:$0x1BA40] =	vst v63  }
0xbf: {  	s25 =	sadd.s32 s31, s18  }
0xc0: {  	[tilespmem:s23], [sflag:$0x4] =	stream.linear.gather [hbm4b:s25+s6], $0x1388, $0x38;
	[tilespmem:$0x1BA40] =	vst v63  }
0xc1: {  	_ =	swait.ge [sflag:s30], $0x1388  }
0xc2: {  	[sflag:s30] =	ssyncset.done $0x0  }
0xc3: {  	[sflag:s30] =	ssyncadd.s32 $0xFFFFEC78  }
0xc4: {  	_ =	swait.ge [sflag:s30], $0x1388  }
0xc5: {  	s8 =	smov.u32 s0;
	[sflag:s30] =	ssyncset.done $0x0  }
0xc6: {  	s31 =	smov.u32 s8;
	s8 =	simm.s32 $0xA000;
	[sflag:s30] =	ssyncadd.s32 $0xFFFFEC78  }
0xc7: {  	[tilespmem:s8], [sflag:$0x5] =	stream.indirect.gather [spmem:s2], $0x1, s6, s26, $0xb8;
	[tilespmem:$0x1BA40] =	vst v63  }
0xc8: {  	s10 =	simm.s32 $0xF000  }
0xc9: {  	[tilespmem:s10], [sflag:$0x5] =	stream.indirect.gather [spmem:s3], $0x1, s6, s26, $0xb8;
	[tilespmem:$0x1BA40] =	vst v63  }
0xca: {  	_ =	swait.ge [sflag:s4], $0x1388  }
0xcb: {  	[sflag:s4] =	ssyncset.done $0x0  }
0xcc: {  	[sflag:s4] =	ssyncadd.s32 $0xFFFFEC78  }
0xcd: {  	_ =	swait.ge [sflag:s4], $0x1388  }
0xce: {  	[sflag:s4] =	ssyncset.done $0x0  }
0xcf: {  	s14 =	simm.s32 $0xB400;
	[sflag:s4] =	ssyncadd.s32 $0xFFFFEC78  }
0xd0: {  	[tilespmem:s14], [sflag:$0x6] =	stream.indirect.gather [spmem:s2], $0x1, s19, s26, $0xb8;
	[tilespmem:$0x1BA40] =	vst v63  }
0xd1: {  	s7 =	simm.s32 $0x10400  }
0xd2: {  	[tilespmem:s7], [sflag:$0x6] =	stream.indirect.gather [spmem:s3], $0x1, s19, s26, $0xb8;
	[tilespmem:$0x1BA40] =	vst v63  }
0xd3: {  	_ =	swait.ge [sflag:s9], $0x1388  }
0xd4: {  	[sflag:s9] =	ssyncset.done $0x0  }
0xd5: {  	[sflag:s9] =	ssyncadd.s32 $0xFFFFEC78  }
0xd6: {  	_ =	swait.ge [sflag:s9], $0x1388  }
0xd7: {  	[sflag:s9] =	ssyncset.done $0x0  }
0xd8: {  	s18 =	simm.s32 $0xC800;
	[sflag:s9] =	ssyncadd.s32 $0xFFFFEC78  }
0xd9: {  	[tilespmem:s18], [sflag:$0x7] =	stream.indirect.gather [spmem:s2], $0x1, s1, s26, $0xb8;
	[tilespmem:$0x1BA40] =	vst v63  }
0xda: {  	s20 =	simm.s32 $0x11800  }
0xdb: {  	[tilespmem:s20], [sflag:$0x7] =	stream.indirect.gather [spmem:s3], $0x1, s1, s26, $0xb8;
	[tilespmem:$0x1BA40] =	vst v63  }
0xdc: {  	_ =	swait.ge [sflag:s15], $0x1388  }
0xdd: {  	[sflag:s15] =	ssyncset.done $0x0  }
0xde: {  	[sflag:s15] =	ssyncadd.s32 $0xFFFFEC78  }
0xdf: {  	_ =	swait.ge [sflag:s15], $0x1388  }
0xe0: {  	[sflag:s15] =	ssyncset.done $0x0  }
0xe1: {  	s1 =	simm.s32 $0xDC00;
	[sflag:s15] =	ssyncadd.s32 $0xFFFFEC78  }
0xe2: {  	[tilespmem:s1], [sflag:$0x8] =	stream.indirect.gather [spmem:s2], $0x1, s22, s26, $0xb8;
	[tilespmem:$0x1BA40] =	vst v63  }
0xe3: {  	s25 =	simm.s32 $0x12C00  }
0xe4: {  	[tilespmem:s25], [sflag:$0x8] =	stream.indirect.gather [spmem:s3], $0x1, s22, s26, $0xb8;
	[tilespmem:$0x1BA40] =	vst v63  }
0xe5: {  	_ =	swait.ge [sflag:s13], $0x1388  }
0xe6: {  	[sflag:s13] =	ssyncset.done $0x0  }
0xe7: {  	[sflag:s13] =	ssyncadd.s32 $0xFFFFEC78  }
0xe8: {  	_ =	swait.ge [sflag:s13], $0x1388  }
0xe9: {  	[sflag:s13] =	ssyncset.done $0x0  }
0xea: {  	s19 =	simm.s32 $0x5000;
	[sflag:s13] =	ssyncadd.s32 $0xFFFFEC78  }
0xeb: {  	[spmem:s5] =	stream.indirect.scatter.add.f32 [tilespmem:s8], [sflag:$0x9], $0x1, s19, s26, $0xb8;
	[tilespmem:$0x1BA40] =	vst v63  }
0xec: {  	_ = 	snop  }
0xed: {  	[spmem:s21] =	stream.indirect.scatter.add.f32 [tilespmem:s10], [sflag:$0x9], $0x1, s19, s26, $0xb8;
	[tilespmem:$0x1BA40] =	vst v63  }
0xee: {  	_ =	swait.ge [sflag:s11], $0x1388  }
0xef: {  	[sflag:s11] =	ssyncset.done $0x0  }
0xf0: {  	[sflag:s11] =	ssyncadd.s32 $0xFFFFEC78  }
0xf1: {  	_ =	swait.ge [sflag:s11], $0x1388  }
0xf2: {  	[sflag:s11] =	ssyncset.done $0x0  }
0xf3: {  	[sflag:s11] =	ssyncadd.s32 $0xFFFFEC78  }
0xf4: {  	[spmem:s5] =	stream.indirect.scatter.add.f32 [tilespmem:s14], [sflag:$0xA], $0x1, s24, s26, $0xb8;
	[tilespmem:$0x1BA40] =	vst v63  }
0xf5: {  	_ = 	snop  }
0xf6: {  	[spmem:s21] =	stream.indirect.scatter.add.f32 [tilespmem:s7], [sflag:$0xA], $0x1, s24, s26, $0xb8;
	[tilespmem:$0x1BA40] =	vst v63  }
0xf7: {  	_ =	swait.ge [sflag:s12], $0x1388  }
0xf8: {  	[sflag:s12] =	ssyncset.done $0x0  }
0xf9: {  	[sflag:s12] =	ssyncadd.s32 $0xFFFFEC78  }
0xfa: {  	_ =	swait.ge [sflag:s12], $0x1388  }
0xfb: {  	[sflag:s12] =	ssyncset.done $0x0  }
0xfc: {  	s23 =	simm.s32 $0x7800;
	[sflag:s12] =	ssyncadd.s32 $0xFFFFEC78  }
0xfd: {  	[spmem:s5] =	stream.indirect.scatter.add.f32 [tilespmem:s18], [sflag:$0xB], $0x1, s23, s26, $0xb8;
	[tilespmem:$0x1BA40] =	vst v63  }
0xfe: {  	_ = 	snop  }
0xff: {  	[spmem:s21] =	stream.indirect.scatter.add.f32 [tilespmem:s20], [sflag:$0xB], $0x1, s23, s26, $0xb8;
	[tilespmem:$0x1BA40] =	vst v63  }
0x100: {  	_ =	swait.ge [sflag:s16], $0x1388  }
0x101: {  	[sflag:s16] =	ssyncset.done $0x0  }
0x102: {  	[sflag:s16] =	ssyncadd.s32 $0xFFFFEC78  }
0x103: {  	_ =	swait.ge [sflag:s16], $0x1388  }
0x104: {  	[sflag:s16] =	ssyncset.done $0x0  }
0x105: {  	s23 =	simm.s32 $0x8C00;
	[sflag:s16] =	ssyncadd.s32 $0xFFFFEC78  }
0x106: {  	[spmem:s5] =	stream.indirect.scatter.add.f32 [tilespmem:s1], [sflag:$0xC], $0x1, s23, s26, $0xb8;
	[tilespmem:$0x1BA40] =	vst v63  }
0x107: {  	_ = 	snop  }
0x108: {  	[spmem:s21] =	stream.indirect.scatter.add.f32 [tilespmem:s25], [sflag:$0xC], $0x1, s23, s26, $0xb8;
	[tilespmem:$0x1BA40] =	vst v63  }
0x109: {  	_ =	swait.ge [sflag:s17], $0x1388  }
0x10a: {  	[sflag:s17] =	ssyncset.done $0x0  }
0x10b: {  	[sflag:s17] =	ssyncadd.s32 $0xFFFFEC78  }
0x10c: {  	_ =	swait.ge [sflag:s17], $0x1388  }
0x10d: {  	[sflag:s17] =	ssyncset.done $0x0  }
0x10e: {  	[sflag:s17] =	ssyncadd.s32 $0xFFFFEC78  }
0x10f: {  	_ =	swait.ge [sflag:s28], $0x1388  }
0x110: {  	[sflag:s28] =	ssyncset.done $0x0  }
0x111: {  	[sflag:s28] =	ssyncadd.s32 $0xFFFFEC78  }
0x112: {  	_ =	swait.ge [sflag:s28], $0x1388  }
0x113: {  	[sflag:s28] =	ssyncset.done $0x0  }
0x114: {  	[sflag:s28] =	ssyncadd.s32 $0xFFFFEC78  }
0x115: {  	_ =	swait.ge [sflag:s29], $0x1388  }
0x116: {  	[sflag:s29] =	ssyncset.done $0x0  }
0x117: {  	[sflag:s29] =	ssyncadd.s32 $0xFFFFEC78  }
0x118: {  	_ =	swait.ge [sflag:s29], $0x1388  }
0x119: {  	[sflag:s29] =	ssyncset.done $0x0  }
0x11a: {  	p0 =	sne.s32 s0, $0x57E4;
	s1 =	simm.s32 $0xC;
	[sflag:s29] =	ssyncadd.s32 $0xFFFFEC78  }
.Ltmp1:
0x11b: {  	_ =	swait.ge [sflag:s1], $0x1388;
	(pc) =	sbr.rel @p0 .LBB2_4-.Ltmp1, $4  }
0x11c: {  	[sflag:s1] =	ssyncset.done $0x0  }
0x11d: {  	s0 =	sadd.s32 $0x9C4, s0;
	[sflag:s1] =	ssyncadd.s32 $0xFFFFEC78  }
0x11e: {  	s19 =	simm.s32 $0x1400;
	s18 =	simm.s32 $0x5000;
	_ =	swait.ge [sflag:s1], $0x1388  }
0x11f: {  	s20 =	simm.s32 $0x7800;
	s7 =	rddreg [dreg:$0x8];
	[sflag:s1] =	ssyncset.done $0x0  }
0x120: {  	s0 =	rddreg [dreg:$0x7];
	[sflag:s1] =	ssyncadd.s32 $0xFFFFEC78;
	s7 =	sadd.s32 s31, s7  }
0x121: {  	[tilespmem:s6], [sflag:$0x1] =	stream.linear.gather [hbm4b:s7+s6], $0x1388, $0x38;
	[tilespmem:$0x1BA40] =	vst v63  }
0x122: {  	s25 =	rddreg [dreg:$0xe];
	s0 =	sadd.s32 s31, s0  }
0x123: {  	[tilespmem:s18], [sflag:$0x1] =	stream.linear.gather [hbm4b:s0+s6], $0x1388, $0x38;
	[tilespmem:$0x1BA40] =	vst v63  }
0x124: {  	s1 =	rddreg [dreg:$0xd];
	s7 =	sadd.s32 s31, s25  }
0x125: {  	[tilespmem:s19], [sflag:$0x2] =	stream.linear.gather [hbm4b:s7+s6], $0x1388, $0x38;
	[tilespmem:$0x1BA40] =	vst v63  }
0x126: {  	s22 =	rddreg [dreg:$0xc];
	s24 =	simm.s32 $0x6400;
	s0 =	sadd.s32 s31, s1  }
0x127: {  	[tilespmem:s24], [sflag:$0x2] =	stream.linear.gather [hbm4b:s0+s6], $0x1388, $0x38;
	[tilespmem:$0x1BA40] =	vst v63  }
0x128: {  	s25 =	rddreg [dreg:$0xb];
	s1 =	simm.s32 $0x2800;
	s7 =	sadd.s32 s31, s22  }
0x129: {  	[tilespmem:s1], [sflag:$0x3] =	stream.linear.gather [hbm4b:s7+s6], $0x1388, $0x38;
	[tilespmem:$0x1BA40] =	vst v63  }
0x12a: {  	s22 =	rddreg [dreg:$0xa];
	s0 =	sadd.s32 s31, s25  }
0x12b: {  	[tilespmem:s20], [sflag:$0x3] =	stream.linear.gather [hbm4b:s0+s6], $0x1388, $0x38;
	[tilespmem:$0x1BA40] =	vst v63  }
0x12c: {  	s25 =	rddreg [dreg:$0x9];
	s7 =	sadd.s32 s31, s22;
	s22 =	simm.s32 $0x3C00  }
0x12d: {  	[tilespmem:s22], [sflag:$0x4] =	stream.linear.gather [hbm4b:s7+s6], $0x1388, $0x38;
	[tilespmem:$0x1BA40] =	vst v63  }
0x12e: {  	s0 =	sadd.s32 s31, s25  }
0x12f: {  	[tilespmem:s23], [sflag:$0x4] =	stream.linear.gather [hbm4b:s0+s6], $0x1388, $0x38;
	[tilespmem:$0x1BA40] =	vst v63  }
0x130: {  	_ =	swait.ge [sflag:s30], $0x1388  }
0x131: {  	[sflag:s30] =	ssyncset.done $0x0  }
0x132: {  	[sflag:s30] =	ssyncadd.s32 $0xFFFFEC78  }
0x133: {  	_ =	swait.ge [sflag:s30], $0x1388  }
0x134: {  	[sflag:s30] =	ssyncset.done $0x0  }
0x135: {  	[sflag:s30] =	ssyncadd.s32 $0xFFFFEC78  }
0x136: {  	[tilespmem:s8], [sflag:$0x5] =	stream.indirect.gather [spmem:s2], $0x1, s6, s26, $0xb8;
	[tilespmem:$0x1BA40] =	vst v63  }
0x137: {  	_ = 	snop  }
0x138: {  	[tilespmem:s10], [sflag:$0x5] =	stream.indirect.gather [spmem:s3], $0x1, s6, s26, $0xb8;
	[tilespmem:$0x1BA40] =	vst v63  }
0x139: {  	_ =	swait.ge [sflag:s4], $0x1388  }
0x13a: {  	[sflag:s4] =	ssyncset.done $0x0  }
0x13b: {  	[sflag:s4] =	ssyncadd.s32 $0xFFFFEC78  }
0x13c: {  	_ =	swait.ge [sflag:s4], $0x1388  }
0x13d: {  	[sflag:s4] =	ssyncset.done $0x0  }
0x13e: {  	[sflag:s4] =	ssyncadd.s32 $0xFFFFEC78  }
0x13f: {  	[tilespmem:s14], [sflag:$0x6] =	stream.indirect.gather [spmem:s2], $0x1, s19, s26, $0xb8;
	[tilespmem:$0x1BA40] =	vst v63  }
0x140: {  	s0 =	simm.s32 $0x10400  }
0x141: {  	[tilespmem:s0], [sflag:$0x6] =	stream.indirect.gather [spmem:s3], $0x1, s19, s26, $0xb8;
	[tilespmem:$0x1BA40] =	vst v63  }
0x142: {  	_ =	swait.ge [sflag:s9], $0x1388  }
0x143: {  	[sflag:s9] =	ssyncset.done $0x0  }
0x144: {  	[sflag:s9] =	ssyncadd.s32 $0xFFFFEC78  }
0x145: {  	_ =	swait.ge [sflag:s9], $0x1388  }
0x146: {  	[sflag:s9] =	ssyncset.done $0x0  }
0x147: {  	s7 =	simm.s32 $0xC800;
	[sflag:s9] =	ssyncadd.s32 $0xFFFFEC78  }
0x148: {  	[tilespmem:s7], [sflag:$0x7] =	stream.indirect.gather [spmem:s2], $0x1, s1, s26, $0xb8;
	[tilespmem:$0x1BA40] =	vst v63  }
0x149: {  	s20 =	simm.s32 $0x11800  }
0x14a: {  	[tilespmem:s20], [sflag:$0x7] =	stream.indirect.gather [spmem:s3], $0x1, s1, s26, $0xb8;
	[tilespmem:$0x1BA40] =	vst v63  }
0x14b: {  	_ =	swait.ge [sflag:s15], $0x1388  }
0x14c: {  	[sflag:s15] =	ssyncset.done $0x0  }
0x14d: {  	[sflag:s15] =	ssyncadd.s32 $0xFFFFEC78  }
0x14e: {  	_ =	swait.ge [sflag:s15], $0x1388  }
0x14f: {  	[sflag:s15] =	ssyncset.done $0x0  }
0x150: {  	s1 =	simm.s32 $0xDC00;
	[sflag:s15] =	ssyncadd.s32 $0xFFFFEC78  }
0x151: {  	[tilespmem:s1], [sflag:$0x8] =	stream.indirect.gather [spmem:s2], $0x1, s22, s26, $0xb8;
	[tilespmem:$0x1BA40] =	vst v63  }
0x152: {  	s25 =	simm.s32 $0x12C00  }
0x153: {  	[tilespmem:s25], [sflag:$0x8] =	stream.indirect.gather [spmem:s3], $0x1, s22, s26, $0xb8;
	[tilespmem:$0x1BA40] =	vst v63  }
0x154: {  	_ =	swait.ge [sflag:s13], $0x1388  }
0x155: {  	[sflag:s13] =	ssyncset.done $0x0  }
0x156: {  	[sflag:s13] =	ssyncadd.s32 $0xFFFFEC78  }
0x157: {  	_ =	swait.ge [sflag:s13], $0x1388  }
0x158: {  	[sflag:s13] =	ssyncset.done $0x0  }
0x159: {  	[sflag:s13] =	ssyncadd.s32 $0xFFFFEC78  }
0x15a: {  	[spmem:s5] =	stream.indirect.scatter.add.f32 [tilespmem:s8], [sflag:$0x9], $0x1, s18, s26, $0xb8;
	[tilespmem:$0x1BA40] =	vst v63  }
0x15b: {  	_ = 	snop  }
0x15c: {  	[spmem:s21] =	stream.indirect.scatter.add.f32 [tilespmem:s10], [sflag:$0x9], $0x1, s18, s26, $0xb8;
	[tilespmem:$0x1BA40] =	vst v63  }
0x15d: {  	_ =	swait.ge [sflag:s11], $0x1388  }
0x15e: {  	[sflag:s11] =	ssyncset.done $0x0  }
0x15f: {  	[sflag:s11] =	ssyncadd.s32 $0xFFFFEC78  }
0x160: {  	_ =	swait.ge [sflag:s11], $0x1388  }
0x161: {  	[sflag:s11] =	ssyncset.done $0x0  }
0x162: {  	[sflag:s11] =	ssyncadd.s32 $0xFFFFEC78  }
0x163: {  	[spmem:s5] =	stream.indirect.scatter.add.f32 [tilespmem:s14], [sflag:$0xA], $0x1, s24, s26, $0xb8;
	[tilespmem:$0x1BA40] =	vst v63  }
0x164: {  	_ = 	snop  }
0x165: {  	[spmem:s21] =	stream.indirect.scatter.add.f32 [tilespmem:s0], [sflag:$0xA], $0x1, s24, s26, $0xb8;
	[tilespmem:$0x1BA40] =	vst v63  }
0x166: {  	_ =	swait.ge [sflag:s12], $0x1388  }
0x167: {  	[sflag:s12] =	ssyncset.done $0x0  }
0x168: {  	[sflag:s12] =	ssyncadd.s32 $0xFFFFEC78  }
0x169: {  	_ =	swait.ge [sflag:s12], $0x1388  }
0x16a: {  	[sflag:s12] =	ssyncset.done $0x0  }
0x16b: {  	s23 =	simm.s32 $0x7800;
	[sflag:s12] =	ssyncadd.s32 $0xFFFFEC78  }
0x16c: {  	[spmem:s5] =	stream.indirect.scatter.add.f32 [tilespmem:s7], [sflag:$0xB], $0x1, s23, s26, $0xb8;
	[tilespmem:$0x1BA40] =	vst v63  }
0x16d: {  	_ = 	snop  }
0x16e: {  	[spmem:s21] =	stream.indirect.scatter.add.f32 [tilespmem:s20], [sflag:$0xB], $0x1, s23, s26, $0xb8;
	[tilespmem:$0x1BA40] =	vst v63  }
0x16f: {  	_ =	swait.ge [sflag:s16], $0x1388  }
0x170: {  	[sflag:s16] =	ssyncset.done $0x0  }
0x171: {  	[sflag:s16] =	ssyncadd.s32 $0xFFFFEC78  }
0x172: {  	_ =	swait.ge [sflag:s16], $0x1388  }
0x173: {  	[sflag:s16] =	ssyncset.done $0x0  }
0x174: {  	s23 =	simm.s32 $0x8C00;
	[sflag:s16] =	ssyncadd.s32 $0xFFFFEC78  }
0x175: {  	[spmem:s5] =	stream.indirect.scatter.add.f32 [tilespmem:s1], [sflag:$0xC], $0x1, s23, s26, $0xb8;
	[tilespmem:$0x1BA40] =	vst v63  }
0x176: {  	_ = 	snop  }
0x177: {  	[spmem:s21] =	stream.indirect.scatter.add.f32 [tilespmem:s25], [sflag:$0xC], $0x1, s23, s26, $0xb8;
	[tilespmem:$0x1BA40] =	vst v63  }
0x178: {  	_ =	swait.ge [sflag:s17], $0x1388  }
0x179: {  	[sflag:s17] =	ssyncset.done $0x0  }
0x17a: {  	[sflag:s17] =	ssyncadd.s32 $0xFFFFEC78  }
0x17b: {  	_ =	swait.ge [sflag:s17], $0x1388  }
0x17c: {  	[sflag:s17] =	ssyncset.done $0x0  }
0x17d: {  	[sflag:s17] =	ssyncadd.s32 $0xFFFFEC78  }
0x17e: {  	_ =	swait.ge [sflag:s28], $0x1388  }
0x17f: {  	[sflag:s28] =	ssyncset.done $0x0  }
0x180: {  	[sflag:s28] =	ssyncadd.s32 $0xFFFFEC78  }
0x181: {  	_ =	swait.ge [sflag:s28], $0x1388  }
0x182: {  	[sflag:s28] =	ssyncset.done $0x0  }
0x183: {  	[sflag:s28] =	ssyncadd.s32 $0xFFFFEC78  }
0x184: {  	_ =	swait.ge [sflag:s29], $0x1388  }
0x185: {  	[sflag:s29] =	ssyncset.done $0x0  }
0x186: {  	[sflag:s29] =	ssyncadd.s32 $0xFFFFEC78  }
0x187: {  	_ =	swait.ge [sflag:s29], $0x1388  }
0x188: {  	[sflag:s29] =	ssyncset.done $0x0  }
0x189: {  	s1 =	simm.s32 $0xC;
	[sflag:s29] =	ssyncadd.s32 $0xFFFFEC78  }
0x18a: {  	_ =	swait.ge [sflag:s1], $0x1388  }
0x18b: {  	[sflag:s1] =	ssyncset.done $0x0  }
0x18c: {  	[sflag:s1] =	ssyncadd.s32 $0xFFFFEC78  }
0x18d: {  	_ =	swait.ge [sflag:s1], $0x1388  }
0x18e: {  	[sflag:s1] =	ssyncset.done $0x0  }
0x18f: {  	[sflag:s1] =	ssyncadd.s32 $0xFFFFEC78  }
0x190: {  	[bflag:$0x0] =	sbarrier.arrive $0xFFFF  }
0x191: {  	s8 =	simm.s32 $0x14000;
	s10 =	simm.s32 $0xD;
	s14 =	rddreg [dreg:$0x13]  }
0x192: {  	[tilespmem:s8], [sflag:$0xD] =	stream.linear.gather [spmem:s14], $0x1870, $0x38;
	[tilespmem:$0x1BA40] =	vst v63  }
0x193: {  	_ =	swait.ge [sflag:s10], $0x1870  }
0x194: {  	[sflag:s10] =	ssyncset.done $0x0  }
0x195: {  	s7 =	rddreg [dreg:$0x15];
	[sflag:s10] =	ssyncadd.s32 $0xFFFFE790  }
0x196: {  	[hbm4b:s7+s6] =	stream.linear.scatter [tilespmem:s8], [sflag:$0xD], $0x1870, $0x38;
	[tilespmem:$0x1BA40] =	vst v63  }
0x197: {  	_ =	swait.ge [sflag:s10], $0x1870  }
0x198: {  	[sflag:s10] =	ssyncset.done $0x0  }
0x199: {  	s31 =	rddreg [dreg:$0x14];
	[sflag:s10] =	ssyncadd.s32 $0xFFFFE790  }
0x19a: {  	[tilespmem:s8], [sflag:$0xD] =	stream.linear.gather [spmem:s31], $0x1870, $0x38;
	[tilespmem:$0x1BA40] =	vst v63  }
0x19b: {  	_ =	swait.ge [sflag:s10], $0x1870  }
0x19c: {  	[sflag:s10] =	ssyncset.done $0x0  }
0x19d: {  	s22 =	rddreg [dreg:$0x16];
	[sflag:s10] =	ssyncadd.s32 $0xFFFFE790  }
0x19e: {  	[hbm4b:s22+s6] =	stream.linear.scatter [tilespmem:s8], [sflag:$0xD], $0x1870, $0x38;
	[tilespmem:$0x1BA40] =	vst v63  }
0x19f: {  	_ =	swait.ge [sflag:s10], $0x1870  }
0x1a0: {  	s24 =	rddreg [dreg:$0x18]  }
0x1a1: {  	s25 =	rddreg [dreg:$0x17];
	s7 =	sadd.s32 $0x1, s24  }
0x1a2: {  	p0 =	sne.s32 s7, s25  }
.Ltmp2:
0x1a3: {  	_ = 	snop;
	(pc) =	sbr.rel @p0 .LBB2_1-.Ltmp2, $3  }
0x1a4: {  	_ =	sdelay $0x1  }
0x1a5: {  	[sflag:s10] =	ssyncset.done $0x0  }
0x1a6: {  	s20 =	simm.s32 $0x7800;
	[sflag:s10] =	ssyncadd.s32 $0xFFFFE790  }
0x1a7: {  	_ =	sfence.sel $0x180000  }
0x1a8: {  	[bflag:$0x0] =	sbarrier.arrive $0xFFFF  }
0x1a9: {  	_ =	strace $0x9000004A  }
0x1aa: {  	s0 =	stileid.u32;
	[bflag:$0x2] =	sbarrier.arrive $0xFFFF  }
0x1ab: {  	p0 =	sne.s32 s0, $0x0;
	s0 =	rddreg [dreg:$0x6]  }
0x1ac: {  	s0 =	sadd.s32 @!p0 $0x100000, s0  }
0x1ad: {  	[sflag:s0] =	ssyncadd.tile.s32 @!p0 $0x1;
	_ =	shalt  }
.Lfunc_end2:
_tile_overlayer_lowered:
.L_overlay_start_2:
0x1ae: {  	(tag) =	ssettag $0x2  }
0x1af: {  	s0 =	rddreg [dreg:$0x0];
	s2 =	stileid.u32  }
0x1b0: {  	s1 =	rddreg [dreg:$0x1];
	p0 =	sne.s32 s2, $0x0  }
0x1b1: {  	s3 =	rddreg [dreg:$0x2];
	[bflag:$0x3] =	sbarrier.arrive $0xFFFF;
	s2 =	simm.s32 @!p0 $0x1C0D  }
0x1b2: {  	[timem:s3], [sflag:s2] =	dma.local @!p0 [hbm:s0], s1  }
0x1b3: {  	s0 =	simm.s32 @!p0 $0xD  }
0x1b4: {  	_ =	swait.ge @!p0 [sflag:s0], s1  }
0x1b5: {  	s1 =	ssub.s32 @!p0 $0x0, s1;
	[sflag:s0] =	ssyncset.done @!p0 $0x0  }
0x1b6: {  	[sflag:s0] =	ssyncadd.s32 @!p0 s1  }
0x1b7: {  	[bflag:$0x3] =	sbarrier.arrive $0xFFFF  }
0x1b8: {  	_ =	shalt  }

</sc_bundles>
